<compile_context>
chip_gen: v7x
topology: tpu7x:2x2x1
jax: 0.10.2.dev20260603
libtpu: 0.0.44.dev20260713+nightly
codegen_flags: <defaults>
</compile_context>

<pallas_src>
import functools

import jax
import jax.numpy as jnp
from jax import lax
from jax.experimental import pallas as pl
from jax.experimental.pallas import tpu as pltpu
from jax.experimental.pallas import tpu_sc as plsc

N = 10000
E = 320000
F = 128
C = 64
NC = 2
NS = 16
NW = NC * NS
EPW = E // NW
CH = 80
NCHUNK = EPW // CH
NPAD = N
RPS = N // NS
RCH = 125
DEGW = 16

_mesh = plsc.VectorSubcoreMesh(core_axis_name="c", subcore_axis_name="s")
_sc_params = pltpu.CompilerParams(use_tc_tiling_on_sc=False)


def _fill_f32(ref, rows, cols, value):
    v = jnp.full((16,), value, jnp.float32)
    per_row = cols // 16

    @pl.loop(0, rows * per_row)
    def _(k):
        i = k // per_row
        j = k % per_row
        ref[i, pl.ds(j * 16, 16)] = v


def _deg_body(ei4_hbm, degp_hbm, didx, ones_v, stage_v, d0, d1, d2, d3, acc):
    cid = lax.axis_index("c")
    sid = lax.axis_index("s")
    wid = sid * NC + cid

    _fill_f32(stage_v, RCH, DEGW, 0.0)
    for t in range(RPS // RCH):
        pltpu.sync_copy(stage_v, acc.at[pl.ds((sid * (RPS // RCH) + t) * RCH, RCH)])
    _fill_f32(ones_v, CH, DEGW, 1.0)
    pltpu.sync_copy(ei4_hbm.at[1, wid], didx)
    plsc.subcore_barrier()

    ssem = (d0, d1, d2, d3)
    NQ4 = NCHUNK // 4

    def fire_s(j, b):
        pltpu.async_copy(ones_v, acc.at[didx.at[j]], ssem[b], add=True)

    def wait_s(j, b):
        pltpu.make_async_copy(ones_v, acc.at[didx.at[j]], ssem[b]).wait()

    for b in range(4):
        fire_s(b, b)

    @pl.loop(1, NQ4)
    def _(q):
        j0 = 4 * q
        for b in range(4):
            wait_s(j0 + b - 4, b)
            fire_s(j0 + b, b)

    for b in range(4):
        wait_s(4 * NQ4 - 4 + b, b)
    for j in range(4 * NQ4, NCHUNK):
        pltpu.sync_copy(ones_v, acc.at[didx.at[j]], add=True)

    plsc.subcore_barrier()
    for t in range(RPS // RCH):
        r0 = (sid * (RPS // RCH) + t) * RCH
        pltpu.sync_copy(acc.at[pl.ds(r0, RCH)], stage_v)
        pltpu.sync_copy(stage_v, degp_hbm.at[cid, pl.ds(r0, RCH)])


_deg_call = functools.partial(
    pl.kernel,
    out_type=jax.ShapeDtypeStruct((NC, N, DEGW), jnp.float32),
    mesh=_mesh,
    scratch_types=[
        pltpu.VMEM((NCHUNK, CH), jnp.int32),
        pltpu.VMEM((CH, DEGW), jnp.float32),
        pltpu.VMEM((RCH, DEGW), jnp.float32),
        pltpu.SemaphoreType.DMA,
        pltpu.SemaphoreType.DMA,
        pltpu.SemaphoreType.DMA,
        pltpu.SemaphoreType.DMA,
        pltpu.VMEM_SHARED((NPAD, DEGW), jnp.float32),
    ],
    compiler_params=_sc_params,
)(_deg_body)


def _agg_body(ei4_hbm, hp_hbm, aggp_hbm, sidx, didx,
              rows0, rows1, rows2, rows3, rows4, stage_v,
              g0, g1, g2, g3, g4, s0, s1, s2, s3, s4, acc):
    cid = lax.axis_index("c")
    sid = lax.axis_index("s")
    wid = sid * NC + cid
    rows = (rows0, rows1, rows2, rows3, rows4)
    gsem = (g0, g1, g2, g3, g4)
    ssem = (s0, s1, s2, s3, s4)
    NQ = NCHUNK // 5

    def fire_g(j, b):
        pltpu.async_copy(hp_hbm.at[sidx.at[j]], rows[b], gsem[b])

    def wait_g(j, b):
        pltpu.make_async_copy(hp_hbm.at[sidx.at[j]], rows[b], gsem[b]).wait()

    def fire_s(j, b):
        pltpu.async_copy(rows[b], acc.at[didx.at[j]], ssem[b], add=True)

    def wait_s(j, b):
        pltpu.make_async_copy(rows[b], acc.at[didx.at[j]], ssem[b]).wait()

    _fill_f32(stage_v, RCH, C, 0.0)
    for t in range(RPS // RCH):
        pltpu.sync_copy(stage_v, acc.at[pl.ds((sid * (RPS // RCH) + t) * RCH, RCH)])
    pltpu.sync_copy(ei4_hbm.at[0, wid], sidx)
    pltpu.sync_copy(ei4_hbm.at[1, wid], didx)
    plsc.subcore_barrier()

    fire_g(0, 0)
    fire_g(1, 1)
    for j in range(5):
        wait_g(j, j)
        fire_s(j, j)
        if j >= 3:
            wait_s(j - 3, j - 3)
        fire_g(j + 2, (j + 2) % 5)

    @pl.loop(1, NQ)
    def _(q):
        j0 = 5 * q
        for b in range(5):
            j = j0 + b
            wait_g(j, b)
            fire_s(j, b)
            wait_s(j - 3, (b + 2) % 5)

            @pl.when(j + 2 < NCHUNK)
            def _():
                fire_g(j + 2, (b + 2) % 5)

    wait_s(NCHUNK - 3, (NCHUNK - 3) % 5)
    wait_s(NCHUNK - 2, (NCHUNK - 2) % 5)
    wait_s(NCHUNK - 1, (NCHUNK - 1) % 5)

    plsc.subcore_barrier()
    for t in range(RPS // RCH):
        r0 = (sid * (RPS // RCH) + t) * RCH
        pltpu.sync_copy(acc.at[pl.ds(r0, RCH)], stage_v)
        pltpu.sync_copy(stage_v, aggp_hbm.at[cid, pl.ds(r0, RCH)])


_agg_call = functools.partial(
    pl.kernel,
    out_type=jax.ShapeDtypeStruct((NC, N, C), jnp.float32),
    mesh=_mesh,
    scratch_types=[
        pltpu.VMEM((NCHUNK, CH), jnp.int32),
        pltpu.VMEM((NCHUNK, CH), jnp.int32),
        pltpu.VMEM((CH, C), jnp.float32),
        pltpu.VMEM((CH, C), jnp.float32),
        pltpu.VMEM((CH, C), jnp.float32),
        pltpu.VMEM((CH, C), jnp.float32),
        pltpu.VMEM((CH, C), jnp.float32),
        pltpu.VMEM((RCH, C), jnp.float32),
        pltpu.SemaphoreType.DMA,
        pltpu.SemaphoreType.DMA,
        pltpu.SemaphoreType.DMA,
        pltpu.SemaphoreType.DMA,
        pltpu.SemaphoreType.DMA,
        pltpu.SemaphoreType.DMA,
        pltpu.SemaphoreType.DMA,
        pltpu.SemaphoreType.DMA,
        pltpu.SemaphoreType.DMA,
        pltpu.SemaphoreType.DMA,
        pltpu.VMEM_SHARED((NPAD, C), jnp.float32),
    ],
    compiler_params=_sc_params,
)(_agg_body)


BLK = 10000


def _mm_body(x_ref, w_ref, degp_ref, hp_ref):
    d = degp_ref[...]
    deg = 1.0 + d[0, :, 0:1] + d[1, :, 0:1]
    dinv = lax.rsqrt(deg)
    h = jnp.dot(x_ref[...], w_ref[...], preferred_element_type=jnp.float32)
    hp_ref[...] = h * dinv


_mm_call = pl.pallas_call(
    _mm_body,
    grid=(N // BLK,),
    in_specs=[
        pl.BlockSpec((BLK, F), lambda i: (i, 0)),
        pl.BlockSpec((F, C), lambda i: (0, 0)),
        pl.BlockSpec((NC, BLK, DEGW), lambda i: (0, i, 0)),
    ],
    out_specs=pl.BlockSpec((BLK, C), lambda i: (i, 0)),
    out_shape=jax.ShapeDtypeStruct((N, C), jnp.float32),
)


def _fin_body(aggp_ref, hp_ref, degp_ref, b_ref, o_ref):
    d = degp_ref[...]
    deg = 1.0 + d[0, :, 0:1] + d[1, :, 0:1]
    dinv = lax.rsqrt(deg)
    a = aggp_ref[...]
    pre = dinv * (a[0] + a[1] + hp_ref[...]) + b_ref[...]
    m = jnp.max(pre, axis=1, keepdims=True)
    z = pre - m
    lse = jnp.log(jnp.sum(jnp.exp(z), axis=1, keepdims=True))
    o_ref[...] = z - lse


_fin_call = pl.pallas_call(
    _fin_body,
    grid=(N // BLK,),
    in_specs=[
        pl.BlockSpec((NC, BLK, C), lambda i: (0, i, 0)),
        pl.BlockSpec((BLK, C), lambda i: (i, 0)),
        pl.BlockSpec((NC, BLK, DEGW), lambda i: (0, i, 0)),
        pl.BlockSpec((1, C), lambda i: (0, 0)),
    ],
    out_specs=pl.BlockSpec((BLK, C), lambda i: (i, 0)),
    out_shape=jax.ShapeDtypeStruct((N, C), jnp.float32),
)


def kernel(x, edge_index, W, b):
    ei4 = edge_index.reshape(2, NW, NCHUNK, CH)
    degp = _deg_call(ei4)
    hp = _mm_call(x, W, degp)
    aggp = _agg_call(ei4, hp)
    return _fin_call(aggp, hp, degp, b.reshape(1, C))

# --- scband reference (transcript-rebuilt; emitter-appended) ---
"""Pipeline reference for scband-gcnmodel-60086592471688 (READ-ONLY COPY).

The authoritative reference and input builder live on the scoring server;
editing this copy changes nothing except your own understanding.
"""

import jax, jax.numpy as jnp
import numpy as np

N_NODES = 10000
N_EDGES = 320000
F_IN = 128
N_CLASSES = 64


def setup_inputs(seed: int = 0) -> dict:
    key = jax.random.key(seed)
    k1, k2, k3, k4 = jax.random.split(key, 4)
    x = jax.random.normal(k1, (N_NODES, F_IN), dtype=jnp.float32)
    edge_index = jax.random.randint(k2, (2, N_EDGES), 0, N_NODES, dtype=jnp.int32)
    # GCNConv learned parameters: weight [F_IN, N_CLASSES] (glorot), bias [N_CLASSES] (zeros)
    limit = float(np.sqrt(6.0 / (F_IN + N_CLASSES)))
    W = jax.random.uniform(k3, (F_IN, N_CLASSES), minval=-limit, maxval=limit, dtype=jnp.float32)
    b = jnp.zeros((N_CLASSES,), dtype=jnp.float32)
    return {"x": x, "edge_index": edge_index, "W": W, "b": b}


def reference(x, edge_index, W, b):
    # GCNConv (PyG semantics): add self-loops, symmetric normalization
    # out = D^{-1/2} (A + I) D^{-1/2} (x @ W) + b, then log_softmax
    n = x.shape[0]
    src = edge_index[0]
    dst = edge_index[1]
    loop = jnp.arange(n, dtype=src.dtype)
    src = jnp.concatenate([src, loop])
    dst = jnp.concatenate([dst, loop])
    ones = jnp.ones(dst.shape, dtype=x.dtype)
    deg = jax.ops.segment_sum(ones, dst, num_segments=n)
    deg_inv_sqrt = jnp.where(deg > 0, jax.lax.rsqrt(jnp.maximum(deg, 1e-12)), 0.0)
    norm = deg_inv_sqrt[src] * deg_inv_sqrt[dst]
    h = x @ W
    msgs = h[src] * norm[:, None]
    aggregated = jax.ops.segment_sum(msgs, dst, num_segments=n)
    out = aggregated + b
    return jax.nn.log_softmax(out, axis=1)

if __name__ == "__main__":
    import jax
    _d = setup_inputs()
    print(jax.jit(kernel)(*tuple(_d.values())))

</pallas_src>

<mosaic_0001>
#map = affine_map<(d0, d1) -> (0, 0, 0, 0)>
#map1 = affine_map<(d0, d1) -> (0, 0)>
#map2 = affine_map<(d0, d1) -> (0, 0, 0)>
module attributes {stable_mosaic.version = 14 : i64} {
  func.func @_agg_body(%arg0: i32, %arg1: i32, %arg2: memref<2x32x125x80xi32, #tpu.memory_space<hbm>>, %arg3: memref<10000x64xf32, #tpu.memory_space<hbm>>, %arg4: memref<2x10000x64xf32, #tpu.memory_space<hbm>>, %arg5: memref<125x80xi32, #tpu.memory_space<vmem>>, %arg6: memref<125x80xi32, #tpu.memory_space<vmem>>, %arg7: memref<80x64xf32, #tpu.memory_space<vmem>>, %arg8: memref<80x64xf32, #tpu.memory_space<vmem>>, %arg9: memref<80x64xf32, #tpu.memory_space<vmem>>, %arg10: memref<80x64xf32, #tpu.memory_space<vmem>>, %arg11: memref<80x64xf32, #tpu.memory_space<vmem>>, %arg12: memref<125x64xf32, #tpu.memory_space<vmem>>, %arg13: memref<!tpu.dma_semaphore, #tpu.memory_space<semaphore_mem>>, %arg14: memref<!tpu.dma_semaphore, #tpu.memory_space<semaphore_mem>>, %arg15: memref<!tpu.dma_semaphore, #tpu.memory_space<semaphore_mem>>, %arg16: memref<!tpu.dma_semaphore, #tpu.memory_space<semaphore_mem>>, %arg17: memref<!tpu.dma_semaphore, #tpu.memory_space<semaphore_mem>>, %arg18: memref<!tpu.dma_semaphore, #tpu.memory_space<semaphore_mem>>, %arg19: memref<!tpu.dma_semaphore, #tpu.memory_space<semaphore_mem>>, %arg20: memref<!tpu.dma_semaphore, #tpu.memory_space<semaphore_mem>>, %arg21: memref<!tpu.dma_semaphore, #tpu.memory_space<semaphore_mem>>, %arg22: memref<!tpu.dma_semaphore, #tpu.memory_space<semaphore_mem>>, %arg23: memref<10000x64xf32, #tpu.memory_space<vmem_shared>>) attributes {dimension_semantics = [#tpu.dimension_semantics<core_parallel>, #tpu.dimension_semantics<subcore_parallel>], iteration_bounds = array<i64: 2, 16>, scalar_prefetch = 0 : i64, scratch_operands = 19 : i64, tpu.core_type = #tpu.core_type<sc_vector_subcore>, window_params = [{transform_indices = #map}, {transform_indices = #map1}, {transform_indices = #map2}]} {
    %mul3A = arith.constant 2 : i32
    %mul3A_0 = arith.muli %arg1, %mul3A : i32
    %add3A = arith.addi %mul3A_0, %arg0 : i32
    %broadcast_in_dim3A = arith.constant 0.000000e+00 : f32
    %broadcast_in_dim3A_1 = vector.broadcast %broadcast_in_dim3A : f32 to vector<16xf32>
    %scan3A = arith.constant 0 : i32
    %scan3A_2 = arith.constant 500 : i32
    %scan3A_3 = arith.addi %scan3A, %scan3A_2 : i32
    %scan3A_4 = arith.constant 1 : i32
    scf.for %scan3A_225 = %scan3A to %scan3A_3 step %scan3A_4  : i32 {
      %mul3A_226 = arith.constant 1 : i32
      %mul3A_227 = arith.muli %scan3A_225, %mul3A_226 : i32
      %add3A_228 = arith.constant 0 : i32
      %add3A_229 = arith.addi %add3A_228, %mul3A_227 : i32
      %jit3A = arith.constant 4 : i32
      %div3A = arith.divsi %add3A_229, %jit3A : i32
      %sign3A = arith.constant 0 : i32
      %sign3A_230 = arith.cmpi sgt, %add3A_229, %sign3A : i32
      %sign3A_231 = arith.extui %sign3A_230 : i1 to i32
      %sign3A_232 = arith.constant 0 : i32
      %sign3A_233 = arith.cmpi slt, %add3A_229, %sign3A_232 : i32
      %sign3A_234 = arith.extui %sign3A_233 : i1 to i32
      %sign3A_235 = arith.subi %sign3A_231, %sign3A_234 : i32
      %sign3A_236 = arith.constant 0 : i32
      %sign3A_237 = arith.cmpi sgt, %jit3A, %sign3A_236 : i32
      %sign3A_238 = arith.extui %sign3A_237 : i1 to i32
      %sign3A_239 = arith.constant 0 : i32
      %sign3A_240 = arith.cmpi slt, %jit3A, %sign3A_239 : i32
      %sign3A_241 = arith.extui %sign3A_240 : i1 to i32
      %sign3A_242 = arith.subi %sign3A_238, %sign3A_241 : i32
      %ne3A = arith.cmpi ne, %sign3A_235, %sign3A_242 : i32
      %rem3A = arith.remsi %add3A_229, %jit3A : i32
      %ne3A_243 = arith.constant 0 : i32
      %ne3A_244 = arith.cmpi ne, %rem3A, %ne3A_243 : i32
      %and3A = arith.andi %ne3A, %ne3A_244 : i1
      %sub3A = arith.constant 1 : i32
      %sub3A_245 = arith.subi %div3A, %sub3A : i32
      %select_n3A = arith.select %and3A, %sub3A_245, %div3A : i32
      %jit3A_246 = arith.constant 4 : i32
      %eq3A = arith.constant 0 : i32
      %eq3A_247 = arith.cmpi eq, %jit3A_246, %eq3A : i32
      %jit3A_248 = arith.constant 1 : i32
      %select_n3A_249 = arith.select %eq3A_247, %jit3A_248, %jit3A_246 : i32
      %rem3A_250 = arith.remsi %add3A_229, %select_n3A_249 : i32
      %ne3A_251 = arith.constant 0 : i32
      %ne3A_252 = arith.cmpi ne, %rem3A_250, %ne3A_251 : i32
      %lt3A = arith.constant 0 : i32
      %lt3A_253 = arith.cmpi slt, %rem3A_250, %lt3A : i32
      %lt3A_254 = arith.constant 0 : i32
      %lt3A_255 = arith.cmpi slt, %select_n3A_249, %lt3A_254 : i32
      %ne3A_256 = arith.xori %lt3A_253, %lt3A_255 : i1
      %and3A_257 = arith.andi %ne3A_256, %ne3A_252 : i1
      %add3A_258 = arith.addi %rem3A_250, %select_n3A_249 : i32
      %select_n3A_259 = arith.select %and3A_257, %add3A_258, %rem3A_250 : i32
      %mul3A_260 = arith.constant 16 : i32
      %mul3A_261 = arith.muli %select_n3A_259, %mul3A_260 : i32
      %swap3A = arith.index_cast %select_n3A : i32 to index
      %swap3A_262 = arith.index_cast %mul3A_261 : i32 to index
      %swap3A_263 = tpu.vector_load %arg12[%swap3A, %swap3A_262] {strides = array<i32>} : memref<125x64xf32, #tpu.memory_space<vmem>>, vector<1x16xf32>,
      %swap3A_264 = vector.shape_cast %swap3A_263 : vector<1x16xf32> to vector<16xf32>
      %swap3A_265 = vector.shape_cast %broadcast_in_dim3A_1 : vector<16xf32> to vector<1x16xf32>
      tpu.vector_store %arg12[%swap3A, %swap3A_262], %swap3A_265 {strides = array<i32>} : memref<125x64xf32, #tpu.memory_space<vmem>>, vector<1x16xf32>,
    }
    %scan3A_5 = arith.constant 500 : i32
    %mul3A_6 = arith.constant 5 : i32
    %mul3A_7 = arith.muli %arg1, %mul3A_6 : i32
    %add3A_8 = arith.constant 0 : i32
    %add3A_9 = arith.addi %mul3A_7, %add3A_8 : i32
    %mul3A_10 = arith.constant 125 : i32
    %mul3A_11 = arith.muli %add3A_9, %mul3A_10 : i32
    "tpu.region"() ({
      %run_scoped3A_225 = tpu.sem_alloc : memref<!tpu.dma_semaphore, #tpu.memory_space<semaphore_mem>>
      %dma_start3A_226 = arith.constant 0 : i32
      %dma_start3A_227 = tpu.memref_slice %arg23[%mul3A_11, %dma_start3A_226] : memref<10000x64xf32, #tpu.memory_space<vmem_shared>> -> memref<125x64xf32, #tpu.memory_space<vmem_shared>>
      %dma_start3A_228 = arith.constant 0 : i32
      %dma_start3A_229 = tpu.memref_slice %arg23[%mul3A_11, %dma_start3A_228] : memref<10000x64xf32, #tpu.memory_space<vmem_shared>> -> memref<125x64xf32, #tpu.memory_space<vmem_shared>>
      tpu.enqueue_dma source(%arg12 : memref<125x64xf32, #tpu.memory_space<vmem>>) target(%dma_start3A_229 : memref<125x64xf32, #tpu.memory_space<vmem_shared>>) target_semaphore(%run_scoped3A_225 : memref<!tpu.dma_semaphore, #tpu.memory_space<semaphore_mem>>)
      %dma_wait3A_230 = arith.constant 0 : i32
      %dma_wait3A_231 = tpu.memref_slice %arg23[%mul3A_11, %dma_wait3A_230] : memref<10000x64xf32, #tpu.memory_space<vmem_shared>> -> memref<125x64xf32, #tpu.memory_space<vmem_shared>>
      %dma_wait3A_232 = arith.constant 0 : i32
      %dma_wait3A_233 = tpu.memref_slice %arg23[%mul3A_11, %dma_wait3A_232] : memref<10000x64xf32, #tpu.memory_space<vmem_shared>> -> memref<125x64xf32, #tpu.memory_space<vmem_shared>>
      tpu.wait_dma2 semaphore(%run_scoped3A_225 : memref<!tpu.dma_semaphore, #tpu.memory_space<semaphore_mem>>) src(%arg12 : memref<125x64xf32, #tpu.memory_space<vmem>>) dst(%dma_wait3A_233 : memref<125x64xf32, #tpu.memory_space<vmem_shared>>)
      tpu.yield
    }) : () -> ()
    %mul3A_12 = arith.constant 5 : i32
    %mul3A_13 = arith.muli %arg1, %mul3A_12 : i32
    %add3A_14 = arith.constant 1 : i32
    %add3A_15 = arith.addi %mul3A_13, %add3A_14 : i32
    %mul3A_16 = arith.constant 125 : i32
    %mul3A_17 = arith.muli %add3A_15, %mul3A_16 : i32
    "tpu.region"() ({
      %run_scoped3A_225 = tpu.sem_alloc : memref<!tpu.dma_semaphore, #tpu.memory_space<semaphore_mem>>
      %dma_start3A_226 = arith.constant 0 : i32
      %dma_start3A_227 = tpu.memref_slice %arg23[%mul3A_17, %dma_start3A_226] : memref<10000x64xf32, #tpu.memory_space<vmem_shared>> -> memref<125x64xf32, #tpu.memory_space<vmem_shared>>
      %dma_start3A_228 = arith.constant 0 : i32
      %dma_start3A_229 = tpu.memref_slice %arg23[%mul3A_17, %dma_start3A_228] : memref<10000x64xf32, #tpu.memory_space<vmem_shared>> -> memref<125x64xf32, #tpu.memory_space<vmem_shared>>
      tpu.enqueue_dma source(%arg12 : memref<125x64xf32, #tpu.memory_space<vmem>>) target(%dma_start3A_229 : memref<125x64xf32, #tpu.memory_space<vmem_shared>>) target_semaphore(%run_scoped3A_225 : memref<!tpu.dma_semaphore, #tpu.memory_space<semaphore_mem>>)
      %dma_wait3A_230 = arith.constant 0 : i32
      %dma_wait3A_231 = tpu.memref_slice %arg23[%mul3A_17, %dma_wait3A_230] : memref<10000x64xf32, #tpu.memory_space<vmem_shared>> -> memref<125x64xf32, #tpu.memory_space<vmem_shared>>
      %dma_wait3A_232 = arith.constant 0 : i32
      %dma_wait3A_233 = tpu.memref_slice %arg23[%mul3A_17, %dma_wait3A_232] : memref<10000x64xf32, #tpu.memory_space<vmem_shared>> -> memref<125x64xf32, #tpu.memory_space<vmem_shared>>
      tpu.wait_dma2 semaphore(%run_scoped3A_225 : memref<!tpu.dma_semaphore, #tpu.memory_space<semaphore_mem>>) src(%arg12 : memref<125x64xf32, #tpu.memory_space<vmem>>) dst(%dma_wait3A_233 : memref<125x64xf32, #tpu.memory_space<vmem_shared>>)
      tpu.yield
    }) : () -> ()
    %mul3A_18 = arith.constant 5 : i32
    %mul3A_19 = arith.muli %arg1, %mul3A_18 : i32
    %add3A_20 = arith.constant 2 : i32
    %add3A_21 = arith.addi %mul3A_19, %add3A_20 : i32
    %mul3A_22 = arith.constant 125 : i32
    %mul3A_23 = arith.muli %add3A_21, %mul3A_22 : i32
    "tpu.region"() ({
      %run_scoped3A_225 = tpu.sem_alloc : memref<!tpu.dma_semaphore, #tpu.memory_space<semaphore_mem>>
      %dma_start3A_226 = arith.constant 0 : i32
      %dma_start3A_227 = tpu.memref_slice %arg23[%mul3A_23, %dma_start3A_226] : memref<10000x64xf32, #tpu.memory_space<vmem_shared>> -> memref<125x64xf32, #tpu.memory_space<vmem_shared>>
      %dma_start3A_228 = arith.constant 0 : i32
      %dma_start3A_229 = tpu.memref_slice %arg23[%mul3A_23, %dma_start3A_228] : memref<10000x64xf32, #tpu.memory_space<vmem_shared>> -> memref<125x64xf32, #tpu.memory_space<vmem_shared>>
      tpu.enqueue_dma source(%arg12 : memref<125x64xf32, #tpu.memory_space<vmem>>) target(%dma_start3A_229 : memref<125x64xf32, #tpu.memory_space<vmem_shared>>) target_semaphore(%run_scoped3A_225 : memref<!tpu.dma_semaphore, #tpu.memory_space<semaphore_mem>>)
      %dma_wait3A_230 = arith.constant 0 : i32
      %dma_wait3A_231 = tpu.memref_slice %arg23[%mul3A_23, %dma_wait3A_230] : memref<10000x64xf32, #tpu.memory_space<vmem_shared>> -> memref<125x64xf32, #tpu.memory_space<vmem_shared>>
      %dma_wait3A_232 = arith.constant 0 : i32
      %dma_wait3A_233 = tpu.memref_slice %arg23[%mul3A_23, %dma_wait3A_232] : memref<10000x64xf32, #tpu.memory_space<vmem_shared>> -> memref<125x64xf32, #tpu.memory_space<vmem_shared>>
      tpu.wait_dma2 semaphore(%run_scoped3A_225 : memref<!tpu.dma_semaphore, #tpu.memory_space<semaphore_mem>>) src(%arg12 : memref<125x64xf32, #tpu.memory_space<vmem>>) dst(%dma_wait3A_233 : memref<125x64xf32, #tpu.memory_space<vmem_shared>>)
      tpu.yield
    }) : () -> ()
    %mul3A_24 = arith.constant 5 : i32
    %mul3A_25 = arith.muli %arg1, %mul3A_24 : i32
    %add3A_26 = arith.constant 3 : i32
    %add3A_27 = arith.addi %mul3A_25, %add3A_26 : i32
    %mul3A_28 = arith.constant 125 : i32
    %mul3A_29 = arith.muli %add3A_27, %mul3A_28 : i32
    "tpu.region"() ({
      %run_scoped3A_225 = tpu.sem_alloc : memref<!tpu.dma_semaphore, #tpu.memory_space<semaphore_mem>>
      %dma_start3A_226 = arith.constant 0 : i32
      %dma_start3A_227 = tpu.memref_slice %arg23[%mul3A_29, %dma_start3A_226] : memref<10000x64xf32, #tpu.memory_space<vmem_shared>> -> memref<125x64xf32, #tpu.memory_space<vmem_shared>>
      %dma_start3A_228 = arith.constant 0 : i32
      %dma_start3A_229 = tpu.memref_slice %arg23[%mul3A_29, %dma_start3A_228] : memref<10000x64xf32, #tpu.memory_space<vmem_shared>> -> memref<125x64xf32, #tpu.memory_space<vmem_shared>>
      tpu.enqueue_dma source(%arg12 : memref<125x64xf32, #tpu.memory_space<vmem>>) target(%dma_start3A_229 : memref<125x64xf32, #tpu.memory_space<vmem_shared>>) target_semaphore(%run_scoped3A_225 : memref<!tpu.dma_semaphore, #tpu.memory_space<semaphore_mem>>)
      %dma_wait3A_230 = arith.constant 0 : i32
      %dma_wait3A_231 = tpu.memref_slice %arg23[%mul3A_29, %dma_wait3A_230] : memref<10000x64xf32, #tpu.memory_space<vmem_shared>> -> memref<125x64xf32, #tpu.memory_space<vmem_shared>>
      %dma_wait3A_232 = arith.constant 0 : i32
      %dma_wait3A_233 = tpu.memref_slice %arg23[%mul3A_29, %dma_wait3A_232] : memref<10000x64xf32, #tpu.memory_space<vmem_shared>> -> memref<125x64xf32, #tpu.memory_space<vmem_shared>>
      tpu.wait_dma2 semaphore(%run_scoped3A_225 : memref<!tpu.dma_semaphore, #tpu.memory_space<semaphore_mem>>) src(%arg12 : memref<125x64xf32, #tpu.memory_space<vmem>>) dst(%dma_wait3A_233 : memref<125x64xf32, #tpu.memory_space<vmem_shared>>)
      tpu.yield
    }) : () -> ()
    %mul3A_30 = arith.constant 5 : i32
    %mul3A_31 = arith.muli %arg1, %mul3A_30 : i32
    %add3A_32 = arith.constant 4 : i32
    %add3A_33 = arith.addi %mul3A_31, %add3A_32 : i32
    %mul3A_34 = arith.constant 125 : i32
    %mul3A_35 = arith.muli %add3A_33, %mul3A_34 : i32
    "tpu.region"() ({
      %run_scoped3A_225 = tpu.sem_alloc : memref<!tpu.dma_semaphore, #tpu.memory_space<semaphore_mem>>
      %dma_start3A_226 = arith.constant 0 : i32
      %dma_start3A_227 = tpu.memref_slice %arg23[%mul3A_35, %dma_start3A_226] : memref<10000x64xf32, #tpu.memory_space<vmem_shared>> -> memref<125x64xf32, #tpu.memory_space<vmem_shared>>
      %dma_start3A_228 = arith.constant 0 : i32
      %dma_start3A_229 = tpu.memref_slice %arg23[%mul3A_35, %dma_start3A_228] : memref<10000x64xf32, #tpu.memory_space<vmem_shared>> -> memref<125x64xf32, #tpu.memory_space<vmem_shared>>
      tpu.enqueue_dma source(%arg12 : memref<125x64xf32, #tpu.memory_space<vmem>>) target(%dma_start3A_229 : memref<125x64xf32, #tpu.memory_space<vmem_shared>>) target_semaphore(%run_scoped3A_225 : memref<!tpu.dma_semaphore, #tpu.memory_space<semaphore_mem>>)
      %dma_wait3A_230 = arith.constant 0 : i32
      %dma_wait3A_231 = tpu.memref_slice %arg23[%mul3A_35, %dma_wait3A_230] : memref<10000x64xf32, #tpu.memory_space<vmem_shared>> -> memref<125x64xf32, #tpu.memory_space<vmem_shared>>
      %dma_wait3A_232 = arith.constant 0 : i32
      %dma_wait3A_233 = tpu.memref_slice %arg23[%mul3A_35, %dma_wait3A_232] : memref<10000x64xf32, #tpu.memory_space<vmem_shared>> -> memref<125x64xf32, #tpu.memory_space<vmem_shared>>
      tpu.wait_dma2 semaphore(%run_scoped3A_225 : memref<!tpu.dma_semaphore, #tpu.memory_space<semaphore_mem>>) src(%arg12 : memref<125x64xf32, #tpu.memory_space<vmem>>) dst(%dma_wait3A_233 : memref<125x64xf32, #tpu.memory_space<vmem_shared>>)
      tpu.yield
    }) : () -> ()
    %run_scoped3A = arith.constant 0 : i32
    "tpu.region"() ({
      %run_scoped3A_225 = tpu.sem_alloc : memref<!tpu.dma_semaphore, #tpu.memory_space<semaphore_mem>>
      %dma_start3A_226 = arith.constant 0 : i32
      %dma_start3A_227 = arith.constant 0 : i32
      %dma_start3A_228 = tpu.memref_slice %arg2[%run_scoped3A, %add3A, %dma_start3A_226, %dma_start3A_227] : memref<2x32x125x80xi32, #tpu.memory_space<hbm>> -> memref<1x1x125x80xi32, #tpu.memory_space<hbm>>
      %dma_start3A_229 = tpu.memref_squeeze %dma_start3A_228 : memref<1x1x125x80xi32, #tpu.memory_space<hbm>> -> memref<125x80xi32, #tpu.memory_space<hbm>>
      %dma_start3A_230 = arith.constant 0 : i32
      %dma_start3A_231 = arith.constant 0 : i32
      %dma_start3A_232 = tpu.memref_slice %arg2[%run_scoped3A, %add3A, %dma_start3A_230, %dma_start3A_231] : memref<2x32x125x80xi32, #tpu.memory_space<hbm>> -> memref<1x1x125x80xi32, #tpu.memory_space<hbm>>
      %dma_start3A_233 = tpu.memref_squeeze %dma_start3A_232 : memref<1x1x125x80xi32, #tpu.memory_space<hbm>> -> memref<125x80xi32, #tpu.memory_space<hbm>>
      tpu.enqueue_dma source(%dma_start3A_233 : memref<125x80xi32, #tpu.memory_space<hbm>>) target(%arg5 : memref<125x80xi32, #tpu.memory_space<vmem>>) target_semaphore(%run_scoped3A_225 : memref<!tpu.dma_semaphore, #tpu.memory_space<semaphore_mem>>)
      %dma_wait3A_234 = arith.constant 0 : i32
      %dma_wait3A_235 = arith.constant 0 : i32
      %dma_wait3A_236 = tpu.memref_slice %arg2[%run_scoped3A, %add3A, %dma_wait3A_234, %dma_wait3A_235] : memref<2x32x125x80xi32, #tpu.memory_space<hbm>> -> memref<1x1x125x80xi32, #tpu.memory_space<hbm>>
      %dma_wait3A_237 = tpu.memref_squeeze %dma_wait3A_236 : memref<1x1x125x80xi32, #tpu.memory_space<hbm>> -> memref<125x80xi32, #tpu.memory_space<hbm>>
      %dma_wait3A_238 = arith.constant 0 : i32
      %dma_wait3A_239 = arith.constant 0 : i32
      %dma_wait3A_240 = tpu.memref_slice %arg2[%run_scoped3A, %add3A, %dma_wait3A_238, %dma_wait3A_239] : memref<2x32x125x80xi32, #tpu.memory_space<hbm>> -> memref<1x1x125x80xi32, #tpu.memory_space<hbm>>
      %dma_wait3A_241 = tpu.memref_squeeze %dma_wait3A_240 : memref<1x1x125x80xi32, #tpu.memory_space<hbm>> -> memref<125x80xi32, #tpu.memory_space<hbm>>
      tpu.wait_dma2 semaphore(%run_scoped3A_225 : memref<!tpu.dma_semaphore, #tpu.memory_space<semaphore_mem>>) src(%dma_wait3A_241 : memref<125x80xi32, #tpu.memory_space<hbm>>) dst(%arg5 : memref<125x80xi32, #tpu.memory_space<vmem>>)
      tpu.yield
    }) : () -> ()
    %run_scoped3A_36 = arith.constant 1 : i32
    "tpu.region"() ({
      %run_scoped3A_225 = tpu.sem_alloc : memref<!tpu.dma_semaphore, #tpu.memory_space<semaphore_mem>>
      %dma_start3A_226 = arith.constant 0 : i32
      %dma_start3A_227 = arith.constant 0 : i32
      %dma_start3A_228 = tpu.memref_slice %arg2[%run_scoped3A_36, %add3A, %dma_start3A_226, %dma_start3A_227] : memref<2x32x125x80xi32, #tpu.memory_space<hbm>> -> memref<1x1x125x80xi32, #tpu.memory_space<hbm>>
      %dma_start3A_229 = tpu.memref_squeeze %dma_start3A_228 : memref<1x1x125x80xi32, #tpu.memory_space<hbm>> -> memref<125x80xi32, #tpu.memory_space<hbm>>
      %dma_start3A_230 = arith.constant 0 : i32
      %dma_start3A_231 = arith.constant 0 : i32
      %dma_start3A_232 = tpu.memref_slice %arg2[%run_scoped3A_36, %add3A, %dma_start3A_230, %dma_start3A_231] : memref<2x32x125x80xi32, #tpu.memory_space<hbm>> -> memref<1x1x125x80xi32, #tpu.memory_space<hbm>>
      %dma_start3A_233 = tpu.memref_squeeze %dma_start3A_232 : memref<1x1x125x80xi32, #tpu.memory_space<hbm>> -> memref<125x80xi32, #tpu.memory_space<hbm>>
      tpu.enqueue_dma source(%dma_start3A_233 : memref<125x80xi32, #tpu.memory_space<hbm>>) target(%arg6 : memref<125x80xi32, #tpu.memory_space<vmem>>) target_semaphore(%run_scoped3A_225 : memref<!tpu.dma_semaphore, #tpu.memory_space<semaphore_mem>>)
      %dma_wait3A_234 = arith.constant 0 : i32
      %dma_wait3A_235 = arith.constant 0 : i32
      %dma_wait3A_236 = tpu.memref_slice %arg2[%run_scoped3A_36, %add3A, %dma_wait3A_234, %dma_wait3A_235] : memref<2x32x125x80xi32, #tpu.memory_space<hbm>> -> memref<1x1x125x80xi32, #tpu.memory_space<hbm>>
      %dma_wait3A_237 = tpu.memref_squeeze %dma_wait3A_236 : memref<1x1x125x80xi32, #tpu.memory_space<hbm>> -> memref<125x80xi32, #tpu.memory_space<hbm>>
      %dma_wait3A_238 = arith.constant 0 : i32
      %dma_wait3A_239 = arith.constant 0 : i32
      %dma_wait3A_240 = tpu.memref_slice %arg2[%run_scoped3A_36, %add3A, %dma_wait3A_238, %dma_wait3A_239] : memref<2x32x125x80xi32, #tpu.memory_space<hbm>> -> memref<1x1x125x80xi32, #tpu.memory_space<hbm>>
      %dma_wait3A_241 = tpu.memref_squeeze %dma_wait3A_240 : memref<1x1x125x80xi32, #tpu.memory_space<hbm>> -> memref<125x80xi32, #tpu.memory_space<hbm>>
      tpu.wait_dma2 semaphore(%run_scoped3A_225 : memref<!tpu.dma_semaphore, #tpu.memory_space<semaphore_mem>>) src(%dma_wait3A_241 : memref<125x80xi32, #tpu.memory_space<hbm>>) dst(%arg6 : memref<125x80xi32, #tpu.memory_space<vmem>>)
      tpu.yield
    }) : () -> ()
    %barrier3A = arith.constant 0 : index
    tpu.barrier barrier_id(%barrier3A)
    %dma_start3A = arith.constant 0 : i32
    %dma_start3A_37 = arith.constant 0 : i32
    %dma_start3A_38 = tpu.memref_slice %arg5[%dma_start3A, %dma_start3A_37] : memref<125x80xi32, #tpu.memory_space<vmem>> -> memref<1x80xi32, #tpu.memory_space<vmem>>
    %dma_start3A_39 = tpu.memref_squeeze %dma_start3A_38 : memref<1x80xi32, #tpu.memory_space<vmem>> -> memref<80xi32, #tpu.memory_space<vmem>>
    %dma_start3A_40 = arith.constant 0 : i32
    %dma_start3A_41 = arith.constant 0 : i32
    %dma_start3A_42 = tpu.memref_slice %arg3[%dma_start3A_40, %dma_start3A_41] : memref<10000x64xf32, #tpu.memory_space<hbm>> -> memref<10000x64xf32, #tpu.memory_space<hbm>>
    tpu.enqueue_indirect_dma source(%dma_start3A_42 : memref<10000x64xf32, #tpu.memory_space<hbm>>) target(%arg7 : memref<80x64xf32, #tpu.memory_space<vmem>>) offsets(%dma_start3A_39 : memref<80xi32, #tpu.memory_space<vmem>>) semaphore(%arg13 : memref<!tpu.dma_semaphore, #tpu.memory_space<semaphore_mem>>)
    %dma_start3A_43 = arith.constant 1 : i32
    %dma_start3A_44 = arith.constant 0 : i32
    %dma_start3A_45 = tpu.memref_slice %arg5[%dma_start3A_43, %dma_start3A_44] : memref<125x80xi32, #tpu.memory_space<vmem>> -> memref<1x80xi32, #tpu.memory_space<vmem>>
    %dma_start3A_46 = tpu.memref_squeeze %dma_start3A_45 : memref<1x80xi32, #tpu.memory_space<vmem>> -> memref<80xi32, #tpu.memory_space<vmem>>
    %dma_start3A_47 = arith.constant 0 : i32
    %dma_start3A_48 = arith.constant 0 : i32
    %dma_start3A_49 = tpu.memref_slice %arg3[%dma_start3A_47, %dma_start3A_48] : memref<10000x64xf32, #tpu.memory_space<hbm>> -> memref<10000x64xf32, #tpu.memory_space<hbm>>
    tpu.enqueue_indirect_dma source(%dma_start3A_49 : memref<10000x64xf32, #tpu.memory_space<hbm>>) target(%arg8 : memref<80x64xf32, #tpu.memory_space<vmem>>) offsets(%dma_start3A_46 : memref<80xi32, #tpu.memory_space<vmem>>) semaphore(%arg14 : memref<!tpu.dma_semaphore, #tpu.memory_space<semaphore_mem>>)
    %dma_wait3A = arith.constant 0 : i32
    %dma_wait3A_50 = arith.constant 0 : i32
    %dma_wait3A_51 = tpu.memref_slice %arg5[%dma_wait3A, %dma_wait3A_50] : memref<125x80xi32, #tpu.memory_space<vmem>> -> memref<1x80xi32, #tpu.memory_space<vmem>>
    %dma_wait3A_52 = tpu.memref_squeeze %dma_wait3A_51 : memref<1x80xi32, #tpu.memory_space<vmem>> -> memref<80xi32, #tpu.memory_space<vmem>>
    %dma_wait3A_53 = arith.constant 0 : i32
    %dma_wait3A_54 = arith.constant 0 : i32
    %dma_wait3A_55 = tpu.memref_slice %arg3[%dma_wait3A_53, %dma_wait3A_54] : memref<10000x64xf32, #tpu.memory_space<hbm>> -> memref<10000x64xf32, #tpu.memory_space<hbm>>
    tpu.wait_indirect_dma semaphore(%arg13 : memref<!tpu.dma_semaphore, #tpu.memory_space<semaphore_mem>>) src(%dma_wait3A_55 : memref<10000x64xf32, #tpu.memory_space<hbm>>) dst(%arg7 : memref<80x64xf32, #tpu.memory_space<vmem>>)
    %dma_start3A_56 = arith.constant 0 : i32
    %dma_start3A_57 = arith.constant 0 : i32
    %dma_start3A_58 = tpu.memref_slice %arg6[%dma_start3A_56, %dma_start3A_57] : memref<125x80xi32, #tpu.memory_space<vmem>> -> memref<1x80xi32, #tpu.memory_space<vmem>>
    %dma_start3A_59 = tpu.memref_squeeze %dma_start3A_58 : memref<1x80xi32, #tpu.memory_space<vmem>> -> memref<80xi32, #tpu.memory_space<vmem>>
    %dma_start3A_60 = arith.constant 0 : i32
    %dma_start3A_61 = arith.constant 0 : i32
    %dma_start3A_62 = tpu.memref_slice %arg23[%dma_start3A_60, %dma_start3A_61] : memref<10000x64xf32, #tpu.memory_space<vmem_shared>> -> memref<10000x64xf32, #tpu.memory_space<vmem_shared>>
    tpu.enqueue_indirect_dma source(%arg7 : memref<80x64xf32, #tpu.memory_space<vmem>>) target(%dma_start3A_62 : memref<10000x64xf32, #tpu.memory_space<vmem_shared>>) offsets(%dma_start3A_59 : memref<80xi32, #tpu.memory_space<vmem>>) semaphore(%arg18 : memref<!tpu.dma_semaphore, #tpu.memory_space<semaphore_mem>>) {add = true}
    %dma_start3A_63 = arith.constant 2 : i32
    %dma_start3A_64 = arith.constant 0 : i32
    %dma_start3A_65 = tpu.memref_slice %arg5[%dma_start3A_63, %dma_start3A_64] : memref<125x80xi32, #tpu.memory_space<vmem>> -> memref<1x80xi32, #tpu.memory_space<vmem>>
    %dma_start3A_66 = tpu.memref_squeeze %dma_start3A_65 : memref<1x80xi32, #tpu.memory_space<vmem>> -> memref<80xi32, #tpu.memory_space<vmem>>
    %dma_start3A_67 = arith.constant 0 : i32
    %dma_start3A_68 = arith.constant 0 : i32
    %dma_start3A_69 = tpu.memref_slice %arg3[%dma_start3A_67, %dma_start3A_68] : memref<10000x64xf32, #tpu.memory_space<hbm>> -> memref<10000x64xf32, #tpu.memory_space<hbm>>
    tpu.enqueue_indirect_dma source(%dma_start3A_69 : memref<10000x64xf32, #tpu.memory_space<hbm>>) target(%arg9 : memref<80x64xf32, #tpu.memory_space<vmem>>) offsets(%dma_start3A_66 : memref<80xi32, #tpu.memory_space<vmem>>) semaphore(%arg15 : memref<!tpu.dma_semaphore, #tpu.memory_space<semaphore_mem>>)
    %dma_wait3A_70 = arith.constant 1 : i32
    %dma_wait3A_71 = arith.constant 0 : i32
    %dma_wait3A_72 = tpu.memref_slice %arg5[%dma_wait3A_70, %dma_wait3A_71] : memref<125x80xi32, #tpu.memory_space<vmem>> -> memref<1x80xi32, #tpu.memory_space<vmem>>
    %dma_wait3A_73 = tpu.memref_squeeze %dma_wait3A_72 : memref<1x80xi32, #tpu.memory_space<vmem>> -> memref<80xi32, #tpu.memory_space<vmem>>
    %dma_wait3A_74 = arith.constant 0 : i32
    %dma_wait3A_75 = arith.constant 0 : i32
    %dma_wait3A_76 = tpu.memref_slice %arg3[%dma_wait3A_74, %dma_wait3A_75] : memref<10000x64xf32, #tpu.memory_space<hbm>> -> memref<10000x64xf32, #tpu.memory_space<hbm>>
    tpu.wait_indirect_dma semaphore(%arg14 : memref<!tpu.dma_semaphore, #tpu.memory_space<semaphore_mem>>) src(%dma_wait3A_76 : memref<10000x64xf32, #tpu.memory_space<hbm>>) dst(%arg8 : memref<80x64xf32, #tpu.memory_space<vmem>>)
    %dma_start3A_77 = arith.constant 1 : i32
    %dma_start3A_78 = arith.constant 0 : i32
    %dma_start3A_79 = tpu.memref_slice %arg6[%dma_start3A_77, %dma_start3A_78] : memref<125x80xi32, #tpu.memory_space<vmem>> -> memref<1x80xi32, #tpu.memory_space<vmem>>
    %dma_start3A_80 = tpu.memref_squeeze %dma_start3A_79 : memref<1x80xi32, #tpu.memory_space<vmem>> -> memref<80xi32, #tpu.memory_space<vmem>>
    %dma_start3A_81 = arith.constant 0 : i32
    %dma_start3A_82 = arith.constant 0 : i32
    %dma_start3A_83 = tpu.memref_slice %arg23[%dma_start3A_81, %dma_start3A_82] : memref<10000x64xf32, #tpu.memory_space<vmem_shared>> -> memref<10000x64xf32, #tpu.memory_space<vmem_shared>>
    tpu.enqueue_indirect_dma source(%arg8 : memref<80x64xf32, #tpu.memory_space<vmem>>) target(%dma_start3A_83 : memref<10000x64xf32, #tpu.memory_space<vmem_shared>>) offsets(%dma_start3A_80 : memref<80xi32, #tpu.memory_space<vmem>>) semaphore(%arg19 : memref<!tpu.dma_semaphore, #tpu.memory_space<semaphore_mem>>) {add = true}
    %dma_start3A_84 = arith.constant 3 : i32
    %dma_start3A_85 = arith.constant 0 : i32
    %dma_start3A_86 = tpu.memref_slice %arg5[%dma_start3A_84, %dma_start3A_85] : memref<125x80xi32, #tpu.memory_space<vmem>> -> memref<1x80xi32, #tpu.memory_space<vmem>>
    %dma_start3A_87 = tpu.memref_squeeze %dma_start3A_86 : memref<1x80xi32, #tpu.memory_space<vmem>> -> memref<80xi32, #tpu.memory_space<vmem>>
    %dma_start3A_88 = arith.constant 0 : i32
    %dma_start3A_89 = arith.constant 0 : i32
    %dma_start3A_90 = tpu.memref_slice %arg3[%dma_start3A_88, %dma_start3A_89] : memref<10000x64xf32, #tpu.memory_space<hbm>> -> memref<10000x64xf32, #tpu.memory_space<hbm>>
    tpu.enqueue_indirect_dma source(%dma_start3A_90 : memref<10000x64xf32, #tpu.memory_space<hbm>>) target(%arg10 : memref<80x64xf32, #tpu.memory_space<vmem>>) offsets(%dma_start3A_87 : memref<80xi32, #tpu.memory_space<vmem>>) semaphore(%arg16 : memref<!tpu.dma_semaphore, #tpu.memory_space<semaphore_mem>>)
    %dma_wait3A_91 = arith.constant 2 : i32
    %dma_wait3A_92 = arith.constant 0 : i32
    %dma_wait3A_93 = tpu.memref_slice %arg5[%dma_wait3A_91, %dma_wait3A_92] : memref<125x80xi32, #tpu.memory_space<vmem>> -> memref<1x80xi32, #tpu.memory_space<vmem>>
    %dma_wait3A_94 = tpu.memref_squeeze %dma_wait3A_93 : memref<1x80xi32, #tpu.memory_space<vmem>> -> memref<80xi32, #tpu.memory_space<vmem>>
    %dma_wait3A_95 = arith.constant 0 : i32
    %dma_wait3A_96 = arith.constant 0 : i32
    %dma_wait3A_97 = tpu.memref_slice %arg3[%dma_wait3A_95, %dma_wait3A_96] : memref<10000x64xf32, #tpu.memory_space<hbm>> -> memref<10000x64xf32, #tpu.memory_space<hbm>>
    tpu.wait_indirect_dma semaphore(%arg15 : memref<!tpu.dma_semaphore, #tpu.memory_space<semaphore_mem>>) src(%dma_wait3A_97 : memref<10000x64xf32, #tpu.memory_space<hbm>>) dst(%arg9 : memref<80x64xf32, #tpu.memory_space<vmem>>)
    %dma_start3A_98 = arith.constant 2 : i32
    %dma_start3A_99 = arith.constant 0 : i32
    %dma_start3A_100 = tpu.memref_slice %arg6[%dma_start3A_98, %dma_start3A_99] : memref<125x80xi32, #tpu.memory_space<vmem>> -> memref<1x80xi32, #tpu.memory_space<vmem>>
    %dma_start3A_101 = tpu.memref_squeeze %dma_start3A_100 : memref<1x80xi32, #tpu.memory_space<vmem>> -> memref<80xi32, #tpu.memory_space<vmem>>
    %dma_start3A_102 = arith.constant 0 : i32
    %dma_start3A_103 = arith.constant 0 : i32
    %dma_start3A_104 = tpu.memref_slice %arg23[%dma_start3A_102, %dma_start3A_103] : memref<10000x64xf32, #tpu.memory_space<vmem_shared>> -> memref<10000x64xf32, #tpu.memory_space<vmem_shared>>
    tpu.enqueue_indirect_dma source(%arg9 : memref<80x64xf32, #tpu.memory_space<vmem>>) target(%dma_start3A_104 : memref<10000x64xf32, #tpu.memory_space<vmem_shared>>) offsets(%dma_start3A_101 : memref<80xi32, #tpu.memory_space<vmem>>) semaphore(%arg20 : memref<!tpu.dma_semaphore, #tpu.memory_space<semaphore_mem>>) {add = true}
    %dma_start3A_105 = arith.constant 4 : i32
    %dma_start3A_106 = arith.constant 0 : i32
    %dma_start3A_107 = tpu.memref_slice %arg5[%dma_start3A_105, %dma_start3A_106] : memref<125x80xi32, #tpu.memory_space<vmem>> -> memref<1x80xi32, #tpu.memory_space<vmem>>
    %dma_start3A_108 = tpu.memref_squeeze %dma_start3A_107 : memref<1x80xi32, #tpu.memory_space<vmem>> -> memref<80xi32, #tpu.memory_space<vmem>>
    %dma_start3A_109 = arith.constant 0 : i32
    %dma_start3A_110 = arith.constant 0 : i32
    %dma_start3A_111 = tpu.memref_slice %arg3[%dma_start3A_109, %dma_start3A_110] : memref<10000x64xf32, #tpu.memory_space<hbm>> -> memref<10000x64xf32, #tpu.memory_space<hbm>>
    tpu.enqueue_indirect_dma source(%dma_start3A_111 : memref<10000x64xf32, #tpu.memory_space<hbm>>) target(%arg11 : memref<80x64xf32, #tpu.memory_space<vmem>>) offsets(%dma_start3A_108 : memref<80xi32, #tpu.memory_space<vmem>>) semaphore(%arg17 : memref<!tpu.dma_semaphore, #tpu.memory_space<semaphore_mem>>)
    %dma_wait3A_112 = arith.constant 3 : i32
    %dma_wait3A_113 = arith.constant 0 : i32
    %dma_wait3A_114 = tpu.memref_slice %arg5[%dma_wait3A_112, %dma_wait3A_113] : memref<125x80xi32, #tpu.memory_space<vmem>> -> memref<1x80xi32, #tpu.memory_space<vmem>>
    %dma_wait3A_115 = tpu.memref_squeeze %dma_wait3A_114 : memref<1x80xi32, #tpu.memory_space<vmem>> -> memref<80xi32, #tpu.memory_space<vmem>>
    %dma_wait3A_116 = arith.constant 0 : i32
    %dma_wait3A_117 = arith.constant 0 : i32
    %dma_wait3A_118 = tpu.memref_slice %arg3[%dma_wait3A_116, %dma_wait3A_117] : memref<10000x64xf32, #tpu.memory_space<hbm>> -> memref<10000x64xf32, #tpu.memory_space<hbm>>
    tpu.wait_indirect_dma semaphore(%arg16 : memref<!tpu.dma_semaphore, #tpu.memory_space<semaphore_mem>>) src(%dma_wait3A_118 : memref<10000x64xf32, #tpu.memory_space<hbm>>) dst(%arg10 : memref<80x64xf32, #tpu.memory_space<vmem>>)
    %dma_start3A_119 = arith.constant 3 : i32
    %dma_start3A_120 = arith.constant 0 : i32
    %dma_start3A_121 = tpu.memref_slice %arg6[%dma_start3A_119, %dma_start3A_120] : memref<125x80xi32, #tpu.memory_space<vmem>> -> memref<1x80xi32, #tpu.memory_space<vmem>>
    %dma_start3A_122 = tpu.memref_squeeze %dma_start3A_121 : memref<1x80xi32, #tpu.memory_space<vmem>> -> memref<80xi32, #tpu.memory_space<vmem>>
    %dma_start3A_123 = arith.constant 0 : i32
    %dma_start3A_124 = arith.constant 0 : i32
    %dma_start3A_125 = tpu.memref_slice %arg23[%dma_start3A_123, %dma_start3A_124] : memref<10000x64xf32, #tpu.memory_space<vmem_shared>> -> memref<10000x64xf32, #tpu.memory_space<vmem_shared>>
    tpu.enqueue_indirect_dma source(%arg10 : memref<80x64xf32, #tpu.memory_space<vmem>>) target(%dma_start3A_125 : memref<10000x64xf32, #tpu.memory_space<vmem_shared>>) offsets(%dma_start3A_122 : memref<80xi32, #tpu.memory_space<vmem>>) semaphore(%arg21 : memref<!tpu.dma_semaphore, #tpu.memory_space<semaphore_mem>>) {add = true}
    %dma_wait3A_126 = arith.constant 0 : i32
    %dma_wait3A_127 = arith.constant 0 : i32
    %dma_wait3A_128 = tpu.memref_slice %arg6[%dma_wait3A_126, %dma_wait3A_127] : memref<125x80xi32, #tpu.memory_space<vmem>> -> memref<1x80xi32, #tpu.memory_space<vmem>>
    %dma_wait3A_129 = tpu.memref_squeeze %dma_wait3A_128 : memref<1x80xi32, #tpu.memory_space<vmem>> -> memref<80xi32, #tpu.memory_space<vmem>>
    %dma_wait3A_130 = arith.constant 0 : i32
    %dma_wait3A_131 = arith.constant 0 : i32
    %dma_wait3A_132 = tpu.memref_slice %arg23[%dma_wait3A_130, %dma_wait3A_131] : memref<10000x64xf32, #tpu.memory_space<vmem_shared>> -> memref<10000x64xf32, #tpu.memory_space<vmem_shared>>
    tpu.wait_indirect_dma semaphore(%arg18 : memref<!tpu.dma_semaphore, #tpu.memory_space<semaphore_mem>>) src(%arg7 : memref<80x64xf32, #tpu.memory_space<vmem>>) dst(%dma_wait3A_132 : memref<10000x64xf32, #tpu.memory_space<vmem_shared>>)
    %dma_start3A_133 = arith.constant 5 : i32
    %dma_start3A_134 = arith.constant 0 : i32
    %dma_start3A_135 = tpu.memref_slice %arg5[%dma_start3A_133, %dma_start3A_134] : memref<125x80xi32, #tpu.memory_space<vmem>> -> memref<1x80xi32, #tpu.memory_space<vmem>>
    %dma_start3A_136 = tpu.memref_squeeze %dma_start3A_135 : memref<1x80xi32, #tpu.memory_space<vmem>> -> memref<80xi32, #tpu.memory_space<vmem>>
    %dma_start3A_137 = arith.constant 0 : i32
    %dma_start3A_138 = arith.constant 0 : i32
    %dma_start3A_139 = tpu.memref_slice %arg3[%dma_start3A_137, %dma_start3A_138] : memref<10000x64xf32, #tpu.memory_space<hbm>> -> memref<10000x64xf32, #tpu.memory_space<hbm>>
    tpu.enqueue_indirect_dma source(%dma_start3A_139 : memref<10000x64xf32, #tpu.memory_space<hbm>>) target(%arg7 : memref<80x64xf32, #tpu.memory_space<vmem>>) offsets(%dma_start3A_136 : memref<80xi32, #tpu.memory_space<vmem>>) semaphore(%arg13 : memref<!tpu.dma_semaphore, #tpu.memory_space<semaphore_mem>>)
    %dma_wait3A_140 = arith.constant 4 : i32
    %dma_wait3A_141 = arith.constant 0 : i32
    %dma_wait3A_142 = tpu.memref_slice %arg5[%dma_wait3A_140, %dma_wait3A_141] : memref<125x80xi32, #tpu.memory_space<vmem>> -> memref<1x80xi32, #tpu.memory_space<vmem>>
    %dma_wait3A_143 = tpu.memref_squeeze %dma_wait3A_142 : memref<1x80xi32, #tpu.memory_space<vmem>> -> memref<80xi32, #tpu.memory_space<vmem>>
    %dma_wait3A_144 = arith.constant 0 : i32
    %dma_wait3A_145 = arith.constant 0 : i32
    %dma_wait3A_146 = tpu.memref_slice %arg3[%dma_wait3A_144, %dma_wait3A_145] : memref<10000x64xf32, #tpu.memory_space<hbm>> -> memref<10000x64xf32, #tpu.memory_space<hbm>>
    tpu.wait_indirect_dma semaphore(%arg17 : memref<!tpu.dma_semaphore, #tpu.memory_space<semaphore_mem>>) src(%dma_wait3A_146 : memref<10000x64xf32, #tpu.memory_space<hbm>>) dst(%arg11 : memref<80x64xf32, #tpu.memory_space<vmem>>)
    %dma_start3A_147 = arith.constant 4 : i32
    %dma_start3A_148 = arith.constant 0 : i32
    %dma_start3A_149 = tpu.memref_slice %arg6[%dma_start3A_147, %dma_start3A_148] : memref<125x80xi32, #tpu.memory_space<vmem>> -> memref<1x80xi32, #tpu.memory_space<vmem>>
    %dma_start3A_150 = tpu.memref_squeeze %dma_start3A_149 : memref<1x80xi32, #tpu.memory_space<vmem>> -> memref<80xi32, #tpu.memory_space<vmem>>
    %dma_start3A_151 = arith.constant 0 : i32
    %dma_start3A_152 = arith.constant 0 : i32
    %dma_start3A_153 = tpu.memref_slice %arg23[%dma_start3A_151, %dma_start3A_152] : memref<10000x64xf32, #tpu.memory_space<vmem_shared>> -> memref<10000x64xf32, #tpu.memory_space<vmem_shared>>
    tpu.enqueue_indirect_dma source(%arg11 : memref<80x64xf32, #tpu.memory_space<vmem>>) target(%dma_start3A_153 : memref<10000x64xf32, #tpu.memory_space<vmem_shared>>) offsets(%dma_start3A_150 : memref<80xi32, #tpu.memory_space<vmem>>) semaphore(%arg22 : memref<!tpu.dma_semaphore, #tpu.memory_space<semaphore_mem>>) {add = true}
    %dma_wait3A_154 = arith.constant 1 : i32
    %dma_wait3A_155 = arith.constant 0 : i32
    %dma_wait3A_156 = tpu.memref_slice %arg6[%dma_wait3A_154, %dma_wait3A_155] : memref<125x80xi32, #tpu.memory_space<vmem>> -> memref<1x80xi32, #tpu.memory_space<vmem>>
    %dma_wait3A_157 = tpu.memref_squeeze %dma_wait3A_156 : memref<1x80xi32, #tpu.memory_space<vmem>> -> memref<80xi32, #tpu.memory_space<vmem>>
    %dma_wait3A_158 = arith.constant 0 : i32
    %dma_wait3A_159 = arith.constant 0 : i32
    %dma_wait3A_160 = tpu.memref_slice %arg23[%dma_wait3A_158, %dma_wait3A_159] : memref<10000x64xf32, #tpu.memory_space<vmem_shared>> -> memref<10000x64xf32, #tpu.memory_space<vmem_shared>>
    tpu.wait_indirect_dma semaphore(%arg19 : memref<!tpu.dma_semaphore, #tpu.memory_space<semaphore_mem>>) src(%arg8 : memref<80x64xf32, #tpu.memory_space<vmem>>) dst(%dma_wait3A_160 : memref<10000x64xf32, #tpu.memory_space<vmem_shared>>)
    %dma_start3A_161 = arith.constant 6 : i32
    %dma_start3A_162 = arith.constant 0 : i32
    %dma_start3A_163 = tpu.memref_slice %arg5[%dma_start3A_161, %dma_start3A_162] : memref<125x80xi32, #tpu.memory_space<vmem>> -> memref<1x80xi32, #tpu.memory_space<vmem>>
    %dma_start3A_164 = tpu.memref_squeeze %dma_start3A_163 : memref<1x80xi32, #tpu.memory_space<vmem>> -> memref<80xi32, #tpu.memory_space<vmem>>
    %dma_start3A_165 = arith.constant 0 : i32
    %dma_start3A_166 = arith.constant 0 : i32
    %dma_start3A_167 = tpu.memref_slice %arg3[%dma_start3A_165, %dma_start3A_166] : memref<10000x64xf32, #tpu.memory_space<hbm>> -> memref<10000x64xf32, #tpu.memory_space<hbm>>
    tpu.enqueue_indirect_dma source(%dma_start3A_167 : memref<10000x64xf32, #tpu.memory_space<hbm>>) target(%arg8 : memref<80x64xf32, #tpu.memory_space<vmem>>) offsets(%dma_start3A_164 : memref<80xi32, #tpu.memory_space<vmem>>) semaphore(%arg14 : memref<!tpu.dma_semaphore, #tpu.memory_space<semaphore_mem>>)
    %scan3A_168 = arith.constant 0 : i32
    %scan3A_169 = arith.constant 24 : i32
    %scan3A_170 = arith.addi %scan3A_168, %scan3A_169 : i32
    %scan3A_171 = arith.constant 1 : i32
    scf.for %scan3A_225 = %scan3A_168 to %scan3A_170 step %scan3A_171  : i32 {
      %mul3A_226 = arith.constant 1 : i32
      %mul3A_227 = arith.muli %scan3A_225, %mul3A_226 : i32
      %add3A_228 = arith.constant 1 : i32
      %add3A_229 = arith.addi %add3A_228, %mul3A_227 : i32
      %mul3A_230 = arith.constant 5 : i32
      %mul3A_231 = arith.muli %mul3A_230, %add3A_229 : i32
      %add3A_232 = arith.constant 0 : i32
      %add3A_233 = arith.addi %mul3A_231, %add3A_232 : i32
      %dma_wait3A_234 = arith.constant 0 : i32
      %dma_wait3A_235 = tpu.memref_slice %arg5[%add3A_233, %dma_wait3A_234] : memref<125x80xi32, #tpu.memory_space<vmem>> -> memref<1x80xi32, #tpu.memory_space<vmem>>
      %dma_wait3A_236 = tpu.memref_squeeze %dma_wait3A_235 : memref<1x80xi32, #tpu.memory_space<vmem>> -> memref<80xi32, #tpu.memory_space<vmem>>
      %dma_wait3A_237 = arith.constant 0 : i32
      %dma_wait3A_238 = arith.constant 0 : i32
      %dma_wait3A_239 = tpu.memref_slice %arg3[%dma_wait3A_237, %dma_wait3A_238] : memref<10000x64xf32, #tpu.memory_space<hbm>> -> memref<10000x64xf32, #tpu.memory_space<hbm>>
      tpu.wait_indirect_dma semaphore(%arg13 : memref<!tpu.dma_semaphore, #tpu.memory_space<semaphore_mem>>) src(%dma_wait3A_239 : memref<10000x64xf32, #tpu.memory_space<hbm>>) dst(%arg7 : memref<80x64xf32, #tpu.memory_space<vmem>>)
      %dma_start3A_240 = arith.constant 0 : i32
      %dma_start3A_241 = tpu.memref_slice %arg6[%add3A_233, %dma_start3A_240] : memref<125x80xi32, #tpu.memory_space<vmem>> -> memref<1x80xi32, #tpu.memory_space<vmem>>
      %dma_start3A_242 = tpu.memref_squeeze %dma_start3A_241 : memref<1x80xi32, #tpu.memory_space<vmem>> -> memref<80xi32, #tpu.memory_space<vmem>>
      %dma_start3A_243 = arith.constant 0 : i32
      %dma_start3A_244 = arith.constant 0 : i32
      %dma_start3A_245 = tpu.memref_slice %arg23[%dma_start3A_243, %dma_start3A_244] : memref<10000x64xf32, #tpu.memory_space<vmem_shared>> -> memref<10000x64xf32, #tpu.memory_space<vmem_shared>>
      tpu.enqueue_indirect_dma source(%arg7 : memref<80x64xf32, #tpu.memory_space<vmem>>) target(%dma_start3A_245 : memref<10000x64xf32, #tpu.memory_space<vmem_shared>>) offsets(%dma_start3A_242 : memref<80xi32, #tpu.memory_space<vmem>>) semaphore(%arg18 : memref<!tpu.dma_semaphore, #tpu.memory_space<semaphore_mem>>) {add = true}
      %sub3A = arith.constant 3 : i32
      %sub3A_246 = arith.subi %add3A_233, %sub3A : i32
      %dma_wait3A_247 = arith.constant 0 : i32
      %dma_wait3A_248 = tpu.memref_slice %arg6[%sub3A_246, %dma_wait3A_247] : memref<125x80xi32, #tpu.memory_space<vmem>> -> memref<1x80xi32, #tpu.memory_space<vmem>>
      %dma_wait3A_249 = tpu.memref_squeeze %dma_wait3A_248 : memref<1x80xi32, #tpu.memory_space<vmem>> -> memref<80xi32, #tpu.memory_space<vmem>>
      %dma_wait3A_250 = arith.constant 0 : i32
      %dma_wait3A_251 = arith.constant 0 : i32
      %dma_wait3A_252 = tpu.memref_slice %arg23[%dma_wait3A_250, %dma_wait3A_251] : memref<10000x64xf32, #tpu.memory_space<vmem_shared>> -> memref<10000x64xf32, #tpu.memory_space<vmem_shared>>
      tpu.wait_indirect_dma semaphore(%arg20 : memref<!tpu.dma_semaphore, #tpu.memory_space<semaphore_mem>>) src(%arg9 : memref<80x64xf32, #tpu.memory_space<vmem>>) dst(%dma_wait3A_252 : memref<10000x64xf32, #tpu.memory_space<vmem_shared>>)
      %add3A_253 = arith.constant 2 : i32
      %add3A_254 = arith.addi %add3A_233, %add3A_253 : i32
      %lt3A = arith.constant 125 : i32
      %lt3A_255 = arith.cmpi slt, %add3A_254, %lt3A : i32
      %convert_element_type3A = arith.extui %lt3A_255 : i1 to i32
      %cond3A = arith.constant 0 : i32
      %cond3A_256 = arith.cmpi ne, %convert_element_type3A, %cond3A : i32
      scf.if %cond3A_256 {
        %add3A_373 = arith.constant 2 : i32
        %add3A_374 = arith.addi %add3A_233, %add3A_373 : i32
        %dma_start3A_375 = arith.constant 0 : i32
        %dma_start3A_376 = tpu.memref_slice %arg5[%add3A_374, %dma_start3A_375] : memref<125x80xi32, #tpu.memory_space<vmem>> -> memref<1x80xi32, #tpu.memory_space<vmem>>
        %dma_start3A_377 = tpu.memref_squeeze %dma_start3A_376 : memref<1x80xi32, #tpu.memory_space<vmem>> -> memref<80xi32, #tpu.memory_space<vmem>>
        %dma_start3A_378 = arith.constant 0 : i32
        %dma_start3A_379 = arith.constant 0 : i32
        %dma_start3A_380 = tpu.memref_slice %arg3[%dma_start3A_378, %dma_start3A_379] : memref<10000x64xf32, #tpu.memory_space<hbm>> -> memref<10000x64xf32, #tpu.memory_space<hbm>>
        tpu.enqueue_indirect_dma source(%dma_start3A_380 : memref<10000x64xf32, #tpu.memory_space<hbm>>) target(%arg9 : memref<80x64xf32, #tpu.memory_space<vmem>>) offsets(%dma_start3A_377 : memref<80xi32, #tpu.memory_space<vmem>>) semaphore(%arg15 : memref<!tpu.dma_semaphore, #tpu.memory_space<semaphore_mem>>)
      } else {
      }
      %add3A_257 = arith.constant 1 : i32
      %add3A_258 = arith.addi %mul3A_231, %add3A_257 : i32
      %dma_wait3A_259 = arith.constant 0 : i32
      %dma_wait3A_260 = tpu.memref_slice %arg5[%add3A_258, %dma_wait3A_259] : memref<125x80xi32, #tpu.memory_space<vmem>> -> memref<1x80xi32, #tpu.memory_space<vmem>>
      %dma_wait3A_261 = tpu.memref_squeeze %dma_wait3A_260 : memref<1x80xi32, #tpu.memory_space<vmem>> -> memref<80xi32, #tpu.memory_space<vmem>>
      %dma_wait3A_262 = arith.constant 0 : i32
      %dma_wait3A_263 = arith.constant 0 : i32
      %dma_wait3A_264 = tpu.memref_slice %arg3[%dma_wait3A_262, %dma_wait3A_263] : memref<10000x64xf32, #tpu.memory_space<hbm>> -> memref<10000x64xf32, #tpu.memory_space<hbm>>
      tpu.wait_indirect_dma semaphore(%arg14 : memref<!tpu.dma_semaphore, #tpu.memory_space<semaphore_mem>>) src(%dma_wait3A_264 : memref<10000x64xf32, #tpu.memory_space<hbm>>) dst(%arg8 : memref<80x64xf32, #tpu.memory_space<vmem>>)
      %dma_start3A_265 = arith.constant 0 : i32
      %dma_start3A_266 = tpu.memref_slice %arg6[%add3A_258, %dma_start3A_265] : memref<125x80xi32, #tpu.memory_space<vmem>> -> memref<1x80xi32, #tpu.memory_space<vmem>>
      %dma_start3A_267 = tpu.memref_squeeze %dma_start3A_266 : memref<1x80xi32, #tpu.memory_space<vmem>> -> memref<80xi32, #tpu.memory_space<vmem>>
      %dma_start3A_268 = arith.constant 0 : i32
      %dma_start3A_269 = arith.constant 0 : i32
      %dma_start3A_270 = tpu.memref_slice %arg23[%dma_start3A_268, %dma_start3A_269] : memref<10000x64xf32, #tpu.memory_space<vmem_shared>> -> memref<10000x64xf32, #tpu.memory_space<vmem_shared>>
      tpu.enqueue_indirect_dma source(%arg8 : memref<80x64xf32, #tpu.memory_space<vmem>>) target(%dma_start3A_270 : memref<10000x64xf32, #tpu.memory_space<vmem_shared>>) offsets(%dma_start3A_267 : memref<80xi32, #tpu.memory_space<vmem>>) semaphore(%arg19 : memref<!tpu.dma_semaphore, #tpu.memory_space<semaphore_mem>>) {add = true}
      %sub3A_271 = arith.constant 3 : i32
      %sub3A_272 = arith.subi %add3A_258, %sub3A_271 : i32
      %dma_wait3A_273 = arith.constant 0 : i32
      %dma_wait3A_274 = tpu.memref_slice %arg6[%sub3A_272, %dma_wait3A_273] : memref<125x80xi32, #tpu.memory_space<vmem>> -> memref<1x80xi32, #tpu.memory_space<vmem>>
      %dma_wait3A_275 = tpu.memref_squeeze %dma_wait3A_274 : memref<1x80xi32, #tpu.memory_space<vmem>> -> memref<80xi32, #tpu.memory_space<vmem>>
      %dma_wait3A_276 = arith.constant 0 : i32
      %dma_wait3A_277 = arith.constant 0 : i32
      %dma_wait3A_278 = tpu.memref_slice %arg23[%dma_wait3A_276, %dma_wait3A_277] : memref<10000x64xf32, #tpu.memory_space<vmem_shared>> -> memref<10000x64xf32, #tpu.memory_space<vmem_shared>>
      tpu.wait_indirect_dma semaphore(%arg21 : memref<!tpu.dma_semaphore, #tpu.memory_space<semaphore_mem>>) src(%arg10 : memref<80x64xf32, #tpu.memory_space<vmem>>) dst(%dma_wait3A_278 : memref<10000x64xf32, #tpu.memory_space<vmem_shared>>)
      %add3A_279 = arith.constant 2 : i32
      %add3A_280 = arith.addi %add3A_258, %add3A_279 : i32
      %lt3A_281 = arith.constant 125 : i32
      %lt3A_282 = arith.cmpi slt, %add3A_280, %lt3A_281 : i32
      %convert_element_type3A_283 = arith.extui %lt3A_282 : i1 to i32
      %cond3A_284 = arith.constant 0 : i32
      %cond3A_285 = arith.cmpi ne, %convert_element_type3A_283, %cond3A_284 : i32
      scf.if %cond3A_285 {
        %add3A_373 = arith.constant 2 : i32
        %add3A_374 = arith.addi %add3A_258, %add3A_373 : i32
        %dma_start3A_375 = arith.constant 0 : i32
        %dma_start3A_376 = tpu.memref_slice %arg5[%add3A_374, %dma_start3A_375] : memref<125x80xi32, #tpu.memory_space<vmem>> -> memref<1x80xi32, #tpu.memory_space<vmem>>
        %dma_start3A_377 = tpu.memref_squeeze %dma_start3A_376 : memref<1x80xi32, #tpu.memory_space<vmem>> -> memref<80xi32, #tpu.memory_space<vmem>>
        %dma_start3A_378 = arith.constant 0 : i32
        %dma_start3A_379 = arith.constant 0 : i32
        %dma_start3A_380 = tpu.memref_slice %arg3[%dma_start3A_378, %dma_start3A_379] : memref<10000x64xf32, #tpu.memory_space<hbm>> -> memref<10000x64xf32, #tpu.memory_space<hbm>>
        tpu.enqueue_indirect_dma source(%dma_start3A_380 : memref<10000x64xf32, #tpu.memory_space<hbm>>) target(%arg10 : memref<80x64xf32, #tpu.memory_space<vmem>>) offsets(%dma_start3A_377 : memref<80xi32, #tpu.memory_space<vmem>>) semaphore(%arg16 : memref<!tpu.dma_semaphore, #tpu.memory_space<semaphore_mem>>)
      } else {
      }
      %add3A_286 = arith.constant 2 : i32
      %add3A_287 = arith.addi %mul3A_231, %add3A_286 : i32
      %dma_wait3A_288 = arith.constant 0 : i32
      %dma_wait3A_289 = tpu.memref_slice %arg5[%add3A_287, %dma_wait3A_288] : memref<125x80xi32, #tpu.memory_space<vmem>> -> memref<1x80xi32, #tpu.memory_space<vmem>>
      %dma_wait3A_290 = tpu.memref_squeeze %dma_wait3A_289 : memref<1x80xi32, #tpu.memory_space<vmem>> -> memref<80xi32, #tpu.memory_space<vmem>>
      %dma_wait3A_291 = arith.constant 0 : i32
      %dma_wait3A_292 = arith.constant 0 : i32
      %dma_wait3A_293 = tpu.memref_slice %arg3[%dma_wait3A_291, %dma_wait3A_292] : memref<10000x64xf32, #tpu.memory_space<hbm>> -> memref<10000x64xf32, #tpu.memory_space<hbm>>
      tpu.wait_indirect_dma semaphore(%arg15 : memref<!tpu.dma_semaphore, #tpu.memory_space<semaphore_mem>>) src(%dma_wait3A_293 : memref<10000x64xf32, #tpu.memory_space<hbm>>) dst(%arg9 : memref<80x64xf32, #tpu.memory_space<vmem>>)
      %dma_start3A_294 = arith.constant 0 : i32
      %dma_start3A_295 = tpu.memref_slice %arg6[%add3A_287, %dma_start3A_294] : memref<125x80xi32, #tpu.memory_space<vmem>> -> memref<1x80xi32, #tpu.memory_space<vmem>>
      %dma_start3A_296 = tpu.memref_squeeze %dma_start3A_295 : memref<1x80xi32, #tpu.memory_space<vmem>> -> memref<80xi32, #tpu.memory_space<vmem>>
      %dma_start3A_297 = arith.constant 0 : i32
      %dma_start3A_298 = arith.constant 0 : i32
      %dma_start3A_299 = tpu.memref_slice %arg23[%dma_start3A_297, %dma_start3A_298] : memref<10000x64xf32, #tpu.memory_space<vmem_shared>> -> memref<10000x64xf32, #tpu.memory_space<vmem_shared>>
      tpu.enqueue_indirect_dma source(%arg9 : memref<80x64xf32, #tpu.memory_space<vmem>>) target(%dma_start3A_299 : memref<10000x64xf32, #tpu.memory_space<vmem_shared>>) offsets(%dma_start3A_296 : memref<80xi32, #tpu.memory_space<vmem>>) semaphore(%arg20 : memref<!tpu.dma_semaphore, #tpu.memory_space<semaphore_mem>>) {add = true}
      %sub3A_300 = arith.constant 3 : i32
      %sub3A_301 = arith.subi %add3A_287, %sub3A_300 : i32
      %dma_wait3A_302 = arith.constant 0 : i32
      %dma_wait3A_303 = tpu.memref_slice %arg6[%sub3A_301, %dma_wait3A_302] : memref<125x80xi32, #tpu.memory_space<vmem>> -> memref<1x80xi32, #tpu.memory_space<vmem>>
      %dma_wait3A_304 = tpu.memref_squeeze %dma_wait3A_303 : memref<1x80xi32, #tpu.memory_space<vmem>> -> memref<80xi32, #tpu.memory_space<vmem>>
      %dma_wait3A_305 = arith.constant 0 : i32
      %dma_wait3A_306 = arith.constant 0 : i32
      %dma_wait3A_307 = tpu.memref_slice %arg23[%dma_wait3A_305, %dma_wait3A_306] : memref<10000x64xf32, #tpu.memory_space<vmem_shared>> -> memref<10000x64xf32, #tpu.memory_space<vmem_shared>>
      tpu.wait_indirect_dma semaphore(%arg22 : memref<!tpu.dma_semaphore, #tpu.memory_space<semaphore_mem>>) src(%arg11 : memref<80x64xf32, #tpu.memory_space<vmem>>) dst(%dma_wait3A_307 : memref<10000x64xf32, #tpu.memory_space<vmem_shared>>)
      %add3A_308 = arith.constant 2 : i32
      %add3A_309 = arith.addi %add3A_287, %add3A_308 : i32
      %lt3A_310 = arith.constant 125 : i32
      %lt3A_311 = arith.cmpi slt, %add3A_309, %lt3A_310 : i32
      %convert_element_type3A_312 = arith.extui %lt3A_311 : i1 to i32
      %cond3A_313 = arith.constant 0 : i32
      %cond3A_314 = arith.cmpi ne, %convert_element_type3A_312, %cond3A_313 : i32
      scf.if %cond3A_314 {
        %add3A_373 = arith.constant 2 : i32
        %add3A_374 = arith.addi %add3A_287, %add3A_373 : i32
        %dma_start3A_375 = arith.constant 0 : i32
        %dma_start3A_376 = tpu.memref_slice %arg5[%add3A_374, %dma_start3A_375] : memref<125x80xi32, #tpu.memory_space<vmem>> -> memref<1x80xi32, #tpu.memory_space<vmem>>
        %dma_start3A_377 = tpu.memref_squeeze %dma_start3A_376 : memref<1x80xi32, #tpu.memory_space<vmem>> -> memref<80xi32, #tpu.memory_space<vmem>>
        %dma_start3A_378 = arith.constant 0 : i32
        %dma_start3A_379 = arith.constant 0 : i32
        %dma_start3A_380 = tpu.memref_slice %arg3[%dma_start3A_378, %dma_start3A_379] : memref<10000x64xf32, #tpu.memory_space<hbm>> -> memref<10000x64xf32, #tpu.memory_space<hbm>>
        tpu.enqueue_indirect_dma source(%dma_start3A_380 : memref<10000x64xf32, #tpu.memory_space<hbm>>) target(%arg11 : memref<80x64xf32, #tpu.memory_space<vmem>>) offsets(%dma_start3A_377 : memref<80xi32, #tpu.memory_space<vmem>>) semaphore(%arg17 : memref<!tpu.dma_semaphore, #tpu.memory_space<semaphore_mem>>)
      } else {
      }
      %add3A_315 = arith.constant 3 : i32
      %add3A_316 = arith.addi %mul3A_231, %add3A_315 : i32
      %dma_wait3A_317 = arith.constant 0 : i32
      %dma_wait3A_318 = tpu.memref_slice %arg5[%add3A_316, %dma_wait3A_317] : memref<125x80xi32, #tpu.memory_space<vmem>> -> memref<1x80xi32, #tpu.memory_space<vmem>>
      %dma_wait3A_319 = tpu.memref_squeeze %dma_wait3A_318 : memref<1x80xi32, #tpu.memory_space<vmem>> -> memref<80xi32, #tpu.memory_space<vmem>>
      %dma_wait3A_320 = arith.constant 0 : i32
      %dma_wait3A_321 = arith.constant 0 : i32
      %dma_wait3A_322 = tpu.memref_slice %arg3[%dma_wait3A_320, %dma_wait3A_321] : memref<10000x64xf32, #tpu.memory_space<hbm>> -> memref<10000x64xf32, #tpu.memory_space<hbm>>
      tpu.wait_indirect_dma semaphore(%arg16 : memref<!tpu.dma_semaphore, #tpu.memory_space<semaphore_mem>>) src(%dma_wait3A_322 : memref<10000x64xf32, #tpu.memory_space<hbm>>) dst(%arg10 : memref<80x64xf32, #tpu.memory_space<vmem>>)
      %dma_start3A_323 = arith.constant 0 : i32
      %dma_start3A_324 = tpu.memref_slice %arg6[%add3A_316, %dma_start3A_323] : memref<125x80xi32, #tpu.memory_space<vmem>> -> memref<1x80xi32, #tpu.memory_space<vmem>>
      %dma_start3A_325 = tpu.memref_squeeze %dma_start3A_324 : memref<1x80xi32, #tpu.memory_space<vmem>> -> memref<80xi32, #tpu.memory_space<vmem>>
      %dma_start3A_326 = arith.constant 0 : i32
      %dma_start3A_327 = arith.constant 0 : i32
      %dma_start3A_328 = tpu.memref_slice %arg23[%dma_start3A_326, %dma_start3A_327] : memref<10000x64xf32, #tpu.memory_space<vmem_shared>> -> memref<10000x64xf32, #tpu.memory_space<vmem_shared>>
      tpu.enqueue_indirect_dma source(%arg10 : memref<80x64xf32, #tpu.memory_space<vmem>>) target(%dma_start3A_328 : memref<10000x64xf32, #tpu.memory_space<vmem_shared>>) offsets(%dma_start3A_325 : memref<80xi32, #tpu.memory_space<vmem>>) semaphore(%arg21 : memref<!tpu.dma_semaphore, #tpu.memory_space<semaphore_mem>>) {add = true}
      %sub3A_329 = arith.constant 3 : i32
      %sub3A_330 = arith.subi %add3A_316, %sub3A_329 : i32
      %dma_wait3A_331 = arith.constant 0 : i32
      %dma_wait3A_332 = tpu.memref_slice %arg6[%sub3A_330, %dma_wait3A_331] : memref<125x80xi32, #tpu.memory_space<vmem>> -> memref<1x80xi32, #tpu.memory_space<vmem>>
      %dma_wait3A_333 = tpu.memref_squeeze %dma_wait3A_332 : memref<1x80xi32, #tpu.memory_space<vmem>> -> memref<80xi32, #tpu.memory_space<vmem>>
      %dma_wait3A_334 = arith.constant 0 : i32
      %dma_wait3A_335 = arith.constant 0 : i32
      %dma_wait3A_336 = tpu.memref_slice %arg23[%dma_wait3A_334, %dma_wait3A_335] : memref<10000x64xf32, #tpu.memory_space<vmem_shared>> -> memref<10000x64xf32, #tpu.memory_space<vmem_shared>>
      tpu.wait_indirect_dma semaphore(%arg18 : memref<!tpu.dma_semaphore, #tpu.memory_space<semaphore_mem>>) src(%arg7 : memref<80x64xf32, #tpu.memory_space<vmem>>) dst(%dma_wait3A_336 : memref<10000x64xf32, #tpu.memory_space<vmem_shared>>)
      %add3A_337 = arith.constant 2 : i32
      %add3A_338 = arith.addi %add3A_316, %add3A_337 : i32
      %lt3A_339 = arith.constant 125 : i32
      %lt3A_340 = arith.cmpi slt, %add3A_338, %lt3A_339 : i32
      %convert_element_type3A_341 = arith.extui %lt3A_340 : i1 to i32
      %cond3A_342 = arith.constant 0 : i32
      %cond3A_343 = arith.cmpi ne, %convert_element_type3A_341, %cond3A_342 : i32
      scf.if %cond3A_343 {
        %add3A_373 = arith.constant 2 : i32
        %add3A_374 = arith.addi %add3A_316, %add3A_373 : i32
        %dma_start3A_375 = arith.constant 0 : i32
        %dma_start3A_376 = tpu.memref_slice %arg5[%add3A_374, %dma_start3A_375] : memref<125x80xi32, #tpu.memory_space<vmem>> -> memref<1x80xi32, #tpu.memory_space<vmem>>
        %dma_start3A_377 = tpu.memref_squeeze %dma_start3A_376 : memref<1x80xi32, #tpu.memory_space<vmem>> -> memref<80xi32, #tpu.memory_space<vmem>>
        %dma_start3A_378 = arith.constant 0 : i32
        %dma_start3A_379 = arith.constant 0 : i32
        %dma_start3A_380 = tpu.memref_slice %arg3[%dma_start3A_378, %dma_start3A_379] : memref<10000x64xf32, #tpu.memory_space<hbm>> -> memref<10000x64xf32, #tpu.memory_space<hbm>>
        tpu.enqueue_indirect_dma source(%dma_start3A_380 : memref<10000x64xf32, #tpu.memory_space<hbm>>) target(%arg7 : memref<80x64xf32, #tpu.memory_space<vmem>>) offsets(%dma_start3A_377 : memref<80xi32, #tpu.memory_space<vmem>>) semaphore(%arg13 : memref<!tpu.dma_semaphore, #tpu.memory_space<semaphore_mem>>)
      } else {
      }
      %add3A_344 = arith.constant 4 : i32
      %add3A_345 = arith.addi %mul3A_231, %add3A_344 : i32
      %dma_wait3A_346 = arith.constant 0 : i32
      %dma_wait3A_347 = tpu.memref_slice %arg5[%add3A_345, %dma_wait3A_346] : memref<125x80xi32, #tpu.memory_space<vmem>> -> memref<1x80xi32, #tpu.memory_space<vmem>>
      %dma_wait3A_348 = tpu.memref_squeeze %dma_wait3A_347 : memref<1x80xi32, #tpu.memory_space<vmem>> -> memref<80xi32, #tpu.memory_space<vmem>>
      %dma_wait3A_349 = arith.constant 0 : i32
      %dma_wait3A_350 = arith.constant 0 : i32
      %dma_wait3A_351 = tpu.memref_slice %arg3[%dma_wait3A_349, %dma_wait3A_350] : memref<10000x64xf32, #tpu.memory_space<hbm>> -> memref<10000x64xf32, #tpu.memory_space<hbm>>
      tpu.wait_indirect_dma semaphore(%arg17 : memref<!tpu.dma_semaphore, #tpu.memory_space<semaphore_mem>>) src(%dma_wait3A_351 : memref<10000x64xf32, #tpu.memory_space<hbm>>) dst(%arg11 : memref<80x64xf32, #tpu.memory_space<vmem>>)
      %dma_start3A_352 = arith.constant 0 : i32
      %dma_start3A_353 = tpu.memref_slice %arg6[%add3A_345, %dma_start3A_352] : memref<125x80xi32, #tpu.memory_space<vmem>> -> memref<1x80xi32, #tpu.memory_space<vmem>>
      %dma_start3A_354 = tpu.memref_squeeze %dma_start3A_353 : memref<1x80xi32, #tpu.memory_space<vmem>> -> memref<80xi32, #tpu.memory_space<vmem>>
      %dma_start3A_355 = arith.constant 0 : i32
      %dma_start3A_356 = arith.constant 0 : i32
      %dma_start3A_357 = tpu.memref_slice %arg23[%dma_start3A_355, %dma_start3A_356] : memref<10000x64xf32, #tpu.memory_space<vmem_shared>> -> memref<10000x64xf32, #tpu.memory_space<vmem_shared>>
      tpu.enqueue_indirect_dma source(%arg11 : memref<80x64xf32, #tpu.memory_space<vmem>>) target(%dma_start3A_357 : memref<10000x64xf32, #tpu.memory_space<vmem_shared>>) offsets(%dma_start3A_354 : memref<80xi32, #tpu.memory_space<vmem>>) semaphore(%arg22 : memref<!tpu.dma_semaphore, #tpu.memory_space<semaphore_mem>>) {add = true}
      %sub3A_358 = arith.constant 3 : i32
      %sub3A_359 = arith.subi %add3A_345, %sub3A_358 : i32
      %dma_wait3A_360 = arith.constant 0 : i32
      %dma_wait3A_361 = tpu.memref_slice %arg6[%sub3A_359, %dma_wait3A_360] : memref<125x80xi32, #tpu.memory_space<vmem>> -> memref<1x80xi32, #tpu.memory_space<vmem>>
      %dma_wait3A_362 = tpu.memref_squeeze %dma_wait3A_361 : memref<1x80xi32, #tpu.memory_space<vmem>> -> memref<80xi32, #tpu.memory_space<vmem>>
      %dma_wait3A_363 = arith.constant 0 : i32
      %dma_wait3A_364 = arith.constant 0 : i32
      %dma_wait3A_365 = tpu.memref_slice %arg23[%dma_wait3A_363, %dma_wait3A_364] : memref<10000x64xf32, #tpu.memory_space<vmem_shared>> -> memref<10000x64xf32, #tpu.memory_space<vmem_shared>>
      tpu.wait_indirect_dma semaphore(%arg19 : memref<!tpu.dma_semaphore, #tpu.memory_space<semaphore_mem>>) src(%arg8 : memref<80x64xf32, #tpu.memory_space<vmem>>) dst(%dma_wait3A_365 : memref<10000x64xf32, #tpu.memory_space<vmem_shared>>)
      %add3A_366 = arith.constant 2 : i32
      %add3A_367 = arith.addi %add3A_345, %add3A_366 : i32
      %lt3A_368 = arith.constant 125 : i32
      %lt3A_369 = arith.cmpi slt, %add3A_367, %lt3A_368 : i32
      %convert_element_type3A_370 = arith.extui %lt3A_369 : i1 to i32
      %cond3A_371 = arith.constant 0 : i32
      %cond3A_372 = arith.cmpi ne, %convert_element_type3A_370, %cond3A_371 : i32
      scf.if %cond3A_372 {
        %add3A_373 = arith.constant 2 : i32
        %add3A_374 = arith.addi %add3A_345, %add3A_373 : i32
        %dma_start3A_375 = arith.constant 0 : i32
        %dma_start3A_376 = tpu.memref_slice %arg5[%add3A_374, %dma_start3A_375] : memref<125x80xi32, #tpu.memory_space<vmem>> -> memref<1x80xi32, #tpu.memory_space<vmem>>
        %dma_start3A_377 = tpu.memref_squeeze %dma_start3A_376 : memref<1x80xi32, #tpu.memory_space<vmem>> -> memref<80xi32, #tpu.memory_space<vmem>>
        %dma_start3A_378 = arith.constant 0 : i32
        %dma_start3A_379 = arith.constant 0 : i32
        %dma_start3A_380 = tpu.memref_slice %arg3[%dma_start3A_378, %dma_start3A_379] : memref<10000x64xf32, #tpu.memory_space<hbm>> -> memref<10000x64xf32, #tpu.memory_space<hbm>>
        tpu.enqueue_indirect_dma source(%dma_start3A_380 : memref<10000x64xf32, #tpu.memory_space<hbm>>) target(%arg8 : memref<80x64xf32, #tpu.memory_space<vmem>>) offsets(%dma_start3A_377 : memref<80xi32, #tpu.memory_space<vmem>>) semaphore(%arg14 : memref<!tpu.dma_semaphore, #tpu.memory_space<semaphore_mem>>)
      } else {
      }
    }
    %scan3A_172 = arith.constant 24 : i32
    %dma_wait3A_173 = arith.constant 122 : i32
    %dma_wait3A_174 = arith.constant 0 : i32
    %dma_wait3A_175 = tpu.memref_slice %arg6[%dma_wait3A_173, %dma_wait3A_174] : memref<125x80xi32, #tpu.memory_space<vmem>> -> memref<1x80xi32, #tpu.memory_space<vmem>>
    %dma_wait3A_176 = tpu.memref_squeeze %dma_wait3A_175 : memref<1x80xi32, #tpu.memory_space<vmem>> -> memref<80xi32, #tpu.memory_space<vmem>>
    %dma_wait3A_177 = arith.constant 0 : i32
    %dma_wait3A_178 = arith.constant 0 : i32
    %dma_wait3A_179 = tpu.memref_slice %arg23[%dma_wait3A_177, %dma_wait3A_178] : memref<10000x64xf32, #tpu.memory_space<vmem_shared>> -> memref<10000x64xf32, #tpu.memory_space<vmem_shared>>
    tpu.wait_indirect_dma semaphore(%arg20 : memref<!tpu.dma_semaphore, #tpu.memory_space<semaphore_mem>>) src(%arg9 : memref<80x64xf32, #tpu.memory_space<vmem>>) dst(%dma_wait3A_179 : memref<10000x64xf32, #tpu.memory_space<vmem_shared>>)
    %dma_wait3A_180 = arith.constant 123 : i32
    %dma_wait3A_181 = arith.constant 0 : i32
    %dma_wait3A_182 = tpu.memref_slice %arg6[%dma_wait3A_180, %dma_wait3A_181] : memref<125x80xi32, #tpu.memory_space<vmem>> -> memref<1x80xi32, #tpu.memory_space<vmem>>
    %dma_wait3A_183 = tpu.memref_squeeze %dma_wait3A_182 : memref<1x80xi32, #tpu.memory_space<vmem>> -> memref<80xi32, #tpu.memory_space<vmem>>
    %dma_wait3A_184 = arith.constant 0 : i32
    %dma_wait3A_185 = arith.constant 0 : i32
    %dma_wait3A_186 = tpu.memref_slice %arg23[%dma_wait3A_184, %dma_wait3A_185] : memref<10000x64xf32, #tpu.memory_space<vmem_shared>> -> memref<10000x64xf32, #tpu.memory_space<vmem_shared>>
    tpu.wait_indirect_dma semaphore(%arg21 : memref<!tpu.dma_semaphore, #tpu.memory_space<semaphore_mem>>) src(%arg10 : memref<80x64xf32, #tpu.memory_space<vmem>>) dst(%dma_wait3A_186 : memref<10000x64xf32, #tpu.memory_space<vmem_shared>>)
    %dma_wait3A_187 = arith.constant 124 : i32
    %dma_wait3A_188 = arith.constant 0 : i32
    %dma_wait3A_189 = tpu.memref_slice %arg6[%dma_wait3A_187, %dma_wait3A_188] : memref<125x80xi32, #tpu.memory_space<vmem>> -> memref<1x80xi32, #tpu.memory_space<vmem>>
    %dma_wait3A_190 = tpu.memref_squeeze %dma_wait3A_189 : memref<1x80xi32, #tpu.memory_space<vmem>> -> memref<80xi32, #tpu.memory_space<vmem>>
    %dma_wait3A_191 = arith.constant 0 : i32
    %dma_wait3A_192 = arith.constant 0 : i32
    %dma_wait3A_193 = tpu.memref_slice %arg23[%dma_wait3A_191, %dma_wait3A_192] : memref<10000x64xf32, #tpu.memory_space<vmem_shared>> -> memref<10000x64xf32, #tpu.memory_space<vmem_shared>>
    tpu.wait_indirect_dma semaphore(%arg22 : memref<!tpu.dma_semaphore, #tpu.memory_space<semaphore_mem>>) src(%arg11 : memref<80x64xf32, #tpu.memory_space<vmem>>) dst(%dma_wait3A_193 : memref<10000x64xf32, #tpu.memory_space<vmem_shared>>)
    %barrier3A_194 = arith.constant 0 : index
    tpu.barrier barrier_id(%barrier3A_194)
    %mul3A_195 = arith.constant 5 : i32
    %mul3A_196 = arith.muli %arg1, %mul3A_195 : i32
    %add3A_197 = arith.constant 0 : i32
    %add3A_198 = arith.addi %mul3A_196, %add3A_197 : i32
    %mul3A_199 = arith.constant 125 : i32
    %mul3A_200 = arith.muli %add3A_198, %mul3A_199 : i32
    "tpu.region"() ({
      %run_scoped3A_225 = tpu.sem_alloc : memref<!tpu.dma_semaphore, #tpu.memory_space<semaphore_mem>>
      %dma_start3A_226 = arith.constant 0 : i32
      %dma_start3A_227 = tpu.memref_slice %arg23[%mul3A_200, %dma_start3A_226] : memref<10000x64xf32, #tpu.memory_space<vmem_shared>> -> memref<125x64xf32, #tpu.memory_space<vmem_shared>>
      %dma_start3A_228 = arith.constant 0 : i32
      %dma_start3A_229 = tpu.memref_slice %arg23[%mul3A_200, %dma_start3A_228] : memref<10000x64xf32, #tpu.memory_space<vmem_shared>> -> memref<125x64xf32, #tpu.memory_space<vmem_shared>>
      tpu.enqueue_dma source(%dma_start3A_229 : memref<125x64xf32, #tpu.memory_space<vmem_shared>>) target(%arg12 : memref<125x64xf32, #tpu.memory_space<vmem>>) target_semaphore(%run_scoped3A_225 : memref<!tpu.dma_semaphore, #tpu.memory_space<semaphore_mem>>)
      %dma_wait3A_230 = arith.constant 0 : i32
      %dma_wait3A_231 = tpu.memref_slice %arg23[%mul3A_200, %dma_wait3A_230] : memref<10000x64xf32, #tpu.memory_space<vmem_shared>> -> memref<125x64xf32, #tpu.memory_space<vmem_shared>>
      %dma_wait3A_232 = arith.constant 0 : i32
      %dma_wait3A_233 = tpu.memref_slice %arg23[%mul3A_200, %dma_wait3A_232] : memref<10000x64xf32, #tpu.memory_space<vmem_shared>> -> memref<125x64xf32, #tpu.memory_space<vmem_shared>>
      tpu.wait_dma2 semaphore(%run_scoped3A_225 : memref<!tpu.dma_semaphore, #tpu.memory_space<semaphore_mem>>) src(%dma_wait3A_233 : memref<125x64xf32, #tpu.memory_space<vmem_shared>>) dst(%arg12 : memref<125x64xf32, #tpu.memory_space<vmem>>)
      tpu.yield
    }) : () -> ()
    "tpu.region"() ({
      %run_scoped3A_225 = tpu.sem_alloc : memref<!tpu.dma_semaphore, #tpu.memory_space<semaphore_mem>>
      %dma_start3A_226 = arith.constant 0 : i32
      %dma_start3A_227 = tpu.memref_slice %arg4[%arg0, %mul3A_200, %dma_start3A_226] : memref<2x10000x64xf32, #tpu.memory_space<hbm>> -> memref<1x125x64xf32, #tpu.memory_space<hbm>>
      %dma_start3A_228 = tpu.memref_squeeze %dma_start3A_227 : memref<1x125x64xf32, #tpu.memory_space<hbm>> -> memref<125x64xf32, #tpu.memory_space<hbm>>
      %dma_start3A_229 = arith.constant 0 : i32
      %dma_start3A_230 = tpu.memref_slice %arg4[%arg0, %mul3A_200, %dma_start3A_229] : memref<2x10000x64xf32, #tpu.memory_space<hbm>> -> memref<1x125x64xf32, #tpu.memory_space<hbm>>
      %dma_start3A_231 = tpu.memref_squeeze %dma_start3A_230 : memref<1x125x64xf32, #tpu.memory_space<hbm>> -> memref<125x64xf32, #tpu.memory_space<hbm>>
      tpu.enqueue_dma source(%arg12 : memref<125x64xf32, #tpu.memory_space<vmem>>) target(%dma_start3A_231 : memref<125x64xf32, #tpu.memory_space<hbm>>) target_semaphore(%run_scoped3A_225 : memref<!tpu.dma_semaphore, #tpu.memory_space<semaphore_mem>>)
      %dma_wait3A_232 = arith.constant 0 : i32
      %dma_wait3A_233 = tpu.memref_slice %arg4[%arg0, %mul3A_200, %dma_wait3A_232] : memref<2x10000x64xf32, #tpu.memory_space<hbm>> -> memref<1x125x64xf32, #tpu.memory_space<hbm>>
      %dma_wait3A_234 = tpu.memref_squeeze %dma_wait3A_233 : memref<1x125x64xf32, #tpu.memory_space<hbm>> -> memref<125x64xf32, #tpu.memory_space<hbm>>
      %dma_wait3A_235 = arith.constant 0 : i32
      %dma_wait3A_236 = tpu.memref_slice %arg4[%arg0, %mul3A_200, %dma_wait3A_235] : memref<2x10000x64xf32, #tpu.memory_space<hbm>> -> memref<1x125x64xf32, #tpu.memory_space<hbm>>
      %dma_wait3A_237 = tpu.memref_squeeze %dma_wait3A_236 : memref<1x125x64xf32, #tpu.memory_space<hbm>> -> memref<125x64xf32, #tpu.memory_space<hbm>>
      tpu.wait_dma2 semaphore(%run_scoped3A_225 : memref<!tpu.dma_semaphore, #tpu.memory_space<semaphore_mem>>) src(%arg12 : memref<125x64xf32, #tpu.memory_space<vmem>>) dst(%dma_wait3A_237 : memref<125x64xf32, #tpu.memory_space<hbm>>)
      tpu.yield
    }) : () -> ()
    %mul3A_201 = arith.constant 5 : i32
    %mul3A_202 = arith.muli %arg1, %mul3A_201 : i32
    %add3A_203 = arith.constant 1 : i32
    %add3A_204 = arith.addi %mul3A_202, %add3A_203 : i32
    %mul3A_205 = arith.constant 125 : i32
    %mul3A_206 = arith.muli %add3A_204, %mul3A_205 : i32
    "tpu.region"() ({
      %run_scoped3A_225 = tpu.sem_alloc : memref<!tpu.dma_semaphore, #tpu.memory_space<semaphore_mem>>
      %dma_start3A_226 = arith.constant 0 : i32
      %dma_start3A_227 = tpu.memref_slice %arg23[%mul3A_206, %dma_start3A_226] : memref<10000x64xf32, #tpu.memory_space<vmem_shared>> -> memref<125x64xf32, #tpu.memory_space<vmem_shared>>
      %dma_start3A_228 = arith.constant 0 : i32
      %dma_start3A_229 = tpu.memref_slice %arg23[%mul3A_206, %dma_start3A_228] : memref<10000x64xf32, #tpu.memory_space<vmem_shared>> -> memref<125x64xf32, #tpu.memory_space<vmem_shared>>
      tpu.enqueue_dma source(%dma_start3A_229 : memref<125x64xf32, #tpu.memory_space<vmem_shared>>) target(%arg12 : memref<125x64xf32, #tpu.memory_space<vmem>>) target_semaphore(%run_scoped3A_225 : memref<!tpu.dma_semaphore, #tpu.memory_space<semaphore_mem>>)
      %dma_wait3A_230 = arith.constant 0 : i32
      %dma_wait3A_231 = tpu.memref_slice %arg23[%mul3A_206, %dma_wait3A_230] : memref<10000x64xf32, #tpu.memory_space<vmem_shared>> -> memref<125x64xf32, #tpu.memory_space<vmem_shared>>
      %dma_wait3A_232 = arith.constant 0 : i32
      %dma_wait3A_233 = tpu.memref_slice %arg23[%mul3A_206, %dma_wait3A_232] : memref<10000x64xf32, #tpu.memory_space<vmem_shared>> -> memref<125x64xf32, #tpu.memory_space<vmem_shared>>
      tpu.wait_dma2 semaphore(%run_scoped3A_225 : memref<!tpu.dma_semaphore, #tpu.memory_space<semaphore_mem>>) src(%dma_wait3A_233 : memref<125x64xf32, #tpu.memory_space<vmem_shared>>) dst(%arg12 : memref<125x64xf32, #tpu.memory_space<vmem>>)
      tpu.yield
    }) : () -> ()
    "tpu.region"() ({
      %run_scoped3A_225 = tpu.sem_alloc : memref<!tpu.dma_semaphore, #tpu.memory_space<semaphore_mem>>
      %dma_start3A_226 = arith.constant 0 : i32
      %dma_start3A_227 = tpu.memref_slice %arg4[%arg0, %mul3A_206, %dma_start3A_226] : memref<2x10000x64xf32, #tpu.memory_space<hbm>> -> memref<1x125x64xf32, #tpu.memory_space<hbm>>
      %dma_start3A_228 = tpu.memref_squeeze %dma_start3A_227 : memref<1x125x64xf32, #tpu.memory_space<hbm>> -> memref<125x64xf32, #tpu.memory_space<hbm>>
      %dma_start3A_229 = arith.constant 0 : i32
      %dma_start3A_230 = tpu.memref_slice %arg4[%arg0, %mul3A_206, %dma_start3A_229] : memref<2x10000x64xf32, #tpu.memory_space<hbm>> -> memref<1x125x64xf32, #tpu.memory_space<hbm>>
      %dma_start3A_231 = tpu.memref_squeeze %dma_start3A_230 : memref<1x125x64xf32, #tpu.memory_space<hbm>> -> memref<125x64xf32, #tpu.memory_space<hbm>>
      tpu.enqueue_dma source(%arg12 : memref<125x64xf32, #tpu.memory_space<vmem>>) target(%dma_start3A_231 : memref<125x64xf32, #tpu.memory_space<hbm>>) target_semaphore(%run_scoped3A_225 : memref<!tpu.dma_semaphore, #tpu.memory_space<semaphore_mem>>)
      %dma_wait3A_232 = arith.constant 0 : i32
      %dma_wait3A_233 = tpu.memref_slice %arg4[%arg0, %mul3A_206, %dma_wait3A_232] : memref<2x10000x64xf32, #tpu.memory_space<hbm>> -> memref<1x125x64xf32, #tpu.memory_space<hbm>>
      %dma_wait3A_234 = tpu.memref_squeeze %dma_wait3A_233 : memref<1x125x64xf32, #tpu.memory_space<hbm>> -> memref<125x64xf32, #tpu.memory_space<hbm>>
      %dma_wait3A_235 = arith.constant 0 : i32
      %dma_wait3A_236 = tpu.memref_slice %arg4[%arg0, %mul3A_206, %dma_wait3A_235] : memref<2x10000x64xf32, #tpu.memory_space<hbm>> -> memref<1x125x64xf32, #tpu.memory_space<hbm>>
      %dma_wait3A_237 = tpu.memref_squeeze %dma_wait3A_236 : memref<1x125x64xf32, #tpu.memory_space<hbm>> -> memref<125x64xf32, #tpu.memory_space<hbm>>
      tpu.wait_dma2 semaphore(%run_scoped3A_225 : memref<!tpu.dma_semaphore, #tpu.memory_space<semaphore_mem>>) src(%arg12 : memref<125x64xf32, #tpu.memory_space<vmem>>) dst(%dma_wait3A_237 : memref<125x64xf32, #tpu.memory_space<hbm>>)
      tpu.yield
    }) : () -> ()
    %mul3A_207 = arith.constant 5 : i32
    %mul3A_208 = arith.muli %arg1, %mul3A_207 : i32
    %add3A_209 = arith.constant 2 : i32
    %add3A_210 = arith.addi %mul3A_208, %add3A_209 : i32
    %mul3A_211 = arith.constant 125 : i32
    %mul3A_212 = arith.muli %add3A_210, %mul3A_211 : i32
    "tpu.region"() ({
      %run_scoped3A_225 = tpu.sem_alloc : memref<!tpu.dma_semaphore, #tpu.memory_space<semaphore_mem>>
      %dma_start3A_226 = arith.constant 0 : i32
      %dma_start3A_227 = tpu.memref_slice %arg23[%mul3A_212, %dma_start3A_226] : memref<10000x64xf32, #tpu.memory_space<vmem_shared>> -> memref<125x64xf32, #tpu.memory_space<vmem_shared>>
      %dma_start3A_228 = arith.constant 0 : i32
      %dma_start3A_229 = tpu.memref_slice %arg23[%mul3A_212, %dma_start3A_228] : memref<10000x64xf32, #tpu.memory_space<vmem_shared>> -> memref<125x64xf32, #tpu.memory_space<vmem_shared>>
      tpu.enqueue_dma source(%dma_start3A_229 : memref<125x64xf32, #tpu.memory_space<vmem_shared>>) target(%arg12 : memref<125x64xf32, #tpu.memory_space<vmem>>) target_semaphore(%run_scoped3A_225 : memref<!tpu.dma_semaphore, #tpu.memory_space<semaphore_mem>>)
      %dma_wait3A_230 = arith.constant 0 : i32
      %dma_wait3A_231 = tpu.memref_slice %arg23[%mul3A_212, %dma_wait3A_230] : memref<10000x64xf32, #tpu.memory_space<vmem_shared>> -> memref<125x64xf32, #tpu.memory_space<vmem_shared>>
      %dma_wait3A_232 = arith.constant 0 : i32
      %dma_wait3A_233 = tpu.memref_slice %arg23[%mul3A_212, %dma_wait3A_232] : memref<10000x64xf32, #tpu.memory_space<vmem_shared>> -> memref<125x64xf32, #tpu.memory_space<vmem_shared>>
      tpu.wait_dma2 semaphore(%run_scoped3A_225 : memref<!tpu.dma_semaphore, #tpu.memory_space<semaphore_mem>>) src(%dma_wait3A_233 : memref<125x64xf32, #tpu.memory_space<vmem_shared>>) dst(%arg12 : memref<125x64xf32, #tpu.memory_space<vmem>>)
      tpu.yield
    }) : () -> ()
    "tpu.region"() ({
      %run_scoped3A_225 = tpu.sem_alloc : memref<!tpu.dma_semaphore, #tpu.memory_space<semaphore_mem>>
      %dma_start3A_226 = arith.constant 0 : i32
      %dma_start3A_227 = tpu.memref_slice %arg4[%arg0, %mul3A_212, %dma_start3A_226] : memref<2x10000x64xf32, #tpu.memory_space<hbm>> -> memref<1x125x64xf32, #tpu.memory_space<hbm>>
      %dma_start3A_228 = tpu.memref_squeeze %dma_start3A_227 : memref<1x125x64xf32, #tpu.memory_space<hbm>> -> memref<125x64xf32, #tpu.memory_space<hbm>>
      %dma_start3A_229 = arith.constant 0 : i32
      %dma_start3A_230 = tpu.memref_slice %arg4[%arg0, %mul3A_212, %dma_start3A_229] : memref<2x10000x64xf32, #tpu.memory_space<hbm>> -> memref<1x125x64xf32, #tpu.memory_space<hbm>>
      %dma_start3A_231 = tpu.memref_squeeze %dma_start3A_230 : memref<1x125x64xf32, #tpu.memory_space<hbm>> -> memref<125x64xf32, #tpu.memory_space<hbm>>
      tpu.enqueue_dma source(%arg12 : memref<125x64xf32, #tpu.memory_space<vmem>>) target(%dma_start3A_231 : memref<125x64xf32, #tpu.memory_space<hbm>>) target_semaphore(%run_scoped3A_225 : memref<!tpu.dma_semaphore, #tpu.memory_space<semaphore_mem>>)
      %dma_wait3A_232 = arith.constant 0 : i32
      %dma_wait3A_233 = tpu.memref_slice %arg4[%arg0, %mul3A_212, %dma_wait3A_232] : memref<2x10000x64xf32, #tpu.memory_space<hbm>> -> memref<1x125x64xf32, #tpu.memory_space<hbm>>
      %dma_wait3A_234 = tpu.memref_squeeze %dma_wait3A_233 : memref<1x125x64xf32, #tpu.memory_space<hbm>> -> memref<125x64xf32, #tpu.memory_space<hbm>>
      %dma_wait3A_235 = arith.constant 0 : i32
      %dma_wait3A_236 = tpu.memref_slice %arg4[%arg0, %mul3A_212, %dma_wait3A_235] : memref<2x10000x64xf32, #tpu.memory_space<hbm>> -> memref<1x125x64xf32, #tpu.memory_space<hbm>>
      %dma_wait3A_237 = tpu.memref_squeeze %dma_wait3A_236 : memref<1x125x64xf32, #tpu.memory_space<hbm>> -> memref<125x64xf32, #tpu.memory_space<hbm>>
      tpu.wait_dma2 semaphore(%run_scoped3A_225 : memref<!tpu.dma_semaphore, #tpu.memory_space<semaphore_mem>>) src(%arg12 : memref<125x64xf32, #tpu.memory_space<vmem>>) dst(%dma_wait3A_237 : memref<125x64xf32, #tpu.memory_space<hbm>>)
      tpu.yield
    }) : () -> ()
    %mul3A_213 = arith.constant 5 : i32
    %mul3A_214 = arith.muli %arg1, %mul3A_213 : i32
    %add3A_215 = arith.constant 3 : i32
    %add3A_216 = arith.addi %mul3A_214, %add3A_215 : i32
    %mul3A_217 = arith.constant 125 : i32
    %mul3A_218 = arith.muli %add3A_216, %mul3A_217 : i32
    "tpu.region"() ({
      %run_scoped3A_225 = tpu.sem_alloc : memref<!tpu.dma_semaphore, #tpu.memory_space<semaphore_mem>>
      %dma_start3A_226 = arith.constant 0 : i32
      %dma_start3A_227 = tpu.memref_slice %arg23[%mul3A_218, %dma_start3A_226] : memref<10000x64xf32, #tpu.memory_space<vmem_shared>> -> memref<125x64xf32, #tpu.memory_space<vmem_shared>>
      %dma_start3A_228 = arith.constant 0 : i32
      %dma_start3A_229 = tpu.memref_slice %arg23[%mul3A_218, %dma_start3A_228] : memref<10000x64xf32, #tpu.memory_space<vmem_shared>> -> memref<125x64xf32, #tpu.memory_space<vmem_shared>>
      tpu.enqueue_dma source(%dma_start3A_229 : memref<125x64xf32, #tpu.memory_space<vmem_shared>>) target(%arg12 : memref<125x64xf32, #tpu.memory_space<vmem>>) target_semaphore(%run_scoped3A_225 : memref<!tpu.dma_semaphore, #tpu.memory_space<semaphore_mem>>)
      %dma_wait3A_230 = arith.constant 0 : i32
      %dma_wait3A_231 = tpu.memref_slice %arg23[%mul3A_218, %dma_wait3A_230] : memref<10000x64xf32, #tpu.memory_space<vmem_shared>> -> memref<125x64xf32, #tpu.memory_space<vmem_shared>>
      %dma_wait3A_232 = arith.constant 0 : i32
      %dma_wait3A_233 = tpu.memref_slice %arg23[%mul3A_218, %dma_wait3A_232] : memref<10000x64xf32, #tpu.memory_space<vmem_shared>> -> memref<125x64xf32, #tpu.memory_space<vmem_shared>>
      tpu.wait_dma2 semaphore(%run_scoped3A_225 : memref<!tpu.dma_semaphore, #tpu.memory_space<semaphore_mem>>) src(%dma_wait3A_233 : memref<125x64xf32, #tpu.memory_space<vmem_shared>>) dst(%arg12 : memref<125x64xf32, #tpu.memory_space<vmem>>)
      tpu.yield
    }) : () -> ()
    "tpu.region"() ({
      %run_scoped3A_225 = tpu.sem_alloc : memref<!tpu.dma_semaphore, #tpu.memory_space<semaphore_mem>>
      %dma_start3A_226 = arith.constant 0 : i32
      %dma_start3A_227 = tpu.memref_slice %arg4[%arg0, %mul3A_218, %dma_start3A_226] : memref<2x10000x64xf32, #tpu.memory_space<hbm>> -> memref<1x125x64xf32, #tpu.memory_space<hbm>>
      %dma_start3A_228 = tpu.memref_squeeze %dma_start3A_227 : memref<1x125x64xf32, #tpu.memory_space<hbm>> -> memref<125x64xf32, #tpu.memory_space<hbm>>
      %dma_start3A_229 = arith.constant 0 : i32
      %dma_start3A_230 = tpu.memref_slice %arg4[%arg0, %mul3A_218, %dma_start3A_229] : memref<2x10000x64xf32, #tpu.memory_space<hbm>> -> memref<1x125x64xf32, #tpu.memory_space<hbm>>
      %dma_start3A_231 = tpu.memref_squeeze %dma_start3A_230 : memref<1x125x64xf32, #tpu.memory_space<hbm>> -> memref<125x64xf32, #tpu.memory_space<hbm>>
      tpu.enqueue_dma source(%arg12 : memref<125x64xf32, #tpu.memory_space<vmem>>) target(%dma_start3A_231 : memref<125x64xf32, #tpu.memory_space<hbm>>) target_semaphore(%run_scoped3A_225 : memref<!tpu.dma_semaphore, #tpu.memory_space<semaphore_mem>>)
      %dma_wait3A_232 = arith.constant 0 : i32
      %dma_wait3A_233 = tpu.memref_slice %arg4[%arg0, %mul3A_218, %dma_wait3A_232] : memref<2x10000x64xf32, #tpu.memory_space<hbm>> -> memref<1x125x64xf32, #tpu.memory_space<hbm>>
      %dma_wait3A_234 = tpu.memref_squeeze %dma_wait3A_233 : memref<1x125x64xf32, #tpu.memory_space<hbm>> -> memref<125x64xf32, #tpu.memory_space<hbm>>
      %dma_wait3A_235 = arith.constant 0 : i32
      %dma_wait3A_236 = tpu.memref_slice %arg4[%arg0, %mul3A_218, %dma_wait3A_235] : memref<2x10000x64xf32, #tpu.memory_space<hbm>> -> memref<1x125x64xf32, #tpu.memory_space<hbm>>
      %dma_wait3A_237 = tpu.memref_squeeze %dma_wait3A_236 : memref<1x125x64xf32, #tpu.memory_space<hbm>> -> memref<125x64xf32, #tpu.memory_space<hbm>>
      tpu.wait_dma2 semaphore(%run_scoped3A_225 : memref<!tpu.dma_semaphore, #tpu.memory_space<semaphore_mem>>) src(%arg12 : memref<125x64xf32, #tpu.memory_space<vmem>>) dst(%dma_wait3A_237 : memref<125x64xf32, #tpu.memory_space<hbm>>)
      tpu.yield
    }) : () -> ()
    %mul3A_219 = arith.constant 5 : i32
    %mul3A_220 = arith.muli %arg1, %mul3A_219 : i32
    %add3A_221 = arith.constant 4 : i32
    %add3A_222 = arith.addi %mul3A_220, %add3A_221 : i32
    %mul3A_223 = arith.constant 125 : i32
    %mul3A_224 = arith.muli %add3A_222, %mul3A_223 : i32
    "tpu.region"() ({
      %run_scoped3A_225 = tpu.sem_alloc : memref<!tpu.dma_semaphore, #tpu.memory_space<semaphore_mem>>
      %dma_start3A_226 = arith.constant 0 : i32
      %dma_start3A_227 = tpu.memref_slice %arg23[%mul3A_224, %dma_start3A_226] : memref<10000x64xf32, #tpu.memory_space<vmem_shared>> -> memref<125x64xf32, #tpu.memory_space<vmem_shared>>
      %dma_start3A_228 = arith.constant 0 : i32
      %dma_start3A_229 = tpu.memref_slice %arg23[%mul3A_224, %dma_start3A_228] : memref<10000x64xf32, #tpu.memory_space<vmem_shared>> -> memref<125x64xf32, #tpu.memory_space<vmem_shared>>
      tpu.enqueue_dma source(%dma_start3A_229 : memref<125x64xf32, #tpu.memory_space<vmem_shared>>) target(%arg12 : memref<125x64xf32, #tpu.memory_space<vmem>>) target_semaphore(%run_scoped3A_225 : memref<!tpu.dma_semaphore, #tpu.memory_space<semaphore_mem>>)
      %dma_wait3A_230 = arith.constant 0 : i32
      %dma_wait3A_231 = tpu.memref_slice %arg23[%mul3A_224, %dma_wait3A_230] : memref<10000x64xf32, #tpu.memory_space<vmem_shared>> -> memref<125x64xf32, #tpu.memory_space<vmem_shared>>
      %dma_wait3A_232 = arith.constant 0 : i32
      %dma_wait3A_233 = tpu.memref_slice %arg23[%mul3A_224, %dma_wait3A_232] : memref<10000x64xf32, #tpu.memory_space<vmem_shared>> -> memref<125x64xf32, #tpu.memory_space<vmem_shared>>
      tpu.wait_dma2 semaphore(%run_scoped3A_225 : memref<!tpu.dma_semaphore, #tpu.memory_space<semaphore_mem>>) src(%dma_wait3A_233 : memref<125x64xf32, #tpu.memory_space<vmem_shared>>) dst(%arg12 : memref<125x64xf32, #tpu.memory_space<vmem>>)
      tpu.yield
    }) : () -> ()
    "tpu.region"() ({
      %run_scoped3A_225 = tpu.sem_alloc : memref<!tpu.dma_semaphore, #tpu.memory_space<semaphore_mem>>
      %dma_start3A_226 = arith.constant 0 : i32
      %dma_start3A_227 = tpu.memref_slice %arg4[%arg0, %mul3A_224, %dma_start3A_226] : memref<2x10000x64xf32, #tpu.memory_space<hbm>> -> memref<1x125x64xf32, #tpu.memory_space<hbm>>
      %dma_start3A_228 = tpu.memref_squeeze %dma_start3A_227 : memref<1x125x64xf32, #tpu.memory_space<hbm>> -> memref<125x64xf32, #tpu.memory_space<hbm>>
      %dma_start3A_229 = arith.constant 0 : i32
      %dma_start3A_230 = tpu.memref_slice %arg4[%arg0, %mul3A_224, %dma_start3A_229] : memref<2x10000x64xf32, #tpu.memory_space<hbm>> -> memref<1x125x64xf32, #tpu.memory_space<hbm>>
      %dma_start3A_231 = tpu.memref_squeeze %dma_start3A_230 : memref<1x125x64xf32, #tpu.memory_space<hbm>> -> memref<125x64xf32, #tpu.memory_space<hbm>>
      tpu.enqueue_dma source(%arg12 : memref<125x64xf32, #tpu.memory_space<vmem>>) target(%dma_start3A_231 : memref<125x64xf32, #tpu.memory_space<hbm>>) target_semaphore(%run_scoped3A_225 : memref<!tpu.dma_semaphore, #tpu.memory_space<semaphore_mem>>)
      %dma_wait3A_232 = arith.constant 0 : i32
      %dma_wait3A_233 = tpu.memref_slice %arg4[%arg0, %mul3A_224, %dma_wait3A_232] : memref<2x10000x64xf32, #tpu.memory_space<hbm>> -> memref<1x125x64xf32, #tpu.memory_space<hbm>>
      %dma_wait3A_234 = tpu.memref_squeeze %dma_wait3A_233 : memref<1x125x64xf32, #tpu.memory_space<hbm>> -> memref<125x64xf32, #tpu.memory_space<hbm>>
      %dma_wait3A_235 = arith.constant 0 : i32
      %dma_wait3A_236 = tpu.memref_slice %arg4[%arg0, %mul3A_224, %dma_wait3A_235] : memref<2x10000x64xf32, #tpu.memory_space<hbm>> -> memref<1x125x64xf32, #tpu.memory_space<hbm>>
      %dma_wait3A_237 = tpu.memref_squeeze %dma_wait3A_236 : memref<1x125x64xf32, #tpu.memory_space<hbm>> -> memref<125x64xf32, #tpu.memory_space<hbm>>
      tpu.wait_dma2 semaphore(%run_scoped3A_225 : memref<!tpu.dma_semaphore, #tpu.memory_space<semaphore_mem>>) src(%arg12 : memref<125x64xf32, #tpu.memory_space<vmem>>) dst(%dma_wait3A_237 : memref<125x64xf32, #tpu.memory_space<hbm>>)
      tpu.yield
    }) : () -> ()
    return
  }
}

#map = affine_map<(d0, d1) -> (0, 0, 0, 0)>
#map1 = affine_map<(d0, d1) -> (0, 0, 0)>
module attributes {stable_mosaic.version = 14 : i64} {
  func.func @_deg_body(%arg0: i32, %arg1: i32, %arg2: memref<2x32x125x80xi32, #tpu.memory_space<hbm>>, %arg3: memref<2x10000x16xf32, #tpu.memory_space<hbm>>, %arg4: memref<125x80xi32, #tpu.memory_space<vmem>>, %arg5: memref<80x16xf32, #tpu.memory_space<vmem>>, %arg6: memref<125x16xf32, #tpu.memory_space<vmem>>, %arg7: memref<!tpu.dma_semaphore, #tpu.memory_space<semaphore_mem>>, %arg8: memref<!tpu.dma_semaphore, #tpu.memory_space<semaphore_mem>>, %arg9: memref<!tpu.dma_semaphore, #tpu.memory_space<semaphore_mem>>, %arg10: memref<!tpu.dma_semaphore, #tpu.memory_space<semaphore_mem>>, %arg11: memref<10000x16xf32, #tpu.memory_space<vmem_shared>>) attributes {dimension_semantics = [#tpu.dimension_semantics<core_parallel>, #tpu.dimension_semantics<subcore_parallel>], iteration_bounds = array<i64: 2, 16>, scalar_prefetch = 0 : i64, scratch_operands = 8 : i64, tpu.core_type = #tpu.core_type<sc_vector_subcore>, window_params = [{transform_indices = #map}, {transform_indices = #map1}]} {
    %mul3A = arith.constant 2 : i32
    %mul3A_0 = arith.muli %arg1, %mul3A : i32
    %add3A = arith.addi %mul3A_0, %arg0 : i32
    %broadcast_in_dim3A = arith.constant 0.000000e+00 : f32
    %broadcast_in_dim3A_1 = vector.broadcast %broadcast_in_dim3A : f32 to vector<16xf32>
    %scan3A = arith.constant 0 : i32
    %scan3A_2 = arith.constant 125 : i32
    %scan3A_3 = arith.addi %scan3A, %scan3A_2 : i32
    %scan3A_4 = arith.constant 1 : i32
    scf.for %scan3A_134 = %scan3A to %scan3A_3 step %scan3A_4  : i32 {
      %mul3A_135 = arith.constant 1 : i32
      %mul3A_136 = arith.muli %scan3A_134, %mul3A_135 : i32
      %add3A_137 = arith.constant 0 : i32
      %add3A_138 = arith.addi %add3A_137, %mul3A_136 : i32
      %jit3A = arith.constant 1 : i32
      %div3A = arith.divsi %add3A_138, %jit3A : i32
      %sign3A = arith.constant 0 : i32
      %sign3A_139 = arith.cmpi sgt, %add3A_138, %sign3A : i32
      %sign3A_140 = arith.extui %sign3A_139 : i1 to i32
      %sign3A_141 = arith.constant 0 : i32
      %sign3A_142 = arith.cmpi slt, %add3A_138, %sign3A_141 : i32
      %sign3A_143 = arith.extui %sign3A_142 : i1 to i32
      %sign3A_144 = arith.subi %sign3A_140, %sign3A_143 : i32
      %sign3A_145 = arith.constant 0 : i32
      %sign3A_146 = arith.cmpi sgt, %jit3A, %sign3A_145 : i32
      %sign3A_147 = arith.extui %sign3A_146 : i1 to i32
      %sign3A_148 = arith.constant 0 : i32
      %sign3A_149 = arith.cmpi slt, %jit3A, %sign3A_148 : i32
      %sign3A_150 = arith.extui %sign3A_149 : i1 to i32
      %sign3A_151 = arith.subi %sign3A_147, %sign3A_150 : i32
      %ne3A = arith.cmpi ne, %sign3A_144, %sign3A_151 : i32
      %rem3A = arith.remsi %add3A_138, %jit3A : i32
      %ne3A_152 = arith.constant 0 : i32
      %ne3A_153 = arith.cmpi ne, %rem3A, %ne3A_152 : i32
      %and3A = arith.andi %ne3A, %ne3A_153 : i1
      %sub3A = arith.constant 1 : i32
      %sub3A_154 = arith.subi %div3A, %sub3A : i32
      %select_n3A = arith.select %and3A, %sub3A_154, %div3A : i32
      %jit3A_155 = arith.constant 1 : i32
      %eq3A = arith.constant 0 : i32
      %eq3A_156 = arith.cmpi eq, %jit3A_155, %eq3A : i32
      %jit3A_157 = arith.constant 1 : i32
      %select_n3A_158 = arith.select %eq3A_156, %jit3A_157, %jit3A_155 : i32
      %rem3A_159 = arith.remsi %add3A_138, %select_n3A_158 : i32
      %ne3A_160 = arith.constant 0 : i32
      %ne3A_161 = arith.cmpi ne, %rem3A_159, %ne3A_160 : i32
      %lt3A = arith.constant 0 : i32
      %lt3A_162 = arith.cmpi slt, %rem3A_159, %lt3A : i32
      %lt3A_163 = arith.constant 0 : i32
      %lt3A_164 = arith.cmpi slt, %select_n3A_158, %lt3A_163 : i32
      %ne3A_165 = arith.xori %lt3A_162, %lt3A_164 : i1
      %and3A_166 = arith.andi %ne3A_165, %ne3A_161 : i1
      %add3A_167 = arith.addi %rem3A_159, %select_n3A_158 : i32
      %select_n3A_168 = arith.select %and3A_166, %add3A_167, %rem3A_159 : i32
      %mul3A_169 = arith.constant 16 : i32
      %mul3A_170 = arith.muli %select_n3A_168, %mul3A_169 : i32
      %swap3A = arith.index_cast %select_n3A : i32 to index
      %swap3A_171 = arith.index_cast %mul3A_170 : i32 to index
      %swap3A_172 = tpu.vector_load %arg6[%swap3A, %swap3A_171] {strides = array<i32>} : memref<125x16xf32, #tpu.memory_space<vmem>>, vector<1x16xf32>,
      %swap3A_173 = vector.shape_cast %swap3A_172 : vector<1x16xf32> to vector<16xf32>
      %swap3A_174 = vector.shape_cast %broadcast_in_dim3A_1 : vector<16xf32> to vector<1x16xf32>
      tpu.vector_store %arg6[%swap3A, %swap3A_171], %swap3A_174 {strides = array<i32>} : memref<125x16xf32, #tpu.memory_space<vmem>>, vector<1x16xf32>,
    }
    %scan3A_5 = arith.constant 125 : i32
    %mul3A_6 = arith.constant 5 : i32
    %mul3A_7 = arith.muli %arg1, %mul3A_6 : i32
    %add3A_8 = arith.constant 0 : i32
    %add3A_9 = arith.addi %mul3A_7, %add3A_8 : i32
    %mul3A_10 = arith.constant 125 : i32
    %mul3A_11 = arith.muli %add3A_9, %mul3A_10 : i32
    "tpu.region"() ({
      %run_scoped3A_134 = tpu.sem_alloc : memref<!tpu.dma_semaphore, #tpu.memory_space<semaphore_mem>>
      %dma_start3A_135 = arith.constant 0 : i32
      %dma_start3A_136 = tpu.memref_slice %arg11[%mul3A_11, %dma_start3A_135] : memref<10000x16xf32, #tpu.memory_space<vmem_shared>> -> memref<125x16xf32, #tpu.memory_space<vmem_shared>>
      %dma_start3A_137 = arith.constant 0 : i32
      %dma_start3A_138 = tpu.memref_slice %arg11[%mul3A_11, %dma_start3A_137] : memref<10000x16xf32, #tpu.memory_space<vmem_shared>> -> memref<125x16xf32, #tpu.memory_space<vmem_shared>>
      tpu.enqueue_dma source(%arg6 : memref<125x16xf32, #tpu.memory_space<vmem>>) target(%dma_start3A_138 : memref<125x16xf32, #tpu.memory_space<vmem_shared>>) target_semaphore(%run_scoped3A_134 : memref<!tpu.dma_semaphore, #tpu.memory_space<semaphore_mem>>)
      %dma_wait3A_139 = arith.constant 0 : i32
      %dma_wait3A_140 = tpu.memref_slice %arg11[%mul3A_11, %dma_wait3A_139] : memref<10000x16xf32, #tpu.memory_space<vmem_shared>> -> memref<125x16xf32, #tpu.memory_space<vmem_shared>>
      %dma_wait3A_141 = arith.constant 0 : i32
      %dma_wait3A_142 = tpu.memref_slice %arg11[%mul3A_11, %dma_wait3A_141] : memref<10000x16xf32, #tpu.memory_space<vmem_shared>> -> memref<125x16xf32, #tpu.memory_space<vmem_shared>>
      tpu.wait_dma2 semaphore(%run_scoped3A_134 : memref<!tpu.dma_semaphore, #tpu.memory_space<semaphore_mem>>) src(%arg6 : memref<125x16xf32, #tpu.memory_space<vmem>>) dst(%dma_wait3A_142 : memref<125x16xf32, #tpu.memory_space<vmem_shared>>)
      tpu.yield
    }) : () -> ()
    %mul3A_12 = arith.constant 5 : i32
    %mul3A_13 = arith.muli %arg1, %mul3A_12 : i32
    %add3A_14 = arith.constant 1 : i32
    %add3A_15 = arith.addi %mul3A_13, %add3A_14 : i32
    %mul3A_16 = arith.constant 125 : i32
    %mul3A_17 = arith.muli %add3A_15, %mul3A_16 : i32
    "tpu.region"() ({
      %run_scoped3A_134 = tpu.sem_alloc : memref<!tpu.dma_semaphore, #tpu.memory_space<semaphore_mem>>
      %dma_start3A_135 = arith.constant 0 : i32
      %dma_start3A_136 = tpu.memref_slice %arg11[%mul3A_17, %dma_start3A_135] : memref<10000x16xf32, #tpu.memory_space<vmem_shared>> -> memref<125x16xf32, #tpu.memory_space<vmem_shared>>
      %dma_start3A_137 = arith.constant 0 : i32
      %dma_start3A_138 = tpu.memref_slice %arg11[%mul3A_17, %dma_start3A_137] : memref<10000x16xf32, #tpu.memory_space<vmem_shared>> -> memref<125x16xf32, #tpu.memory_space<vmem_shared>>
      tpu.enqueue_dma source(%arg6 : memref<125x16xf32, #tpu.memory_space<vmem>>) target(%dma_start3A_138 : memref<125x16xf32, #tpu.memory_space<vmem_shared>>) target_semaphore(%run_scoped3A_134 : memref<!tpu.dma_semaphore, #tpu.memory_space<semaphore_mem>>)
      %dma_wait3A_139 = arith.constant 0 : i32
      %dma_wait3A_140 = tpu.memref_slice %arg11[%mul3A_17, %dma_wait3A_139] : memref<10000x16xf32, #tpu.memory_space<vmem_shared>> -> memref<125x16xf32, #tpu.memory_space<vmem_shared>>
      %dma_wait3A_141 = arith.constant 0 : i32
      %dma_wait3A_142 = tpu.memref_slice %arg11[%mul3A_17, %dma_wait3A_141] : memref<10000x16xf32, #tpu.memory_space<vmem_shared>> -> memref<125x16xf32, #tpu.memory_space<vmem_shared>>
      tpu.wait_dma2 semaphore(%run_scoped3A_134 : memref<!tpu.dma_semaphore, #tpu.memory_space<semaphore_mem>>) src(%arg6 : memref<125x16xf32, #tpu.memory_space<vmem>>) dst(%dma_wait3A_142 : memref<125x16xf32, #tpu.memory_space<vmem_shared>>)
      tpu.yield
    }) : () -> ()
    %mul3A_18 = arith.constant 5 : i32
    %mul3A_19 = arith.muli %arg1, %mul3A_18 : i32
    %add3A_20 = arith.constant 2 : i32
    %add3A_21 = arith.addi %mul3A_19, %add3A_20 : i32
    %mul3A_22 = arith.constant 125 : i32
    %mul3A_23 = arith.muli %add3A_21, %mul3A_22 : i32
    "tpu.region"() ({
      %run_scoped3A_134 = tpu.sem_alloc : memref<!tpu.dma_semaphore, #tpu.memory_space<semaphore_mem>>
      %dma_start3A_135 = arith.constant 0 : i32
      %dma_start3A_136 = tpu.memref_slice %arg11[%mul3A_23, %dma_start3A_135] : memref<10000x16xf32, #tpu.memory_space<vmem_shared>> -> memref<125x16xf32, #tpu.memory_space<vmem_shared>>
      %dma_start3A_137 = arith.constant 0 : i32
      %dma_start3A_138 = tpu.memref_slice %arg11[%mul3A_23, %dma_start3A_137] : memref<10000x16xf32, #tpu.memory_space<vmem_shared>> -> memref<125x16xf32, #tpu.memory_space<vmem_shared>>
      tpu.enqueue_dma source(%arg6 : memref<125x16xf32, #tpu.memory_space<vmem>>) target(%dma_start3A_138 : memref<125x16xf32, #tpu.memory_space<vmem_shared>>) target_semaphore(%run_scoped3A_134 : memref<!tpu.dma_semaphore, #tpu.memory_space<semaphore_mem>>)
      %dma_wait3A_139 = arith.constant 0 : i32
      %dma_wait3A_140 = tpu.memref_slice %arg11[%mul3A_23, %dma_wait3A_139] : memref<10000x16xf32, #tpu.memory_space<vmem_shared>> -> memref<125x16xf32, #tpu.memory_space<vmem_shared>>
      %dma_wait3A_141 = arith.constant 0 : i32
      %dma_wait3A_142 = tpu.memref_slice %arg11[%mul3A_23, %dma_wait3A_141] : memref<10000x16xf32, #tpu.memory_space<vmem_shared>> -> memref<125x16xf32, #tpu.memory_space<vmem_shared>>
      tpu.wait_dma2 semaphore(%run_scoped3A_134 : memref<!tpu.dma_semaphore, #tpu.memory_space<semaphore_mem>>) src(%arg6 : memref<125x16xf32, #tpu.memory_space<vmem>>) dst(%dma_wait3A_142 : memref<125x16xf32, #tpu.memory_space<vmem_shared>>)
      tpu.yield
    }) : () -> ()
    %mul3A_24 = arith.constant 5 : i32
    %mul3A_25 = arith.muli %arg1, %mul3A_24 : i32
    %add3A_26 = arith.constant 3 : i32
    %add3A_27 = arith.addi %mul3A_25, %add3A_26 : i32
    %mul3A_28 = arith.constant 125 : i32
    %mul3A_29 = arith.muli %add3A_27, %mul3A_28 : i32
    "tpu.region"() ({
      %run_scoped3A_134 = tpu.sem_alloc : memref<!tpu.dma_semaphore, #tpu.memory_space<semaphore_mem>>
      %dma_start3A_135 = arith.constant 0 : i32
      %dma_start3A_136 = tpu.memref_slice %arg11[%mul3A_29, %dma_start3A_135] : memref<10000x16xf32, #tpu.memory_space<vmem_shared>> -> memref<125x16xf32, #tpu.memory_space<vmem_shared>>
      %dma_start3A_137 = arith.constant 0 : i32
      %dma_start3A_138 = tpu.memref_slice %arg11[%mul3A_29, %dma_start3A_137] : memref<10000x16xf32, #tpu.memory_space<vmem_shared>> -> memref<125x16xf32, #tpu.memory_space<vmem_shared>>
      tpu.enqueue_dma source(%arg6 : memref<125x16xf32, #tpu.memory_space<vmem>>) target(%dma_start3A_138 : memref<125x16xf32, #tpu.memory_space<vmem_shared>>) target_semaphore(%run_scoped3A_134 : memref<!tpu.dma_semaphore, #tpu.memory_space<semaphore_mem>>)
      %dma_wait3A_139 = arith.constant 0 : i32
      %dma_wait3A_140 = tpu.memref_slice %arg11[%mul3A_29, %dma_wait3A_139] : memref<10000x16xf32, #tpu.memory_space<vmem_shared>> -> memref<125x16xf32, #tpu.memory_space<vmem_shared>>
      %dma_wait3A_141 = arith.constant 0 : i32
      %dma_wait3A_142 = tpu.memref_slice %arg11[%mul3A_29, %dma_wait3A_141] : memref<10000x16xf32, #tpu.memory_space<vmem_shared>> -> memref<125x16xf32, #tpu.memory_space<vmem_shared>>
      tpu.wait_dma2 semaphore(%run_scoped3A_134 : memref<!tpu.dma_semaphore, #tpu.memory_space<semaphore_mem>>) src(%arg6 : memref<125x16xf32, #tpu.memory_space<vmem>>) dst(%dma_wait3A_142 : memref<125x16xf32, #tpu.memory_space<vmem_shared>>)
      tpu.yield
    }) : () -> ()
    %mul3A_30 = arith.constant 5 : i32
    %mul3A_31 = arith.muli %arg1, %mul3A_30 : i32
    %add3A_32 = arith.constant 4 : i32
    %add3A_33 = arith.addi %mul3A_31, %add3A_32 : i32
    %mul3A_34 = arith.constant 125 : i32
    %mul3A_35 = arith.muli %add3A_33, %mul3A_34 : i32
    "tpu.region"() ({
      %run_scoped3A_134 = tpu.sem_alloc : memref<!tpu.dma_semaphore, #tpu.memory_space<semaphore_mem>>
      %dma_start3A_135 = arith.constant 0 : i32
      %dma_start3A_136 = tpu.memref_slice %arg11[%mul3A_35, %dma_start3A_135] : memref<10000x16xf32, #tpu.memory_space<vmem_shared>> -> memref<125x16xf32, #tpu.memory_space<vmem_shared>>
      %dma_start3A_137 = arith.constant 0 : i32
      %dma_start3A_138 = tpu.memref_slice %arg11[%mul3A_35, %dma_start3A_137] : memref<10000x16xf32, #tpu.memory_space<vmem_shared>> -> memref<125x16xf32, #tpu.memory_space<vmem_shared>>
      tpu.enqueue_dma source(%arg6 : memref<125x16xf32, #tpu.memory_space<vmem>>) target(%dma_start3A_138 : memref<125x16xf32, #tpu.memory_space<vmem_shared>>) target_semaphore(%run_scoped3A_134 : memref<!tpu.dma_semaphore, #tpu.memory_space<semaphore_mem>>)
      %dma_wait3A_139 = arith.constant 0 : i32
      %dma_wait3A_140 = tpu.memref_slice %arg11[%mul3A_35, %dma_wait3A_139] : memref<10000x16xf32, #tpu.memory_space<vmem_shared>> -> memref<125x16xf32, #tpu.memory_space<vmem_shared>>
      %dma_wait3A_141 = arith.constant 0 : i32
      %dma_wait3A_142 = tpu.memref_slice %arg11[%mul3A_35, %dma_wait3A_141] : memref<10000x16xf32, #tpu.memory_space<vmem_shared>> -> memref<125x16xf32, #tpu.memory_space<vmem_shared>>
      tpu.wait_dma2 semaphore(%run_scoped3A_134 : memref<!tpu.dma_semaphore, #tpu.memory_space<semaphore_mem>>) src(%arg6 : memref<125x16xf32, #tpu.memory_space<vmem>>) dst(%dma_wait3A_142 : memref<125x16xf32, #tpu.memory_space<vmem_shared>>)
      tpu.yield
    }) : () -> ()
    %broadcast_in_dim3A_36 = arith.constant 1.000000e+00 : f32
    %broadcast_in_dim3A_37 = vector.broadcast %broadcast_in_dim3A_36 : f32 to vector<16xf32>
    %scan3A_38 = arith.constant 0 : i32
    %scan3A_39 = arith.constant 80 : i32
    %scan3A_40 = arith.addi %scan3A_38, %scan3A_39 : i32
    %scan3A_41 = arith.constant 1 : i32
    scf.for %scan3A_134 = %scan3A_38 to %scan3A_40 step %scan3A_41  : i32 {
      %mul3A_135 = arith.constant 1 : i32
      %mul3A_136 = arith.muli %scan3A_134, %mul3A_135 : i32
      %add3A_137 = arith.constant 0 : i32
      %add3A_138 = arith.addi %add3A_137, %mul3A_136 : i32
      %jit3A = arith.constant 1 : i32
      %div3A = arith.divsi %add3A_138, %jit3A : i32
      %sign3A = arith.constant 0 : i32
      %sign3A_139 = arith.cmpi sgt, %add3A_138, %sign3A : i32
      %sign3A_140 = arith.extui %sign3A_139 : i1 to i32
      %sign3A_141 = arith.constant 0 : i32
      %sign3A_142 = arith.cmpi slt, %add3A_138, %sign3A_141 : i32
      %sign3A_143 = arith.extui %sign3A_142 : i1 to i32
      %sign3A_144 = arith.subi %sign3A_140, %sign3A_143 : i32
      %sign3A_145 = arith.constant 0 : i32
      %sign3A_146 = arith.cmpi sgt, %jit3A, %sign3A_145 : i32
      %sign3A_147 = arith.extui %sign3A_146 : i1 to i32
      %sign3A_148 = arith.constant 0 : i32
      %sign3A_149 = arith.cmpi slt, %jit3A, %sign3A_148 : i32
      %sign3A_150 = arith.extui %sign3A_149 : i1 to i32
      %sign3A_151 = arith.subi %sign3A_147, %sign3A_150 : i32
      %ne3A = arith.cmpi ne, %sign3A_144, %sign3A_151 : i32
      %rem3A = arith.remsi %add3A_138, %jit3A : i32
      %ne3A_152 = arith.constant 0 : i32
      %ne3A_153 = arith.cmpi ne, %rem3A, %ne3A_152 : i32
      %and3A = arith.andi %ne3A, %ne3A_153 : i1
      %sub3A = arith.constant 1 : i32
      %sub3A_154 = arith.subi %div3A, %sub3A : i32
      %select_n3A = arith.select %and3A, %sub3A_154, %div3A : i32
      %jit3A_155 = arith.constant 1 : i32
      %eq3A = arith.constant 0 : i32
      %eq3A_156 = arith.cmpi eq, %jit3A_155, %eq3A : i32
      %jit3A_157 = arith.constant 1 : i32
      %select_n3A_158 = arith.select %eq3A_156, %jit3A_157, %jit3A_155 : i32
      %rem3A_159 = arith.remsi %add3A_138, %select_n3A_158 : i32
      %ne3A_160 = arith.constant 0 : i32
      %ne3A_161 = arith.cmpi ne, %rem3A_159, %ne3A_160 : i32
      %lt3A = arith.constant 0 : i32
      %lt3A_162 = arith.cmpi slt, %rem3A_159, %lt3A : i32
      %lt3A_163 = arith.constant 0 : i32
      %lt3A_164 = arith.cmpi slt, %select_n3A_158, %lt3A_163 : i32
      %ne3A_165 = arith.xori %lt3A_162, %lt3A_164 : i1
      %and3A_166 = arith.andi %ne3A_165, %ne3A_161 : i1
      %add3A_167 = arith.addi %rem3A_159, %select_n3A_158 : i32
      %select_n3A_168 = arith.select %and3A_166, %add3A_167, %rem3A_159 : i32
      %mul3A_169 = arith.constant 16 : i32
      %mul3A_170 = arith.muli %select_n3A_168, %mul3A_169 : i32
      %swap3A = arith.index_cast %select_n3A : i32 to index
      %swap3A_171 = arith.index_cast %mul3A_170 : i32 to index
      %swap3A_172 = tpu.vector_load %arg5[%swap3A, %swap3A_171] {strides = array<i32>} : memref<80x16xf32, #tpu.memory_space<vmem>>, vector<1x16xf32>,
      %swap3A_173 = vector.shape_cast %swap3A_172 : vector<1x16xf32> to vector<16xf32>
      %swap3A_174 = vector.shape_cast %broadcast_in_dim3A_37 : vector<16xf32> to vector<1x16xf32>
      tpu.vector_store %arg5[%swap3A, %swap3A_171], %swap3A_174 {strides = array<i32>} : memref<80x16xf32, #tpu.memory_space<vmem>>, vector<1x16xf32>,
    }
    %scan3A_42 = arith.constant 80 : i32
    %run_scoped3A = arith.constant 1 : i32
    "tpu.region"() ({
      %run_scoped3A_134 = tpu.sem_alloc : memref<!tpu.dma_semaphore, #tpu.memory_space<semaphore_mem>>
      %dma_start3A_135 = arith.constant 0 : i32
      %dma_start3A_136 = arith.constant 0 : i32
      %dma_start3A_137 = tpu.memref_slice %arg2[%run_scoped3A, %add3A, %dma_start3A_135, %dma_start3A_136] : memref<2x32x125x80xi32, #tpu.memory_space<hbm>> -> memref<1x1x125x80xi32, #tpu.memory_space<hbm>>
      %dma_start3A_138 = tpu.memref_squeeze %dma_start3A_137 : memref<1x1x125x80xi32, #tpu.memory_space<hbm>> -> memref<125x80xi32, #tpu.memory_space<hbm>>
      %dma_start3A_139 = arith.constant 0 : i32
      %dma_start3A_140 = arith.constant 0 : i32
      %dma_start3A_141 = tpu.memref_slice %arg2[%run_scoped3A, %add3A, %dma_start3A_139, %dma_start3A_140] : memref<2x32x125x80xi32, #tpu.memory_space<hbm>> -> memref<1x1x125x80xi32, #tpu.memory_space<hbm>>
      %dma_start3A_142 = tpu.memref_squeeze %dma_start3A_141 : memref<1x1x125x80xi32, #tpu.memory_space<hbm>> -> memref<125x80xi32, #tpu.memory_space<hbm>>
      tpu.enqueue_dma source(%dma_start3A_142 : memref<125x80xi32, #tpu.memory_space<hbm>>) target(%arg4 : memref<125x80xi32, #tpu.memory_space<vmem>>) target_semaphore(%run_scoped3A_134 : memref<!tpu.dma_semaphore, #tpu.memory_space<semaphore_mem>>)
      %dma_wait3A_143 = arith.constant 0 : i32
      %dma_wait3A_144 = arith.constant 0 : i32
      %dma_wait3A_145 = tpu.memref_slice %arg2[%run_scoped3A, %add3A, %dma_wait3A_143, %dma_wait3A_144] : memref<2x32x125x80xi32, #tpu.memory_space<hbm>> -> memref<1x1x125x80xi32, #tpu.memory_space<hbm>>
      %dma_wait3A_146 = tpu.memref_squeeze %dma_wait3A_145 : memref<1x1x125x80xi32, #tpu.memory_space<hbm>> -> memref<125x80xi32, #tpu.memory_space<hbm>>
      %dma_wait3A_147 = arith.constant 0 : i32
      %dma_wait3A_148 = arith.constant 0 : i32
      %dma_wait3A_149 = tpu.memref_slice %arg2[%run_scoped3A, %add3A, %dma_wait3A_147, %dma_wait3A_148] : memref<2x32x125x80xi32, #tpu.memory_space<hbm>> -> memref<1x1x125x80xi32, #tpu.memory_space<hbm>>
      %dma_wait3A_150 = tpu.memref_squeeze %dma_wait3A_149 : memref<1x1x125x80xi32, #tpu.memory_space<hbm>> -> memref<125x80xi32, #tpu.memory_space<hbm>>
      tpu.wait_dma2 semaphore(%run_scoped3A_134 : memref<!tpu.dma_semaphore, #tpu.memory_space<semaphore_mem>>) src(%dma_wait3A_150 : memref<125x80xi32, #tpu.memory_space<hbm>>) dst(%arg4 : memref<125x80xi32, #tpu.memory_space<vmem>>)
      tpu.yield
    }) : () -> ()
    %barrier3A = arith.constant 0 : index
    tpu.barrier barrier_id(%barrier3A)
    %dma_start3A = arith.constant 0 : i32
    %dma_start3A_43 = arith.constant 0 : i32
    %dma_start3A_44 = tpu.memref_slice %arg4[%dma_start3A, %dma_start3A_43] : memref<125x80xi32, #tpu.memory_space<vmem>> -> memref<1x80xi32, #tpu.memory_space<vmem>>
    %dma_start3A_45 = tpu.memref_squeeze %dma_start3A_44 : memref<1x80xi32, #tpu.memory_space<vmem>> -> memref<80xi32, #tpu.memory_space<vmem>>
    %dma_start3A_46 = arith.constant 0 : i32
    %dma_start3A_47 = arith.constant 0 : i32
    %dma_start3A_48 = tpu.memref_slice %arg11[%dma_start3A_46, %dma_start3A_47] : memref<10000x16xf32, #tpu.memory_space<vmem_shared>> -> memref<10000x16xf32, #tpu.memory_space<vmem_shared>>
    tpu.enqueue_indirect_dma source(%arg5 : memref<80x16xf32, #tpu.memory_space<vmem>>) target(%dma_start3A_48 : memref<10000x16xf32, #tpu.memory_space<vmem_shared>>) offsets(%dma_start3A_45 : memref<80xi32, #tpu.memory_space<vmem>>) semaphore(%arg7 : memref<!tpu.dma_semaphore, #tpu.memory_space<semaphore_mem>>) {add = true}
    %dma_start3A_49 = arith.constant 1 : i32
    %dma_start3A_50 = arith.constant 0 : i32
    %dma_start3A_51 = tpu.memref_slice %arg4[%dma_start3A_49, %dma_start3A_50] : memref<125x80xi32, #tpu.memory_space<vmem>> -> memref<1x80xi32, #tpu.memory_space<vmem>>
    %dma_start3A_52 = tpu.memref_squeeze %dma_start3A_51 : memref<1x80xi32, #tpu.memory_space<vmem>> -> memref<80xi32, #tpu.memory_space<vmem>>
    %dma_start3A_53 = arith.constant 0 : i32
    %dma_start3A_54 = arith.constant 0 : i32
    %dma_start3A_55 = tpu.memref_slice %arg11[%dma_start3A_53, %dma_start3A_54] : memref<10000x16xf32, #tpu.memory_space<vmem_shared>> -> memref<10000x16xf32, #tpu.memory_space<vmem_shared>>
    tpu.enqueue_indirect_dma source(%arg5 : memref<80x16xf32, #tpu.memory_space<vmem>>) target(%dma_start3A_55 : memref<10000x16xf32, #tpu.memory_space<vmem_shared>>) offsets(%dma_start3A_52 : memref<80xi32, #tpu.memory_space<vmem>>) semaphore(%arg8 : memref<!tpu.dma_semaphore, #tpu.memory_space<semaphore_mem>>) {add = true}
    %dma_start3A_56 = arith.constant 2 : i32
    %dma_start3A_57 = arith.constant 0 : i32
    %dma_start3A_58 = tpu.memref_slice %arg4[%dma_start3A_56, %dma_start3A_57] : memref<125x80xi32, #tpu.memory_space<vmem>> -> memref<1x80xi32, #tpu.memory_space<vmem>>
    %dma_start3A_59 = tpu.memref_squeeze %dma_start3A_58 : memref<1x80xi32, #tpu.memory_space<vmem>> -> memref<80xi32, #tpu.memory_space<vmem>>
    %dma_start3A_60 = arith.constant 0 : i32
    %dma_start3A_61 = arith.constant 0 : i32
    %dma_start3A_62 = tpu.memref_slice %arg11[%dma_start3A_60, %dma_start3A_61] : memref<10000x16xf32, #tpu.memory_space<vmem_shared>> -> memref<10000x16xf32, #tpu.memory_space<vmem_shared>>
    tpu.enqueue_indirect_dma source(%arg5 : memref<80x16xf32, #tpu.memory_space<vmem>>) target(%dma_start3A_62 : memref<10000x16xf32, #tpu.memory_space<vmem_shared>>) offsets(%dma_start3A_59 : memref<80xi32, #tpu.memory_space<vmem>>) semaphore(%arg9 : memref<!tpu.dma_semaphore, #tpu.memory_space<semaphore_mem>>) {add = true}
    %dma_start3A_63 = arith.constant 3 : i32
    %dma_start3A_64 = arith.constant 0 : i32
    %dma_start3A_65 = tpu.memref_slice %arg4[%dma_start3A_63, %dma_start3A_64] : memref<125x80xi32, #tpu.memory_space<vmem>> -> memref<1x80xi32, #tpu.memory_space<vmem>>
    %dma_start3A_66 = tpu.memref_squeeze %dma_start3A_65 : memref<1x80xi32, #tpu.memory_space<vmem>> -> memref<80xi32, #tpu.memory_space<vmem>>
    %dma_start3A_67 = arith.constant 0 : i32
    %dma_start3A_68 = arith.constant 0 : i32
    %dma_start3A_69 = tpu.memref_slice %arg11[%dma_start3A_67, %dma_start3A_68] : memref<10000x16xf32, #tpu.memory_space<vmem_shared>> -> memref<10000x16xf32, #tpu.memory_space<vmem_shared>>
    tpu.enqueue_indirect_dma source(%arg5 : memref<80x16xf32, #tpu.memory_space<vmem>>) target(%dma_start3A_69 : memref<10000x16xf32, #tpu.memory_space<vmem_shared>>) offsets(%dma_start3A_66 : memref<80xi32, #tpu.memory_space<vmem>>) semaphore(%arg10 : memref<!tpu.dma_semaphore, #tpu.memory_space<semaphore_mem>>) {add = true}
    %scan3A_70 = arith.constant 0 : i32
    %scan3A_71 = arith.constant 30 : i32
    %scan3A_72 = arith.addi %scan3A_70, %scan3A_71 : i32
    %scan3A_73 = arith.constant 1 : i32
    scf.for %scan3A_134 = %scan3A_70 to %scan3A_72 step %scan3A_73  : i32 {
      %mul3A_135 = arith.constant 1 : i32
      %mul3A_136 = arith.muli %scan3A_134, %mul3A_135 : i32
      %add3A_137 = arith.constant 1 : i32
      %add3A_138 = arith.addi %add3A_137, %mul3A_136 : i32
      %mul3A_139 = arith.constant 4 : i32
      %mul3A_140 = arith.muli %mul3A_139, %add3A_138 : i32
      %add3A_141 = arith.constant 0 : i32
      %add3A_142 = arith.addi %mul3A_140, %add3A_141 : i32
      %sub3A = arith.constant 4 : i32
      %sub3A_143 = arith.subi %add3A_142, %sub3A : i32
      %dma_wait3A_144 = arith.constant 0 : i32
      %dma_wait3A_145 = tpu.memref_slice %arg4[%sub3A_143, %dma_wait3A_144] : memref<125x80xi32, #tpu.memory_space<vmem>> -> memref<1x80xi32, #tpu.memory_space<vmem>>
      %dma_wait3A_146 = tpu.memref_squeeze %dma_wait3A_145 : memref<1x80xi32, #tpu.memory_space<vmem>> -> memref<80xi32, #tpu.memory_space<vmem>>
      %dma_wait3A_147 = arith.constant 0 : i32
      %dma_wait3A_148 = arith.constant 0 : i32
      %dma_wait3A_149 = tpu.memref_slice %arg11[%dma_wait3A_147, %dma_wait3A_148] : memref<10000x16xf32, #tpu.memory_space<vmem_shared>> -> memref<10000x16xf32, #tpu.memory_space<vmem_shared>>
      tpu.wait_indirect_dma semaphore(%arg7 : memref<!tpu.dma_semaphore, #tpu.memory_space<semaphore_mem>>) src(%arg5 : memref<80x16xf32, #tpu.memory_space<vmem>>) dst(%dma_wait3A_149 : memref<10000x16xf32, #tpu.memory_space<vmem_shared>>)
      %add3A_150 = arith.constant 0 : i32
      %add3A_151 = arith.addi %mul3A_140, %add3A_150 : i32
      %dma_start3A_152 = arith.constant 0 : i32
      %dma_start3A_153 = tpu.memref_slice %arg4[%add3A_151, %dma_start3A_152] : memref<125x80xi32, #tpu.memory_space<vmem>> -> memref<1x80xi32, #tpu.memory_space<vmem>>
      %dma_start3A_154 = tpu.memref_squeeze %dma_start3A_153 : memref<1x80xi32, #tpu.memory_space<vmem>> -> memref<80xi32, #tpu.memory_space<vmem>>
      %dma_start3A_155 = arith.constant 0 : i32
      %dma_start3A_156 = arith.constant 0 : i32
      %dma_start3A_157 = tpu.memref_slice %arg11[%dma_start3A_155, %dma_start3A_156] : memref<10000x16xf32, #tpu.memory_space<vmem_shared>> -> memref<10000x16xf32, #tpu.memory_space<vmem_shared>>
      tpu.enqueue_indirect_dma source(%arg5 : memref<80x16xf32, #tpu.memory_space<vmem>>) target(%dma_start3A_157 : memref<10000x16xf32, #tpu.memory_space<vmem_shared>>) offsets(%dma_start3A_154 : memref<80xi32, #tpu.memory_space<vmem>>) semaphore(%arg7 : memref<!tpu.dma_semaphore, #tpu.memory_space<semaphore_mem>>) {add = true}
      %add3A_158 = arith.constant 1 : i32
      %add3A_159 = arith.addi %mul3A_140, %add3A_158 : i32
      %sub3A_160 = arith.constant 4 : i32
      %sub3A_161 = arith.subi %add3A_159, %sub3A_160 : i32
      %dma_wait3A_162 = arith.constant 0 : i32
      %dma_wait3A_163 = tpu.memref_slice %arg4[%sub3A_161, %dma_wait3A_162] : memref<125x80xi32, #tpu.memory_space<vmem>> -> memref<1x80xi32, #tpu.memory_space<vmem>>
      %dma_wait3A_164 = tpu.memref_squeeze %dma_wait3A_163 : memref<1x80xi32, #tpu.memory_space<vmem>> -> memref<80xi32, #tpu.memory_space<vmem>>
      %dma_wait3A_165 = arith.constant 0 : i32
      %dma_wait3A_166 = arith.constant 0 : i32
      %dma_wait3A_167 = tpu.memref_slice %arg11[%dma_wait3A_165, %dma_wait3A_166] : memref<10000x16xf32, #tpu.memory_space<vmem_shared>> -> memref<10000x16xf32, #tpu.memory_space<vmem_shared>>
      tpu.wait_indirect_dma semaphore(%arg8 : memref<!tpu.dma_semaphore, #tpu.memory_space<semaphore_mem>>) src(%arg5 : memref<80x16xf32, #tpu.memory_space<vmem>>) dst(%dma_wait3A_167 : memref<10000x16xf32, #tpu.memory_space<vmem_shared>>)
      %add3A_168 = arith.constant 1 : i32
      %add3A_169 = arith.addi %mul3A_140, %add3A_168 : i32
      %dma_start3A_170 = arith.constant 0 : i32
      %dma_start3A_171 = tpu.memref_slice %arg4[%add3A_169, %dma_start3A_170] : memref<125x80xi32, #tpu.memory_space<vmem>> -> memref<1x80xi32, #tpu.memory_space<vmem>>
      %dma_start3A_172 = tpu.memref_squeeze %dma_start3A_171 : memref<1x80xi32, #tpu.memory_space<vmem>> -> memref<80xi32, #tpu.memory_space<vmem>>
      %dma_start3A_173 = arith.constant 0 : i32
      %dma_start3A_174 = arith.constant 0 : i32
      %dma_start3A_175 = tpu.memref_slice %arg11[%dma_start3A_173, %dma_start3A_174] : memref<10000x16xf32, #tpu.memory_space<vmem_shared>> -> memref<10000x16xf32, #tpu.memory_space<vmem_shared>>
      tpu.enqueue_indirect_dma source(%arg5 : memref<80x16xf32, #tpu.memory_space<vmem>>) target(%dma_start3A_175 : memref<10000x16xf32, #tpu.memory_space<vmem_shared>>) offsets(%dma_start3A_172 : memref<80xi32, #tpu.memory_space<vmem>>) semaphore(%arg8 : memref<!tpu.dma_semaphore, #tpu.memory_space<semaphore_mem>>) {add = true}
      %add3A_176 = arith.constant 2 : i32
      %add3A_177 = arith.addi %mul3A_140, %add3A_176 : i32
      %sub3A_178 = arith.constant 4 : i32
      %sub3A_179 = arith.subi %add3A_177, %sub3A_178 : i32
      %dma_wait3A_180 = arith.constant 0 : i32
      %dma_wait3A_181 = tpu.memref_slice %arg4[%sub3A_179, %dma_wait3A_180] : memref<125x80xi32, #tpu.memory_space<vmem>> -> memref<1x80xi32, #tpu.memory_space<vmem>>
      %dma_wait3A_182 = tpu.memref_squeeze %dma_wait3A_181 : memref<1x80xi32, #tpu.memory_space<vmem>> -> memref<80xi32, #tpu.memory_space<vmem>>
      %dma_wait3A_183 = arith.constant 0 : i32
      %dma_wait3A_184 = arith.constant 0 : i32
      %dma_wait3A_185 = tpu.memref_slice %arg11[%dma_wait3A_183, %dma_wait3A_184] : memref<10000x16xf32, #tpu.memory_space<vmem_shared>> -> memref<10000x16xf32, #tpu.memory_space<vmem_shared>>
      tpu.wait_indirect_dma semaphore(%arg9 : memref<!tpu.dma_semaphore, #tpu.memory_space<semaphore_mem>>) src(%arg5 : memref<80x16xf32, #tpu.memory_space<vmem>>) dst(%dma_wait3A_185 : memref<10000x16xf32, #tpu.memory_space<vmem_shared>>)
      %add3A_186 = arith.constant 2 : i32
      %add3A_187 = arith.addi %mul3A_140, %add3A_186 : i32
      %dma_start3A_188 = arith.constant 0 : i32
      %dma_start3A_189 = tpu.memref_slice %arg4[%add3A_187, %dma_start3A_188] : memref<125x80xi32, #tpu.memory_space<vmem>> -> memref<1x80xi32, #tpu.memory_space<vmem>>
      %dma_start3A_190 = tpu.memref_squeeze %dma_start3A_189 : memref<1x80xi32, #tpu.memory_space<vmem>> -> memref<80xi32, #tpu.memory_space<vmem>>
      %dma_start3A_191 = arith.constant 0 : i32
      %dma_start3A_192 = arith.constant 0 : i32
      %dma_start3A_193 = tpu.memref_slice %arg11[%dma_start3A_191, %dma_start3A_192] : memref<10000x16xf32, #tpu.memory_space<vmem_shared>> -> memref<10000x16xf32, #tpu.memory_space<vmem_shared>>
      tpu.enqueue_indirect_dma source(%arg5 : memref<80x16xf32, #tpu.memory_space<vmem>>) target(%dma_start3A_193 : memref<10000x16xf32, #tpu.memory_space<vmem_shared>>) offsets(%dma_start3A_190 : memref<80xi32, #tpu.memory_space<vmem>>) semaphore(%arg9 : memref<!tpu.dma_semaphore, #tpu.memory_space<semaphore_mem>>) {add = true}
      %add3A_194 = arith.constant 3 : i32
      %add3A_195 = arith.addi %mul3A_140, %add3A_194 : i32
      %sub3A_196 = arith.constant 4 : i32
      %sub3A_197 = arith.subi %add3A_195, %sub3A_196 : i32
      %dma_wait3A_198 = arith.constant 0 : i32
      %dma_wait3A_199 = tpu.memref_slice %arg4[%sub3A_197, %dma_wait3A_198] : memref<125x80xi32, #tpu.memory_space<vmem>> -> memref<1x80xi32, #tpu.memory_space<vmem>>
      %dma_wait3A_200 = tpu.memref_squeeze %dma_wait3A_199 : memref<1x80xi32, #tpu.memory_space<vmem>> -> memref<80xi32, #tpu.memory_space<vmem>>
      %dma_wait3A_201 = arith.constant 0 : i32
      %dma_wait3A_202 = arith.constant 0 : i32
      %dma_wait3A_203 = tpu.memref_slice %arg11[%dma_wait3A_201, %dma_wait3A_202] : memref<10000x16xf32, #tpu.memory_space<vmem_shared>> -> memref<10000x16xf32, #tpu.memory_space<vmem_shared>>
      tpu.wait_indirect_dma semaphore(%arg10 : memref<!tpu.dma_semaphore, #tpu.memory_space<semaphore_mem>>) src(%arg5 : memref<80x16xf32, #tpu.memory_space<vmem>>) dst(%dma_wait3A_203 : memref<10000x16xf32, #tpu.memory_space<vmem_shared>>)
      %add3A_204 = arith.constant 3 : i32
      %add3A_205 = arith.addi %mul3A_140, %add3A_204 : i32
      %dma_start3A_206 = arith.constant 0 : i32
      %dma_start3A_207 = tpu.memref_slice %arg4[%add3A_205, %dma_start3A_206] : memref<125x80xi32, #tpu.memory_space<vmem>> -> memref<1x80xi32, #tpu.memory_space<vmem>>
      %dma_start3A_208 = tpu.memref_squeeze %dma_start3A_207 : memref<1x80xi32, #tpu.memory_space<vmem>> -> memref<80xi32, #tpu.memory_space<vmem>>
      %dma_start3A_209 = arith.constant 0 : i32
      %dma_start3A_210 = arith.constant 0 : i32
      %dma_start3A_211 = tpu.memref_slice %arg11[%dma_start3A_209, %dma_start3A_210] : memref<10000x16xf32, #tpu.memory_space<vmem_shared>> -> memref<10000x16xf32, #tpu.memory_space<vmem_shared>>
      tpu.enqueue_indirect_dma source(%arg5 : memref<80x16xf32, #tpu.memory_space<vmem>>) target(%dma_start3A_211 : memref<10000x16xf32, #tpu.memory_space<vmem_shared>>) offsets(%dma_start3A_208 : memref<80xi32, #tpu.memory_space<vmem>>) semaphore(%arg10 : memref<!tpu.dma_semaphore, #tpu.memory_space<semaphore_mem>>) {add = true}
    }
    %scan3A_74 = arith.constant 30 : i32
    %dma_wait3A = arith.constant 120 : i32
    %dma_wait3A_75 = arith.constant 0 : i32
    %dma_wait3A_76 = tpu.memref_slice %arg4[%dma_wait3A, %dma_wait3A_75] : memref<125x80xi32, #tpu.memory_space<vmem>> -> memref<1x80xi32, #tpu.memory_space<vmem>>
    %dma_wait3A_77 = tpu.memref_squeeze %dma_wait3A_76 : memref<1x80xi32, #tpu.memory_space<vmem>> -> memref<80xi32, #tpu.memory_space<vmem>>
    %dma_wait3A_78 = arith.constant 0 : i32
    %dma_wait3A_79 = arith.constant 0 : i32
    %dma_wait3A_80 = tpu.memref_slice %arg11[%dma_wait3A_78, %dma_wait3A_79] : memref<10000x16xf32, #tpu.memory_space<vmem_shared>> -> memref<10000x16xf32, #tpu.memory_space<vmem_shared>>
    tpu.wait_indirect_dma semaphore(%arg7 : memref<!tpu.dma_semaphore, #tpu.memory_space<semaphore_mem>>) src(%arg5 : memref<80x16xf32, #tpu.memory_space<vmem>>) dst(%dma_wait3A_80 : memref<10000x16xf32, #tpu.memory_space<vmem_shared>>)
    %dma_wait3A_81 = arith.constant 121 : i32
    %dma_wait3A_82 = arith.constant 0 : i32
    %dma_wait3A_83 = tpu.memref_slice %arg4[%dma_wait3A_81, %dma_wait3A_82] : memref<125x80xi32, #tpu.memory_space<vmem>> -> memref<1x80xi32, #tpu.memory_space<vmem>>
    %dma_wait3A_84 = tpu.memref_squeeze %dma_wait3A_83 : memref<1x80xi32, #tpu.memory_space<vmem>> -> memref<80xi32, #tpu.memory_space<vmem>>
    %dma_wait3A_85 = arith.constant 0 : i32
    %dma_wait3A_86 = arith.constant 0 : i32
    %dma_wait3A_87 = tpu.memref_slice %arg11[%dma_wait3A_85, %dma_wait3A_86] : memref<10000x16xf32, #tpu.memory_space<vmem_shared>> -> memref<10000x16xf32, #tpu.memory_space<vmem_shared>>
    tpu.wait_indirect_dma semaphore(%arg8 : memref<!tpu.dma_semaphore, #tpu.memory_space<semaphore_mem>>) src(%arg5 : memref<80x16xf32, #tpu.memory_space<vmem>>) dst(%dma_wait3A_87 : memref<10000x16xf32, #tpu.memory_space<vmem_shared>>)
    %dma_wait3A_88 = arith.constant 122 : i32
    %dma_wait3A_89 = arith.constant 0 : i32
    %dma_wait3A_90 = tpu.memref_slice %arg4[%dma_wait3A_88, %dma_wait3A_89] : memref<125x80xi32, #tpu.memory_space<vmem>> -> memref<1x80xi32, #tpu.memory_space<vmem>>
    %dma_wait3A_91 = tpu.memref_squeeze %dma_wait3A_90 : memref<1x80xi32, #tpu.memory_space<vmem>> -> memref<80xi32, #tpu.memory_space<vmem>>
    %dma_wait3A_92 = arith.constant 0 : i32
    %dma_wait3A_93 = arith.constant 0 : i32
    %dma_wait3A_94 = tpu.memref_slice %arg11[%dma_wait3A_92, %dma_wait3A_93] : memref<10000x16xf32, #tpu.memory_space<vmem_shared>> -> memref<10000x16xf32, #tpu.memory_space<vmem_shared>>
    tpu.wait_indirect_dma semaphore(%arg9 : memref<!tpu.dma_semaphore, #tpu.memory_space<semaphore_mem>>) src(%arg5 : memref<80x16xf32, #tpu.memory_space<vmem>>) dst(%dma_wait3A_94 : memref<10000x16xf32, #tpu.memory_space<vmem_shared>>)
    %dma_wait3A_95 = arith.constant 123 : i32
    %dma_wait3A_96 = arith.constant 0 : i32
    %dma_wait3A_97 = tpu.memref_slice %arg4[%dma_wait3A_95, %dma_wait3A_96] : memref<125x80xi32, #tpu.memory_space<vmem>> -> memref<1x80xi32, #tpu.memory_space<vmem>>
    %dma_wait3A_98 = tpu.memref_squeeze %dma_wait3A_97 : memref<1x80xi32, #tpu.memory_space<vmem>> -> memref<80xi32, #tpu.memory_space<vmem>>
    %dma_wait3A_99 = arith.constant 0 : i32
    %dma_wait3A_100 = arith.constant 0 : i32
    %dma_wait3A_101 = tpu.memref_slice %arg11[%dma_wait3A_99, %dma_wait3A_100] : memref<10000x16xf32, #tpu.memory_space<vmem_shared>> -> memref<10000x16xf32, #tpu.memory_space<vmem_shared>>
    tpu.wait_indirect_dma semaphore(%arg10 : memref<!tpu.dma_semaphore, #tpu.memory_space<semaphore_mem>>) src(%arg5 : memref<80x16xf32, #tpu.memory_space<vmem>>) dst(%dma_wait3A_101 : memref<10000x16xf32, #tpu.memory_space<vmem_shared>>)
    %run_scoped3A_102 = arith.constant 124 : i32
    "tpu.region"() ({
      %run_scoped3A_134 = tpu.sem_alloc : memref<!tpu.dma_semaphore, #tpu.memory_space<semaphore_mem>>
      %dma_start3A_135 = arith.constant 0 : i32
      %dma_start3A_136 = tpu.memref_slice %arg4[%run_scoped3A_102, %dma_start3A_135] : memref<125x80xi32, #tpu.memory_space<vmem>> -> memref<1x80xi32, #tpu.memory_space<vmem>>
      %dma_start3A_137 = tpu.memref_squeeze %dma_start3A_136 : memref<1x80xi32, #tpu.memory_space<vmem>> -> memref<80xi32, #tpu.memory_space<vmem>>
      %dma_start3A_138 = arith.constant 0 : i32
      %dma_start3A_139 = arith.constant 0 : i32
      %dma_start3A_140 = tpu.memref_slice %arg11[%dma_start3A_138, %dma_start3A_139] : memref<10000x16xf32, #tpu.memory_space<vmem_shared>> -> memref<10000x16xf32, #tpu.memory_space<vmem_shared>>
      tpu.enqueue_indirect_dma source(%arg5 : memref<80x16xf32, #tpu.memory_space<vmem>>) target(%dma_start3A_140 : memref<10000x16xf32, #tpu.memory_space<vmem_shared>>) offsets(%dma_start3A_137 : memref<80xi32, #tpu.memory_space<vmem>>) semaphore(%run_scoped3A_134 : memref<!tpu.dma_semaphore, #tpu.memory_space<semaphore_mem>>) {add = true}
      %dma_wait3A_141 = arith.constant 0 : i32
      %dma_wait3A_142 = tpu.memref_slice %arg4[%run_scoped3A_102, %dma_wait3A_141] : memref<125x80xi32, #tpu.memory_space<vmem>> -> memref<1x80xi32, #tpu.memory_space<vmem>>
      %dma_wait3A_143 = tpu.memref_squeeze %dma_wait3A_142 : memref<1x80xi32, #tpu.memory_space<vmem>> -> memref<80xi32, #tpu.memory_space<vmem>>
      %dma_wait3A_144 = arith.constant 0 : i32
      %dma_wait3A_145 = arith.constant 0 : i32
      %dma_wait3A_146 = tpu.memref_slice %arg11[%dma_wait3A_144, %dma_wait3A_145] : memref<10000x16xf32, #tpu.memory_space<vmem_shared>> -> memref<10000x16xf32, #tpu.memory_space<vmem_shared>>
      tpu.wait_indirect_dma semaphore(%run_scoped3A_134 : memref<!tpu.dma_semaphore, #tpu.memory_space<semaphore_mem>>) src(%arg5 : memref<80x16xf32, #tpu.memory_space<vmem>>) dst(%dma_wait3A_146 : memref<10000x16xf32, #tpu.memory_space<vmem_shared>>)
      tpu.yield
    }) : () -> ()
    %barrier3A_103 = arith.constant 0 : index
    tpu.barrier barrier_id(%barrier3A_103)
    %mul3A_104 = arith.constant 5 : i32
    %mul3A_105 = arith.muli %arg1, %mul3A_104 : i32
    %add3A_106 = arith.constant 0 : i32
    %add3A_107 = arith.addi %mul3A_105, %add3A_106 : i32
    %mul3A_108 = arith.constant 125 : i32
    %mul3A_109 = arith.muli %add3A_107, %mul3A_108 : i32
    "tpu.region"() ({
      %run_scoped3A_134 = tpu.sem_alloc : memref<!tpu.dma_semaphore, #tpu.memory_space<semaphore_mem>>
      %dma_start3A_135 = arith.constant 0 : i32
      %dma_start3A_136 = tpu.memref_slice %arg11[%mul3A_109, %dma_start3A_135] : memref<10000x16xf32, #tpu.memory_space<vmem_shared>> -> memref<125x16xf32, #tpu.memory_space<vmem_shared>>
      %dma_start3A_137 = arith.constant 0 : i32
      %dma_start3A_138 = tpu.memref_slice %arg11[%mul3A_109, %dma_start3A_137] : memref<10000x16xf32, #tpu.memory_space<vmem_shared>> -> memref<125x16xf32, #tpu.memory_space<vmem_shared>>
      tpu.enqueue_dma source(%dma_start3A_138 : memref<125x16xf32, #tpu.memory_space<vmem_shared>>) target(%arg6 : memref<125x16xf32, #tpu.memory_space<vmem>>) target_semaphore(%run_scoped3A_134 : memref<!tpu.dma_semaphore, #tpu.memory_space<semaphore_mem>>)
      %dma_wait3A_139 = arith.constant 0 : i32
      %dma_wait3A_140 = tpu.memref_slice %arg11[%mul3A_109, %dma_wait3A_139] : memref<10000x16xf32, #tpu.memory_space<vmem_shared>> -> memref<125x16xf32, #tpu.memory_space<vmem_shared>>
      %dma_wait3A_141 = arith.constant 0 : i32
      %dma_wait3A_142 = tpu.memref_slice %arg11[%mul3A_109, %dma_wait3A_141] : memref<10000x16xf32, #tpu.memory_space<vmem_shared>> -> memref<125x16xf32, #tpu.memory_space<vmem_shared>>
      tpu.wait_dma2 semaphore(%run_scoped3A_134 : memref<!tpu.dma_semaphore, #tpu.memory_space<semaphore_mem>>) src(%dma_wait3A_142 : memref<125x16xf32, #tpu.memory_space<vmem_shared>>) dst(%arg6 : memref<125x16xf32, #tpu.memory_space<vmem>>)
      tpu.yield
    }) : () -> ()
    "tpu.region"() ({
      %run_scoped3A_134 = tpu.sem_alloc : memref<!tpu.dma_semaphore, #tpu.memory_space<semaphore_mem>>
      %dma_start3A_135 = arith.constant 0 : i32
      %dma_start3A_136 = tpu.memref_slice %arg3[%arg0, %mul3A_109, %dma_start3A_135] : memref<2x10000x16xf32, #tpu.memory_space<hbm>> -> memref<1x125x16xf32, #tpu.memory_space<hbm>>
      %dma_start3A_137 = tpu.memref_squeeze %dma_start3A_136 : memref<1x125x16xf32, #tpu.memory_space<hbm>> -> memref<125x16xf32, #tpu.memory_space<hbm>>
      %dma_start3A_138 = arith.constant 0 : i32
      %dma_start3A_139 = tpu.memref_slice %arg3[%arg0, %mul3A_109, %dma_start3A_138] : memref<2x10000x16xf32, #tpu.memory_space<hbm>> -> memref<1x125x16xf32, #tpu.memory_space<hbm>>
      %dma_start3A_140 = tpu.memref_squeeze %dma_start3A_139 : memref<1x125x16xf32, #tpu.memory_space<hbm>> -> memref<125x16xf32, #tpu.memory_space<hbm>>
      tpu.enqueue_dma source(%arg6 : memref<125x16xf32, #tpu.memory_space<vmem>>) target(%dma_start3A_140 : memref<125x16xf32, #tpu.memory_space<hbm>>) target_semaphore(%run_scoped3A_134 : memref<!tpu.dma_semaphore, #tpu.memory_space<semaphore_mem>>)
      %dma_wait3A_141 = arith.constant 0 : i32
      %dma_wait3A_142 = tpu.memref_slice %arg3[%arg0, %mul3A_109, %dma_wait3A_141] : memref<2x10000x16xf32, #tpu.memory_space<hbm>> -> memref<1x125x16xf32, #tpu.memory_space<hbm>>
      %dma_wait3A_143 = tpu.memref_squeeze %dma_wait3A_142 : memref<1x125x16xf32, #tpu.memory_space<hbm>> -> memref<125x16xf32, #tpu.memory_space<hbm>>
      %dma_wait3A_144 = arith.constant 0 : i32
      %dma_wait3A_145 = tpu.memref_slice %arg3[%arg0, %mul3A_109, %dma_wait3A_144] : memref<2x10000x16xf32, #tpu.memory_space<hbm>> -> memref<1x125x16xf32, #tpu.memory_space<hbm>>
      %dma_wait3A_146 = tpu.memref_squeeze %dma_wait3A_145 : memref<1x125x16xf32, #tpu.memory_space<hbm>> -> memref<125x16xf32, #tpu.memory_space<hbm>>
      tpu.wait_dma2 semaphore(%run_scoped3A_134 : memref<!tpu.dma_semaphore, #tpu.memory_space<semaphore_mem>>) src(%arg6 : memref<125x16xf32, #tpu.memory_space<vmem>>) dst(%dma_wait3A_146 : memref<125x16xf32, #tpu.memory_space<hbm>>)
      tpu.yield
    }) : () -> ()
    %mul3A_110 = arith.constant 5 : i32
    %mul3A_111 = arith.muli %arg1, %mul3A_110 : i32
    %add3A_112 = arith.constant 1 : i32
    %add3A_113 = arith.addi %mul3A_111, %add3A_112 : i32
    %mul3A_114 = arith.constant 125 : i32
    %mul3A_115 = arith.muli %add3A_113, %mul3A_114 : i32
    "tpu.region"() ({
      %run_scoped3A_134 = tpu.sem_alloc : memref<!tpu.dma_semaphore, #tpu.memory_space<semaphore_mem>>
      %dma_start3A_135 = arith.constant 0 : i32
      %dma_start3A_136 = tpu.memref_slice %arg11[%mul3A_115, %dma_start3A_135] : memref<10000x16xf32, #tpu.memory_space<vmem_shared>> -> memref<125x16xf32, #tpu.memory_space<vmem_shared>>
      %dma_start3A_137 = arith.constant 0 : i32
      %dma_start3A_138 = tpu.memref_slice %arg11[%mul3A_115, %dma_start3A_137] : memref<10000x16xf32, #tpu.memory_space<vmem_shared>> -> memref<125x16xf32, #tpu.memory_space<vmem_shared>>
      tpu.enqueue_dma source(%dma_start3A_138 : memref<125x16xf32, #tpu.memory_space<vmem_shared>>) target(%arg6 : memref<125x16xf32, #tpu.memory_space<vmem>>) target_semaphore(%run_scoped3A_134 : memref<!tpu.dma_semaphore, #tpu.memory_space<semaphore_mem>>)
      %dma_wait3A_139 = arith.constant 0 : i32
      %dma_wait3A_140 = tpu.memref_slice %arg11[%mul3A_115, %dma_wait3A_139] : memref<10000x16xf32, #tpu.memory_space<vmem_shared>> -> memref<125x16xf32, #tpu.memory_space<vmem_shared>>
      %dma_wait3A_141 = arith.constant 0 : i32
      %dma_wait3A_142 = tpu.memref_slice %arg11[%mul3A_115, %dma_wait3A_141] : memref<10000x16xf32, #tpu.memory_space<vmem_shared>> -> memref<125x16xf32, #tpu.memory_space<vmem_shared>>
      tpu.wait_dma2 semaphore(%run_scoped3A_134 : memref<!tpu.dma_semaphore, #tpu.memory_space<semaphore_mem>>) src(%dma_wait3A_142 : memref<125x16xf32, #tpu.memory_space<vmem_shared>>) dst(%arg6 : memref<125x16xf32, #tpu.memory_space<vmem>>)
      tpu.yield
    }) : () -> ()
    "tpu.region"() ({
      %run_scoped3A_134 = tpu.sem_alloc : memref<!tpu.dma_semaphore, #tpu.memory_space<semaphore_mem>>
      %dma_start3A_135 = arith.constant 0 : i32
      %dma_start3A_136 = tpu.memref_slice %arg3[%arg0, %mul3A_115, %dma_start3A_135] : memref<2x10000x16xf32, #tpu.memory_space<hbm>> -> memref<1x125x16xf32, #tpu.memory_space<hbm>>
      %dma_start3A_137 = tpu.memref_squeeze %dma_start3A_136 : memref<1x125x16xf32, #tpu.memory_space<hbm>> -> memref<125x16xf32, #tpu.memory_space<hbm>>
      %dma_start3A_138 = arith.constant 0 : i32
      %dma_start3A_139 = tpu.memref_slice %arg3[%arg0, %mul3A_115, %dma_start3A_138] : memref<2x10000x16xf32, #tpu.memory_space<hbm>> -> memref<1x125x16xf32, #tpu.memory_space<hbm>>
      %dma_start3A_140 = tpu.memref_squeeze %dma_start3A_139 : memref<1x125x16xf32, #tpu.memory_space<hbm>> -> memref<125x16xf32, #tpu.memory_space<hbm>>
      tpu.enqueue_dma source(%arg6 : memref<125x16xf32, #tpu.memory_space<vmem>>) target(%dma_start3A_140 : memref<125x16xf32, #tpu.memory_space<hbm>>) target_semaphore(%run_scoped3A_134 : memref<!tpu.dma_semaphore, #tpu.memory_space<semaphore_mem>>)
      %dma_wait3A_141 = arith.constant 0 : i32
      %dma_wait3A_142 = tpu.memref_slice %arg3[%arg0, %mul3A_115, %dma_wait3A_141] : memref<2x10000x16xf32, #tpu.memory_space<hbm>> -> memref<1x125x16xf32, #tpu.memory_space<hbm>>
      %dma_wait3A_143 = tpu.memref_squeeze %dma_wait3A_142 : memref<1x125x16xf32, #tpu.memory_space<hbm>> -> memref<125x16xf32, #tpu.memory_space<hbm>>
      %dma_wait3A_144 = arith.constant 0 : i32
      %dma_wait3A_145 = tpu.memref_slice %arg3[%arg0, %mul3A_115, %dma_wait3A_144] : memref<2x10000x16xf32, #tpu.memory_space<hbm>> -> memref<1x125x16xf32, #tpu.memory_space<hbm>>
      %dma_wait3A_146 = tpu.memref_squeeze %dma_wait3A_145 : memref<1x125x16xf32, #tpu.memory_space<hbm>> -> memref<125x16xf32, #tpu.memory_space<hbm>>
      tpu.wait_dma2 semaphore(%run_scoped3A_134 : memref<!tpu.dma_semaphore, #tpu.memory_space<semaphore_mem>>) src(%arg6 : memref<125x16xf32, #tpu.memory_space<vmem>>) dst(%dma_wait3A_146 : memref<125x16xf32, #tpu.memory_space<hbm>>)
      tpu.yield
    }) : () -> ()
    %mul3A_116 = arith.constant 5 : i32
    %mul3A_117 = arith.muli %arg1, %mul3A_116 : i32
    %add3A_118 = arith.constant 2 : i32
    %add3A_119 = arith.addi %mul3A_117, %add3A_118 : i32
    %mul3A_120 = arith.constant 125 : i32
    %mul3A_121 = arith.muli %add3A_119, %mul3A_120 : i32
    "tpu.region"() ({
      %run_scoped3A_134 = tpu.sem_alloc : memref<!tpu.dma_semaphore, #tpu.memory_space<semaphore_mem>>
      %dma_start3A_135 = arith.constant 0 : i32
      %dma_start3A_136 = tpu.memref_slice %arg11[%mul3A_121, %dma_start3A_135] : memref<10000x16xf32, #tpu.memory_space<vmem_shared>> -> memref<125x16xf32, #tpu.memory_space<vmem_shared>>
      %dma_start3A_137 = arith.constant 0 : i32
      %dma_start3A_138 = tpu.memref_slice %arg11[%mul3A_121, %dma_start3A_137] : memref<10000x16xf32, #tpu.memory_space<vmem_shared>> -> memref<125x16xf32, #tpu.memory_space<vmem_shared>>
      tpu.enqueue_dma source(%dma_start3A_138 : memref<125x16xf32, #tpu.memory_space<vmem_shared>>) target(%arg6 : memref<125x16xf32, #tpu.memory_space<vmem>>) target_semaphore(%run_scoped3A_134 : memref<!tpu.dma_semaphore, #tpu.memory_space<semaphore_mem>>)
      %dma_wait3A_139 = arith.constant 0 : i32
      %dma_wait3A_140 = tpu.memref_slice %arg11[%mul3A_121, %dma_wait3A_139] : memref<10000x16xf32, #tpu.memory_space<vmem_shared>> -> memref<125x16xf32, #tpu.memory_space<vmem_shared>>
      %dma_wait3A_141 = arith.constant 0 : i32
      %dma_wait3A_142 = tpu.memref_slice %arg11[%mul3A_121, %dma_wait3A_141] : memref<10000x16xf32, #tpu.memory_space<vmem_shared>> -> memref<125x16xf32, #tpu.memory_space<vmem_shared>>
      tpu.wait_dma2 semaphore(%run_scoped3A_134 : memref<!tpu.dma_semaphore, #tpu.memory_space<semaphore_mem>>) src(%dma_wait3A_142 : memref<125x16xf32, #tpu.memory_space<vmem_shared>>) dst(%arg6 : memref<125x16xf32, #tpu.memory_space<vmem>>)
      tpu.yield
    }) : () -> ()
    "tpu.region"() ({
      %run_scoped3A_134 = tpu.sem_alloc : memref<!tpu.dma_semaphore, #tpu.memory_space<semaphore_mem>>
      %dma_start3A_135 = arith.constant 0 : i32
      %dma_start3A_136 = tpu.memref_slice %arg3[%arg0, %mul3A_121, %dma_start3A_135] : memref<2x10000x16xf32, #tpu.memory_space<hbm>> -> memref<1x125x16xf32, #tpu.memory_space<hbm>>
      %dma_start3A_137 = tpu.memref_squeeze %dma_start3A_136 : memref<1x125x16xf32, #tpu.memory_space<hbm>> -> memref<125x16xf32, #tpu.memory_space<hbm>>
      %dma_start3A_138 = arith.constant 0 : i32
      %dma_start3A_139 = tpu.memref_slice %arg3[%arg0, %mul3A_121, %dma_start3A_138] : memref<2x10000x16xf32, #tpu.memory_space<hbm>> -> memref<1x125x16xf32, #tpu.memory_space<hbm>>
      %dma_start3A_140 = tpu.memref_squeeze %dma_start3A_139 : memref<1x125x16xf32, #tpu.memory_space<hbm>> -> memref<125x16xf32, #tpu.memory_space<hbm>>
      tpu.enqueue_dma source(%arg6 : memref<125x16xf32, #tpu.memory_space<vmem>>) target(%dma_start3A_140 : memref<125x16xf32, #tpu.memory_space<hbm>>) target_semaphore(%run_scoped3A_134 : memref<!tpu.dma_semaphore, #tpu.memory_space<semaphore_mem>>)
      %dma_wait3A_141 = arith.constant 0 : i32
      %dma_wait3A_142 = tpu.memref_slice %arg3[%arg0, %mul3A_121, %dma_wait3A_141] : memref<2x10000x16xf32, #tpu.memory_space<hbm>> -> memref<1x125x16xf32, #tpu.memory_space<hbm>>
      %dma_wait3A_143 = tpu.memref_squeeze %dma_wait3A_142 : memref<1x125x16xf32, #tpu.memory_space<hbm>> -> memref<125x16xf32, #tpu.memory_space<hbm>>
      %dma_wait3A_144 = arith.constant 0 : i32
      %dma_wait3A_145 = tpu.memref_slice %arg3[%arg0, %mul3A_121, %dma_wait3A_144] : memref<2x10000x16xf32, #tpu.memory_space<hbm>> -> memref<1x125x16xf32, #tpu.memory_space<hbm>>
      %dma_wait3A_146 = tpu.memref_squeeze %dma_wait3A_145 : memref<1x125x16xf32, #tpu.memory_space<hbm>> -> memref<125x16xf32, #tpu.memory_space<hbm>>
      tpu.wait_dma2 semaphore(%run_scoped3A_134 : memref<!tpu.dma_semaphore, #tpu.memory_space<semaphore_mem>>) src(%arg6 : memref<125x16xf32, #tpu.memory_space<vmem>>) dst(%dma_wait3A_146 : memref<125x16xf32, #tpu.memory_space<hbm>>)
      tpu.yield
    }) : () -> ()
    %mul3A_122 = arith.constant 5 : i32
    %mul3A_123 = arith.muli %arg1, %mul3A_122 : i32
    %add3A_124 = arith.constant 3 : i32
    %add3A_125 = arith.addi %mul3A_123, %add3A_124 : i32
    %mul3A_126 = arith.constant 125 : i32
    %mul3A_127 = arith.muli %add3A_125, %mul3A_126 : i32
    "tpu.region"() ({
      %run_scoped3A_134 = tpu.sem_alloc : memref<!tpu.dma_semaphore, #tpu.memory_space<semaphore_mem>>
      %dma_start3A_135 = arith.constant 0 : i32
      %dma_start3A_136 = tpu.memref_slice %arg11[%mul3A_127, %dma_start3A_135] : memref<10000x16xf32, #tpu.memory_space<vmem_shared>> -> memref<125x16xf32, #tpu.memory_space<vmem_shared>>
      %dma_start3A_137 = arith.constant 0 : i32
      %dma_start3A_138 = tpu.memref_slice %arg11[%mul3A_127, %dma_start3A_137] : memref<10000x16xf32, #tpu.memory_space<vmem_shared>> -> memref<125x16xf32, #tpu.memory_space<vmem_shared>>
      tpu.enqueue_dma source(%dma_start3A_138 : memref<125x16xf32, #tpu.memory_space<vmem_shared>>) target(%arg6 : memref<125x16xf32, #tpu.memory_space<vmem>>) target_semaphore(%run_scoped3A_134 : memref<!tpu.dma_semaphore, #tpu.memory_space<semaphore_mem>>)
      %dma_wait3A_139 = arith.constant 0 : i32
      %dma_wait3A_140 = tpu.memref_slice %arg11[%mul3A_127, %dma_wait3A_139] : memref<10000x16xf32, #tpu.memory_space<vmem_shared>> -> memref<125x16xf32, #tpu.memory_space<vmem_shared>>
      %dma_wait3A_141 = arith.constant 0 : i32
      %dma_wait3A_142 = tpu.memref_slice %arg11[%mul3A_127, %dma_wait3A_141] : memref<10000x16xf32, #tpu.memory_space<vmem_shared>> -> memref<125x16xf32, #tpu.memory_space<vmem_shared>>
      tpu.wait_dma2 semaphore(%run_scoped3A_134 : memref<!tpu.dma_semaphore, #tpu.memory_space<semaphore_mem>>) src(%dma_wait3A_142 : memref<125x16xf32, #tpu.memory_space<vmem_shared>>) dst(%arg6 : memref<125x16xf32, #tpu.memory_space<vmem>>)
      tpu.yield
    }) : () -> ()
    "tpu.region"() ({
      %run_scoped3A_134 = tpu.sem_alloc : memref<!tpu.dma_semaphore, #tpu.memory_space<semaphore_mem>>
      %dma_start3A_135 = arith.constant 0 : i32
      %dma_start3A_136 = tpu.memref_slice %arg3[%arg0, %mul3A_127, %dma_start3A_135] : memref<2x10000x16xf32, #tpu.memory_space<hbm>> -> memref<1x125x16xf32, #tpu.memory_space<hbm>>
      %dma_start3A_137 = tpu.memref_squeeze %dma_start3A_136 : memref<1x125x16xf32, #tpu.memory_space<hbm>> -> memref<125x16xf32, #tpu.memory_space<hbm>>
      %dma_start3A_138 = arith.constant 0 : i32
      %dma_start3A_139 = tpu.memref_slice %arg3[%arg0, %mul3A_127, %dma_start3A_138] : memref<2x10000x16xf32, #tpu.memory_space<hbm>> -> memref<1x125x16xf32, #tpu.memory_space<hbm>>
      %dma_start3A_140 = tpu.memref_squeeze %dma_start3A_139 : memref<1x125x16xf32, #tpu.memory_space<hbm>> -> memref<125x16xf32, #tpu.memory_space<hbm>>
      tpu.enqueue_dma source(%arg6 : memref<125x16xf32, #tpu.memory_space<vmem>>) target(%dma_start3A_140 : memref<125x16xf32, #tpu.memory_space<hbm>>) target_semaphore(%run_scoped3A_134 : memref<!tpu.dma_semaphore, #tpu.memory_space<semaphore_mem>>)
      %dma_wait3A_141 = arith.constant 0 : i32
      %dma_wait3A_142 = tpu.memref_slice %arg3[%arg0, %mul3A_127, %dma_wait3A_141] : memref<2x10000x16xf32, #tpu.memory_space<hbm>> -> memref<1x125x16xf32, #tpu.memory_space<hbm>>
      %dma_wait3A_143 = tpu.memref_squeeze %dma_wait3A_142 : memref<1x125x16xf32, #tpu.memory_space<hbm>> -> memref<125x16xf32, #tpu.memory_space<hbm>>
      %dma_wait3A_144 = arith.constant 0 : i32
      %dma_wait3A_145 = tpu.memref_slice %arg3[%arg0, %mul3A_127, %dma_wait3A_144] : memref<2x10000x16xf32, #tpu.memory_space<hbm>> -> memref<1x125x16xf32, #tpu.memory_space<hbm>>
      %dma_wait3A_146 = tpu.memref_squeeze %dma_wait3A_145 : memref<1x125x16xf32, #tpu.memory_space<hbm>> -> memref<125x16xf32, #tpu.memory_space<hbm>>
      tpu.wait_dma2 semaphore(%run_scoped3A_134 : memref<!tpu.dma_semaphore, #tpu.memory_space<semaphore_mem>>) src(%arg6 : memref<125x16xf32, #tpu.memory_space<vmem>>) dst(%dma_wait3A_146 : memref<125x16xf32, #tpu.memory_space<hbm>>)
      tpu.yield
    }) : () -> ()
    %mul3A_128 = arith.constant 5 : i32
    %mul3A_129 = arith.muli %arg1, %mul3A_128 : i32
    %add3A_130 = arith.constant 4 : i32
    %add3A_131 = arith.addi %mul3A_129, %add3A_130 : i32
    %mul3A_132 = arith.constant 125 : i32
    %mul3A_133 = arith.muli %add3A_131, %mul3A_132 : i32
    "tpu.region"() ({
      %run_scoped3A_134 = tpu.sem_alloc : memref<!tpu.dma_semaphore, #tpu.memory_space<semaphore_mem>>
      %dma_start3A_135 = arith.constant 0 : i32
      %dma_start3A_136 = tpu.memref_slice %arg11[%mul3A_133, %dma_start3A_135] : memref<10000x16xf32, #tpu.memory_space<vmem_shared>> -> memref<125x16xf32, #tpu.memory_space<vmem_shared>>
      %dma_start3A_137 = arith.constant 0 : i32
      %dma_start3A_138 = tpu.memref_slice %arg11[%mul3A_133, %dma_start3A_137] : memref<10000x16xf32, #tpu.memory_space<vmem_shared>> -> memref<125x16xf32, #tpu.memory_space<vmem_shared>>
      tpu.enqueue_dma source(%dma_start3A_138 : memref<125x16xf32, #tpu.memory_space<vmem_shared>>) target(%arg6 : memref<125x16xf32, #tpu.memory_space<vmem>>) target_semaphore(%run_scoped3A_134 : memref<!tpu.dma_semaphore, #tpu.memory_space<semaphore_mem>>)
      %dma_wait3A_139 = arith.constant 0 : i32
      %dma_wait3A_140 = tpu.memref_slice %arg11[%mul3A_133, %dma_wait3A_139] : memref<10000x16xf32, #tpu.memory_space<vmem_shared>> -> memref<125x16xf32, #tpu.memory_space<vmem_shared>>
      %dma_wait3A_141 = arith.constant 0 : i32
      %dma_wait3A_142 = tpu.memref_slice %arg11[%mul3A_133, %dma_wait3A_141] : memref<10000x16xf32, #tpu.memory_space<vmem_shared>> -> memref<125x16xf32, #tpu.memory_space<vmem_shared>>
      tpu.wait_dma2 semaphore(%run_scoped3A_134 : memref<!tpu.dma_semaphore, #tpu.memory_space<semaphore_mem>>) src(%dma_wait3A_142 : memref<125x16xf32, #tpu.memory_space<vmem_shared>>) dst(%arg6 : memref<125x16xf32, #tpu.memory_space<vmem>>)
      tpu.yield
    }) : () -> ()
    "tpu.region"() ({
      %run_scoped3A_134 = tpu.sem_alloc : memref<!tpu.dma_semaphore, #tpu.memory_space<semaphore_mem>>
      %dma_start3A_135 = arith.constant 0 : i32
      %dma_start3A_136 = tpu.memref_slice %arg3[%arg0, %mul3A_133, %dma_start3A_135] : memref<2x10000x16xf32, #tpu.memory_space<hbm>> -> memref<1x125x16xf32, #tpu.memory_space<hbm>>
      %dma_start3A_137 = tpu.memref_squeeze %dma_start3A_136 : memref<1x125x16xf32, #tpu.memory_space<hbm>> -> memref<125x16xf32, #tpu.memory_space<hbm>>
      %dma_start3A_138 = arith.constant 0 : i32
      %dma_start3A_139 = tpu.memref_slice %arg3[%arg0, %mul3A_133, %dma_start3A_138] : memref<2x10000x16xf32, #tpu.memory_space<hbm>> -> memref<1x125x16xf32, #tpu.memory_space<hbm>>
      %dma_start3A_140 = tpu.memref_squeeze %dma_start3A_139 : memref<1x125x16xf32, #tpu.memory_space<hbm>> -> memref<125x16xf32, #tpu.memory_space<hbm>>
      tpu.enqueue_dma source(%arg6 : memref<125x16xf32, #tpu.memory_space<vmem>>) target(%dma_start3A_140 : memref<125x16xf32, #tpu.memory_space<hbm>>) target_semaphore(%run_scoped3A_134 : memref<!tpu.dma_semaphore, #tpu.memory_space<semaphore_mem>>)
      %dma_wait3A_141 = arith.constant 0 : i32
      %dma_wait3A_142 = tpu.memref_slice %arg3[%arg0, %mul3A_133, %dma_wait3A_141] : memref<2x10000x16xf32, #tpu.memory_space<hbm>> -> memref<1x125x16xf32, #tpu.memory_space<hbm>>
      %dma_wait3A_143 = tpu.memref_squeeze %dma_wait3A_142 : memref<1x125x16xf32, #tpu.memory_space<hbm>> -> memref<125x16xf32, #tpu.memory_space<hbm>>
      %dma_wait3A_144 = arith.constant 0 : i32
      %dma_wait3A_145 = tpu.memref_slice %arg3[%arg0, %mul3A_133, %dma_wait3A_144] : memref<2x10000x16xf32, #tpu.memory_space<hbm>> -> memref<1x125x16xf32, #tpu.memory_space<hbm>>
      %dma_wait3A_146 = tpu.memref_squeeze %dma_wait3A_145 : memref<1x125x16xf32, #tpu.memory_space<hbm>> -> memref<125x16xf32, #tpu.memory_space<hbm>>
      tpu.wait_dma2 semaphore(%run_scoped3A_134 : memref<!tpu.dma_semaphore, #tpu.memory_space<semaphore_mem>>) src(%arg6 : memref<125x16xf32, #tpu.memory_space<vmem>>) dst(%dma_wait3A_146 : memref<125x16xf32, #tpu.memory_space<hbm>>)
      tpu.yield
    }) : () -> ()
    return
  }
}

module attributes {stable_mosaic.version = 14 : i64} {
  func.func @_mm_body(%arg0: i32, %arg1: memref<10000x128xf32, #tpu.memory_space<vmem>>, %arg2: memref<128x64xf32, #tpu.memory_space<vmem>>, %arg3: memref<2x10000x16xf32, #tpu.memory_space<vmem>>, %arg4: memref<10000x64xf32, #tpu.memory_space<vmem>>) attributes {dimension_semantics = [#tpu.dimension_semantics<arbitrary>], iteration_bounds = array<i64: 1>, scalar_prefetch = 0 : i64, scratch_operands = 0 : i64, tpu.core_type = #tpu.core_type<tc>, window_params = [{transform_indices = @transform_0, window_bounds = array<i64: 10000, 128>}, {pipeline_mode = #tpu.pipeline_mode<synchronous>, transform_indices = @transform_1, window_bounds = array<i64: 128, 64>}, {transform_indices = @transform_2, window_bounds = array<i64: 2, 10000, 16>}, {transform_indices = @transform_3, window_bounds = array<i64: 10000, 64>}]} {
    %get3A = arith.constant 0 : index
    %get3A_0 = arith.constant 0 : index
    %get3A_1 = arith.constant 0 : index
    %get3A_2 = vector.load %arg3[%get3A, %get3A_0, %get3A_1] : memref<2x10000x16xf32, #tpu.memory_space<vmem>>, vector<2x10000x16xf32>
    %slice3A = vector.extract_strided_slice %get3A_2 {offsets = [0, 0, 0], sizes = [1, 10000, 1], strides = [1, 1, 1]} : vector<2x10000x16xf32> to vector<1x10000x1xf32>
    %squeeze3A = vector.shape_cast %slice3A : vector<1x10000x1xf32> to vector<10000x1xf32>
    %add3A = arith.constant 1.000000e+00 : f32
    %add3A_3 = vector.broadcast %add3A : f32 to vector<10000x1xf32>
    %add3A_4 = arith.addf %add3A_3, %squeeze3A : vector<10000x1xf32>
    %slice3A_5 = vector.extract_strided_slice %get3A_2 {offsets = [1, 0, 0], sizes = [1, 10000, 1], strides = [1, 1, 1]} : vector<2x10000x16xf32> to vector<1x10000x1xf32>
    %squeeze3A_6 = vector.shape_cast %slice3A_5 : vector<1x10000x1xf32> to vector<10000x1xf32>
    %add3A_7 = arith.addf %add3A_4, %squeeze3A_6 : vector<10000x1xf32>
    %rsqrt3A = math.rsqrt %add3A_7 : vector<10000x1xf32>
    %get3A_8 = arith.constant 0 : index
    %get3A_9 = arith.constant 0 : index
    %get3A_10 = vector.load %arg1[%get3A_8, %get3A_9] : memref<10000x128xf32, #tpu.memory_space<vmem>>, vector<10000x128xf32>
    %get3A_11 = arith.constant 0 : index
    %get3A_12 = arith.constant 0 : index
    %get3A_13 = vector.load %arg2[%get3A_11, %get3A_12] : memref<128x64xf32, #tpu.memory_space<vmem>>, vector<128x64xf32>
    %dot_general3A = arith.constant dense<0.000000e+00> : vector<10000x64xf32>
    %dot_general3A_14 = tpu.matmul %get3A_10, %get3A_13, %dot_general3A {dimension_numbers = #tpu.dot_dimension_numbers<[1], [0], [0], [1], [0, 0, 1, 1], [], []>, transpose_lhs_hint = false} : vector<10000x128xf32>, vector<128x64xf32>, vector<10000x64xf32> -> vector<10000x64xf32>
    %mul3A = vector.broadcast %rsqrt3A : vector<10000x1xf32> to vector<10000x64xf32>
    %mul3A_15 = arith.mulf %dot_general3A_14, %mul3A : vector<10000x64xf32>
    %swap3A = arith.constant 0 : index
    %swap3A_16 = arith.constant 0 : index
    %swap3A_17 = vector.load %arg4[%swap3A, %swap3A_16] : memref<10000x64xf32, #tpu.memory_space<vmem>>, vector<10000x64xf32>
    tpu.vector_store %arg4[%swap3A, %swap3A_16], %mul3A_15 {strides = array<i32>} : memref<10000x64xf32, #tpu.memory_space<vmem>>, vector<10000x64xf32>,
    return
  }
  func.func @transform_0(%arg0: i32) -> (i32, i32) {
    %c0_i32 = arith.constant 0 : i32
    %c0_i32_0 = arith.constant 0 : i32
    return %arg0, %c0_i32 : i32, i32
  }
  func.func @transform_1(%arg0: i32) -> (i32, i32) {
    %c0_i32 = arith.constant 0 : i32
    %c0_i32_0 = arith.constant 0 : i32
    %c0_i32_1 = arith.constant 0 : i32
    return %c0_i32, %c0_i32_0 : i32, i32
  }
  func.func @transform_2(%arg0: i32) -> (i32, i32, i32) {
    %c0_i32 = arith.constant 0 : i32
    %c0_i32_0 = arith.constant 0 : i32
    %c0_i32_1 = arith.constant 0 : i32
    return %c0_i32, %arg0, %c0_i32_0 : i32, i32, i32
  }
  func.func @transform_3(%arg0: i32) -> (i32, i32) {
    %c0_i32 = arith.constant 0 : i32
    %c0_i32_0 = arith.constant 0 : i32
    return %arg0, %c0_i32 : i32, i32
  }
}

module attributes {stable_mosaic.version = 14 : i64} {
  func.func @_fin_body(%arg0: i32, %arg1: memref<2x10000x64xf32, #tpu.memory_space<vmem>>, %arg2: memref<10000x64xf32, #tpu.memory_space<vmem>>, %arg3: memref<2x10000x16xf32, #tpu.memory_space<vmem>>, %arg4: memref<1x64xf32, #tpu.memory_space<vmem>>, %arg5: memref<10000x64xf32, #tpu.memory_space<vmem>>) attributes {dimension_semantics = [#tpu.dimension_semantics<arbitrary>], iteration_bounds = array<i64: 1>, scalar_prefetch = 0 : i64, scratch_operands = 0 : i64, tpu.core_type = #tpu.core_type<tc>, window_params = [{transform_indices = @transform_0, window_bounds = array<i64: 2, 10000, 64>}, {transform_indices = @transform_1, window_bounds = array<i64: 10000, 64>}, {transform_indices = @transform_2, window_bounds = array<i64: 2, 10000, 16>}, {pipeline_mode = #tpu.pipeline_mode<synchronous>, transform_indices = @transform_3, window_bounds = array<i64: 1, 64>}, {transform_indices = @transform_4, window_bounds = array<i64: 10000, 64>}]} {
    %get3A = arith.constant 0 : index
    %get3A_0 = arith.constant 0 : index
    %get3A_1 = arith.constant 0 : index
    %get3A_2 = vector.load %arg3[%get3A, %get3A_0, %get3A_1] : memref<2x10000x16xf32, #tpu.memory_space<vmem>>, vector<2x10000x16xf32>
    %slice3A = vector.extract_strided_slice %get3A_2 {offsets = [0, 0, 0], sizes = [1, 10000, 1], strides = [1, 1, 1]} : vector<2x10000x16xf32> to vector<1x10000x1xf32>
    %squeeze3A = vector.shape_cast %slice3A : vector<1x10000x1xf32> to vector<10000x1xf32>
    %add3A = arith.constant 1.000000e+00 : f32
    %add3A_3 = vector.broadcast %add3A : f32 to vector<10000x1xf32>
    %add3A_4 = arith.addf %add3A_3, %squeeze3A : vector<10000x1xf32>
    %slice3A_5 = vector.extract_strided_slice %get3A_2 {offsets = [1, 0, 0], sizes = [1, 10000, 1], strides = [1, 1, 1]} : vector<2x10000x16xf32> to vector<1x10000x1xf32>
    %squeeze3A_6 = vector.shape_cast %slice3A_5 : vector<1x10000x1xf32> to vector<10000x1xf32>
    %add3A_7 = arith.addf %add3A_4, %squeeze3A_6 : vector<10000x1xf32>
    %rsqrt3A = math.rsqrt %add3A_7 : vector<10000x1xf32>
    %get3A_8 = arith.constant 0 : index
    %get3A_9 = arith.constant 0 : index
    %get3A_10 = arith.constant 0 : index
    %get3A_11 = vector.load %arg1[%get3A_8, %get3A_9, %get3A_10] : memref<2x10000x64xf32, #tpu.memory_space<vmem>>, vector<2x10000x64xf32>
    %slice3A_12 = vector.extract_strided_slice %get3A_11 {offsets = [0, 0, 0], sizes = [1, 10000, 64], strides = [1, 1, 1]} : vector<2x10000x64xf32> to vector<1x10000x64xf32>
    %squeeze3A_13 = vector.shape_cast %slice3A_12 : vector<1x10000x64xf32> to vector<10000x64xf32>
    %slice3A_14 = vector.extract_strided_slice %get3A_11 {offsets = [1, 0, 0], sizes = [1, 10000, 64], strides = [1, 1, 1]} : vector<2x10000x64xf32> to vector<1x10000x64xf32>
    %squeeze3A_15 = vector.shape_cast %slice3A_14 : vector<1x10000x64xf32> to vector<10000x64xf32>
    %add3A_16 = arith.addf %squeeze3A_13, %squeeze3A_15 : vector<10000x64xf32>
    %get3A_17 = arith.constant 0 : index
    %get3A_18 = arith.constant 0 : index
    %get3A_19 = vector.load %arg2[%get3A_17, %get3A_18] : memref<10000x64xf32, #tpu.memory_space<vmem>>, vector<10000x64xf32>
    %add3A_20 = arith.addf %add3A_16, %get3A_19 : vector<10000x64xf32>
    %mul3A = vector.broadcast %rsqrt3A : vector<10000x1xf32> to vector<10000x64xf32>
    %mul3A_21 = arith.mulf %mul3A, %add3A_20 : vector<10000x64xf32>
    %get3A_22 = arith.constant 0 : index
    %get3A_23 = arith.constant 0 : index
    %get3A_24 = vector.load %arg4[%get3A_22, %get3A_23] : memref<1x64xf32, #tpu.memory_space<vmem>>, vector<1x64xf32>
    %add3A_25 = vector.broadcast %get3A_24 : vector<1x64xf32> to vector<10000x64xf32>
    %add3A_26 = arith.addf %mul3A_21, %add3A_25 : vector<10000x64xf32>
    %reduce_max3A = arith.constant dense<0xFF800000> : vector<10000xf32>
    %reduce_max3A_27 = vector.multi_reduction <maximumf>, %add3A_26, %reduce_max3A [1] : vector<10000x64xf32> to vector<10000xf32>
    %broadcast_in_dim3A = vector.shape_cast %reduce_max3A_27 : vector<10000xf32> to vector<10000x1xf32>
    %sub3A = vector.broadcast %broadcast_in_dim3A : vector<10000x1xf32> to vector<10000x64xf32>
    %sub3A_28 = arith.subf %add3A_26, %sub3A : vector<10000x64xf32>
    %exp3A = math.exp %sub3A_28 : vector<10000x64xf32>
    %reduce_sum3A = arith.constant dense<0.000000e+00> : vector<10000xf32>
    %reduce_sum3A_29 = vector.multi_reduction <add>, %exp3A, %reduce_sum3A [1] : vector<10000x64xf32> to vector<10000xf32>
    %broadcast_in_dim3A_30 = vector.shape_cast %reduce_sum3A_29 : vector<10000xf32> to vector<10000x1xf32>
    %log3A = math.log %broadcast_in_dim3A_30 : vector<10000x1xf32>
    %sub3A_31 = vector.broadcast %log3A : vector<10000x1xf32> to vector<10000x64xf32>
    %sub3A_32 = arith.subf %sub3A_28, %sub3A_31 : vector<10000x64xf32>
    %swap3A = arith.constant 0 : index
    %swap3A_33 = arith.constant 0 : index
    %swap3A_34 = vector.load %arg5[%swap3A, %swap3A_33] : memref<10000x64xf32, #tpu.memory_space<vmem>>, vector<10000x64xf32>
    tpu.vector_store %arg5[%swap3A, %swap3A_33], %sub3A_32 {strides = array<i32>} : memref<10000x64xf32, #tpu.memory_space<vmem>>, vector<10000x64xf32>,
    return
  }
  func.func @transform_0(%arg0: i32) -> (i32, i32, i32) {
    %c0_i32 = arith.constant 0 : i32
    %c0_i32_0 = arith.constant 0 : i32
    %c0_i32_1 = arith.constant 0 : i32
    return %c0_i32, %arg0, %c0_i32_0 : i32, i32, i32
  }
  func.func @transform_1(%arg0: i32) -> (i32, i32) {
    %c0_i32 = arith.constant 0 : i32
    %c0_i32_0 = arith.constant 0 : i32
    return %arg0, %c0_i32 : i32, i32
  }
  func.func @transform_2(%arg0: i32) -> (i32, i32, i32) {
    %c0_i32 = arith.constant 0 : i32
    %c0_i32_0 = arith.constant 0 : i32
    %c0_i32_1 = arith.constant 0 : i32
    return %c0_i32, %arg0, %c0_i32_0 : i32, i32, i32
  }
  func.func @transform_3(%arg0: i32) -> (i32, i32) {
    %c0_i32 = arith.constant 0 : i32
    %c0_i32_0 = arith.constant 0 : i32
    %c0_i32_1 = arith.constant 0 : i32
    return %c0_i32, %c0_i32_0 : i32, i32
  }
  func.func @transform_4(%arg0: i32) -> (i32, i32) {
    %c0_i32 = arith.constant 0 : i32
    %c0_i32_0 = arith.constant 0 : i32
    return %arg0, %c0_i32 : i32, i32
  }
}

</mosaic_0001>

<sc_bundles>
// kernel: kernel.6.cloned.1.call-start
scs
__scs_entry_jumppad:
0x0: {  	(pc) =	sbr.rel $0x88, $3  }
0x1: {  	(tag) =	ssettag $0x0;
	lr =	simm.s32 $0x1  }
0x2: {  	[smem:$0x3F9D] =	sst lr;
	_ =	strace $0xD0000000  }
0x3: {  	_ = 	snop  }
0x4: {  	_ = 	snop  }
0x5: {  	_ = 	snop  }
0x6: {  	_ = 	snop  }
0x7: {  	_ = 	snop  }
__scs_overlays_trampoline_lowered:
0x8: {  	[smem:$0x3FAC] =	sst s0  }
0x9: {  	[smem:$0x3FAD] =	sst s1  }
0xa: {  	[smem:$0x3FAE] =	sst s2  }
0xb: {  	[smem:$0x3FAF] =	sst s3  }
0xc: {  	[smem:$0x3FB0] =	sst s4  }
0xd: {  	[smem:$0x3FB1] =	sst s5  }
0xe: {  	[smem:$0x3FB2] =	sst s6  }
0xf: {  	[smem:$0x3FB3] =	sst s7  }
0x10: {  	[smem:$0x3FB4] =	sst s8  }
0x11: {  	[smem:$0x3FB5] =	sst s9;
	s0 =	simm.s32 @!p0 $0x0  }
0x12: {  	s1 =	sld [smem:$0x3F9B];
	s0 =	simm.s32 @p0 $0x1  }
0x13: {  	[smem:$0x3FB6] =	sst s0;
	s0 =	simm.s32 @!p1 $0x0  }
0x14: {  	s2 =	sld [smem:$0x3F9A];
	s0 =	simm.s32 @p1 $0x1  }
0x15: {  	[smem:$0x3FB7] =	sst s0;
	s0 =	simm.s32 @!p2 $0x0  }
0x16: {  	s3 =	sld [smem:$0x3FDB];
	s0 =	simm.s32 @p2 $0x1  }
0x17: {  	s4 =	simm.s32 $0x1BF5;
	[smem:$0x3FB9] =	sst s0  }
0x18: {  	s0 =	sld [smem:$0x3F9C];
	_ =	swait.ge [sflag:s4], $0x0  }
0x19: {  	s7 =	sld [smem:$0x3F9D]  }
0x1a: {  	s8 =	sadd.s32 $0xFFFFE003, lr  }
0x1b: {  	s9 =	sadd.s32 $0xFFFFFEF7, lr;
	s5 =	simm.s32 $0xFFFFFFFF;
	p2 =	slt.u32 s8, $0xFFFFF086  }
0x1c: {  	p1 =	slt.u32 s9, $0xF7A;
	s5 =	simm.s32 @!p2 $0x0  }
0x1d: {  	s5 =	simm.s32 @p1 $0x1;
	p0 =	seq.s32 s7, s2  }
0x1e: {  	s7 =	smul.u32 @!p0 $0xF7A, s2;
	p2 =	seq.s32 @!p0 s5, $0x0  }
0x1f: {  	s9 =	smul.u32 $0xF7A, s1;
	s8 =	simm.s32 @!p0 $0x1BF5;
	p2 =	por !p2, p0  }
0x20: {  	[sflag:s8] =	ssyncset.s32 @!p0 $0xFFFFF086;
	s6 =	sadd.s32 @!p0 s3, s7;
	s7 =	simm.s32 @!p0 $0x108  }
0x21: {  	s3 =	sadd.s32 s3, s9;
	s6 =	sadd.s32 @!p0 $0x88, s6;
	s7 =	simm.s32 @p2 $0x1082  }
0x22: {  	[simem:s7], [sflag:s8] =	dma.local @!p0 [hbm:s6], $0xF7A  }
0x23: {  	s9 =	sor.u32 $0xD0000000, s2;
	s6 =	simm.s32 $0x108;
	_ =	swait.ge @!p0 [sflag:s8], $0x0  }
0x24: {  	s3 =	sadd.s32 $0x88, s3;
	s6 =	simm.s32 @!p1 $0x1082;
	[sflag:s4] =	ssyncset.s32 $0xFFFFF086  }
0x25: {  	[simem:s6], [sflag:s4] =	dma.local [hbm:s3], $0xF7A  }
0x26: {  	[smem:$0x3F9D] =	sst s1;
	(tag) =	ssettag s2;
	_ =	strace s9  }
0x27: {  	s1 =	sld [smem:$0x3FAD]  }
0x28: {  	s2 =	sld [smem:$0x3FAE]  }
0x29: {  	s4 =	sld [smem:$0x3FB0]  }
0x2a: {  	p0 =	seq.s32 s5, $0x0;
	s5 =	sld [smem:$0x3FB1]  }
0x2b: {  	s6 =	sld [smem:$0x3FB2]  }
0x2c: {  	s7 =	sld [smem:$0x3FB3]  }
0x2d: {  	s3 =	simm.s32 $0x108;
	s8 =	sld [smem:$0x3FB4]  }
0x2e: {  	s3 =	simm.s32 @!p0 $0x1082;
	s9 =	sld [smem:$0x3FB5]  }
0x2f: {  	lr =	sadd.s32 s0, s3;
	s0 =	sld [smem:$0x3FAC]  }
0x30: {  	s3 =	sld [smem:$0x3FAF]  }
0x31: {  	[smem:$0x3FB8] =	sst s10  }
0x32: {  	s10 =	sld [smem:$0x3FB6];
	_ =	sdelay $0x3  }
0x33: {  	p0 =	seq.s32 s10, $0x1;
	s10 =	sld [smem:$0x3FB8];
	_ =	sdelay $0x3  }
0x34: {  	[smem:$0x3FB8] =	sst s10  }
0x35: {  	s10 =	sld [smem:$0x3FB7];
	_ =	sdelay $0x3  }
0x36: {  	p1 =	seq.s32 s10, $0x1;
	s10 =	sld [smem:$0x3FB8];
	_ =	sdelay $0x3  }
0x37: {  	[smem:$0x3FB8] =	sst s10  }
0x38: {  	s10 =	sld [smem:$0x3FB9]  }
0x39: {  	_ = 	snop;
	(pc) =	sbr.ind lr, $3  }
0x3a: {  	_ = 	snop  }
0x3b: {  	_ = 	snop  }
0x3c: {  	p2 =	seq.s32 s10, $0x1;
	s10 =	sld [smem:$0x3FB8]  }
0x3d: {  	_ =	shalt  }
0x3e: {  	_ =	shalt  }
0x3f: {  	_ =	shalt  }
0x40: {  	_ =	shalt  }
0x41: {  	_ =	shalt  }
0x42: {  	_ =	shalt  }
0x43: {  	_ =	shalt  }
0x44: {  	_ =	shalt  }
0x45: {  	_ =	shalt  }
0x46: {  	_ =	shalt  }
0x47: {  	_ =	shalt  }
0x48: {  	_ =	shalt  }
0x49: {  	_ =	shalt  }
0x4a: {  	_ =	shalt  }
0x4b: {  	_ =	shalt  }
0x4c: {  	_ =	shalt  }
0x4d: {  	_ =	shalt  }
0x4e: {  	_ =	shalt  }
0x4f: {  	_ =	shalt  }
0x50: {  	_ =	shalt  }
0x51: {  	_ =	shalt  }
0x52: {  	_ =	shalt  }
0x53: {  	_ =	shalt  }
0x54: {  	_ =	shalt  }
0x55: {  	_ =	shalt  }
0x56: {  	_ =	shalt  }
0x57: {  	_ =	shalt  }
0x58: {  	_ =	shalt  }
0x59: {  	_ =	shalt  }
0x5a: {  	_ =	shalt  }
0x5b: {  	_ =	shalt  }
0x5c: {  	_ =	shalt  }
0x5d: {  	_ =	shalt  }
0x5e: {  	_ =	shalt  }
0x5f: {  	_ =	shalt  }
0x60: {  	_ =	shalt  }
0x61: {  	_ =	shalt  }
0x62: {  	_ =	shalt  }
0x63: {  	_ =	shalt  }
0x64: {  	_ =	shalt  }
0x65: {  	_ =	shalt  }
0x66: {  	_ =	shalt  }
0x67: {  	_ =	shalt  }
0x68: {  	_ =	shalt  }
0x69: {  	_ =	shalt  }
0x6a: {  	_ =	shalt  }
0x6b: {  	_ =	shalt  }
0x6c: {  	_ =	shalt  }
0x6d: {  	_ =	shalt  }
0x6e: {  	_ =	shalt  }
0x6f: {  	_ =	shalt  }
0x70: {  	_ =	shalt  }
0x71: {  	_ =	shalt  }
0x72: {  	_ =	shalt  }
0x73: {  	_ =	shalt  }
0x74: {  	_ =	shalt  }
0x75: {  	_ =	shalt  }
0x76: {  	_ =	shalt  }
0x77: {  	_ =	shalt  }
0x78: {  	_ =	shalt  }
0x79: {  	_ =	shalt  }
0x7a: {  	_ =	shalt  }
0x7b: {  	_ =	shalt  }
0x7c: {  	_ =	shalt  }
0x7d: {  	_ =	shalt  }
0x7e: {  	_ =	shalt  }
0x7f: {  	_ =	shalt  }
0x80: {  	_ =	shalt  }
0x81: {  	_ =	shalt  }
0x82: {  	_ =	shalt  }
0x83: {  	_ =	shalt  }
0x84: {  	_ =	shalt  }
0x85: {  	_ =	shalt  }
0x86: {  	_ =	shalt  }
0x87: {  	_ =	shalt  }
.Lfunc_end0:
.L_simem_size_0:
called_computation_lowered:
.L_overlay_start_0:
0x88: {  	s2 =	sld [smem:$0x3FD9]  }
0x89: {  	s3 =	sld [smem:$0x3FFE];
	_ =	sdelay $0x1  }
0x8a: {  	s1 =	srdreg.scid  }
0x8b: {  	s0 =	sand.u32 $0x1, s1  }
0x8c: {  	s17 =	sshll.u32 s0, $0xA;
	s2 =	sadd.s32 s3, s2  }
0x8d: {  	s2 =	sadd.s32 s2, s17  }
0x8e: {  	[smem:$0x3FC4] =	sst s2  }
0x8f: {  	_ = 	snop  }
0x90: {  	s2 =	sld [smem:$0x3FD0];
	(tm) =	ssettm $0x1  }
0x91: {  	s18 =	sld [smem:$0x3FFB];
	_ =	sdelay $0x3  }
0x92: {  	_ =	strace s18  }
0x93: {  	s3 =	sld [smem:$0x3FFC];
	_ =	sdelay $0x3  }
0x94: {  	_ =	strace s3  }
0x95: {  	s3 =	sld [smem:$0x3FFD];
	_ =	sdelay $0x3  }
0x96: {  	_ =	strace s3  }
0x97: {  	_ =	strace $0x8FFFFFFF  }
0x98: {  	s19 =	sld [smem:$0x3FDB];
	_ =	sdelay $0x1  }
0x99: {  	s4 =	simm.s32 $_scs_section_size  }
0x9a: {  	s5 =	simm.s32 $_size__tile_overlayer_lowered;
	s6 =	simm.s32 $_tile_overlayer_lowered  }
0x9b: {  	s22 =	simm.s32 $0x1BFF;
	s21 =	sshll.u32 s6, $0x1;
	s3 =	sadd.s32 s4, s19  }
0x9c: {  	s7 =	simm.s32 $0x0;
	s20 =	sshll.u32 s5, $0x1;
	s5 =	sadd.s32 s21, s3  }
0x9d: {  	[timem:s7], [sflag:s22] =	dma.local [hbm:s5], s20  }
0x9e: {  	_ =	swait.ge [sflag:s22], s20  }
0x9f: {  	s4 =	ssub.s32 $0x0, s20;
	[sflag:s22] =	ssyncset.done $0x0  }
0xa0: {  	[sflag:s22] =	ssyncadd.s32 s4;
	_ =	sdelay $0x1  }
0xa1: {  	s23 =	simm.s32 $0x1B8B  }
0xa2: {  	_ =	swait.ge [sflag:s23], $0x1  }
0xa3: {  	[sflag:s23] =	ssyncset.done $0x0  }
0xa4: {  	s25 =	simm.s32 $0x1B8E;
	s24 =	sld [smem:$0x3FFE];
	[sflag:s23] =	ssyncadd.s32 $0xFFFFFFFF  }
0xa5: {  	s26 =	simm.s32 $execute0_lowered;
	[smem:$0x3FD2] =	sst s25  }
0xa6: {  	s5 =	sshll.u32 s26, $0x1;
	_ =	strace $0x80000046;
	[dreg:$0x1] =	wrdreg $0xFFFFFFFF  }
0xa7: {  	s28 =	simm.s32 $_size_execute0_lowered;
	s3 =	sadd.s32 s3, s5;
	[dreg:$0x0] =	wrdreg $0x0  }
0xa8: {  	s5 =	sshll.u32 s28, $0x1;
	[dreg:$0x2] =	wrdreg s3  }
0xa9: {  	[dreg:$0x3] =	wrdreg s5  }
0xaa: {  	[dreg:$0x4] =	wrdreg $0xC0  }
0xab: {  	_ =	task [dreg:s7], $0x5FFFF  }
0xac: {  	[dreg:$0x1] =	wrdreg $0xFFFFFFFF  }
0xad: {  	[dreg:$0x0] =	wrdreg $0x60  }
0xae: {  	[dreg:$0x2] =	wrdreg s2  }
0xaf: {  	[dreg:$0x3] =	wrdreg s24  }
0xb0: {  	[dreg:$0x4] =	wrdreg $0x33E00  }
0xb1: {  	[dreg:$0x5] =	wrdreg $0x9  }
0xb2: {  	_ =	task.clear_ibuf [dreg:s7], $0x6FFFF;
	_ =	strace $0x90000046  }
0xb3: {  	s29 =	simm.s32 $0x9;
	_ =	strace $0x80000048  }
0xb4: {  	_ =	swait.ge [sflag:s29], $0x1  }
0xb5: {  	[sflag:s29] =	ssyncadd.s32 $0xFFFFFFFF  }
0xb6: {  	_ =	strace $0x90000048  }
0xb7: {  	_ =	sfence  }
0xb8: {  	s30 =	sld [smem:$0x0];
	_ =	sdelay $0x2  }
0xb9: {  	s31 =	sshll.u32 s1, $0xD;
	s1 =	sshrl.u32 s1, $0x2  }
0xba: {  	s3 =	sand.u32 $0x4000, s31;
	s1 =	sadd.s32 s1, s30  }
0xbb: {  	s0 =	sor.u32 s3, s0;
	s1 =	sshll.u32 s1, $0x11  }
0xbc: {  	s0 =	sor.u32 s1, s0  }
0xbd: {  	s0 =	sadd.s32 $0x8F2B, s0  }
0xbe: {  	[sflag:s0] =	ssyncadd.remote.s32 $0x1  }
0xbf: {  	_ =	sfence.sel $0xFFFF  }
0xc0: {  	[dreg:$0x0] =	wrdreg $0xFFFFFFFF;
	(pc) =	sbr.abs _section_cstart, $3  }
0xc1: {  	[dreg:$0x1] =	wrdreg $0xFFFFFFFF  }
0xc2: {  	_ =	task.clear_ibuf [dreg:s7], $0x2FFFF;
	_ =	strace $0x9FFFFFFF  }
0xc3: {  	(tm) =	ssettm $0x7FFFFFFF  }
tec
execute0_lowered:
.L_overlay_start_1:
0x0: {  	(tag) =	ssettag $0x1  }
0x1: {  	s9 =	rddreg [dreg:$0x0]  }
0x2: {  	s4 =	rddreg [dreg:$0x1]  }
0x3: {  	s1 =	rddreg [dreg:$0x2]  }
0x4: {  	s0 =	rddreg [dreg:$0x3];
	s2 =	simm.s32 $0x0  }
0x5: {  	s3 =	srdreg.scid;
	s19 =	simm.s32 $0x2710;
	s20 =	simm.s32 $0xA0  }
0x6: {  	s21 =	simm.s32 $0xF0;
	s22 =	simm.s32 $0x1;
	s23 =	simm.s32 $0x2  }
0x7: {  	s24 =	simm.s32 $0x3;
	s25 =	simm.s32 $0x4;
	s26 =	simm.s32 $0x26C0  }
0x8: {  	s28 =	simm.s32 $0x0;
	[smem:$0x7FF] =	sst s2;
	s7 =	sand.u32 $0x1, s3  }
0x9: {  	s3 =	stileid.u32;
	s14 =	sadd.s32 $0x1A00, s4;
	_ =	strace $0x80000047  }
0xa: {  	s5 =	ssub.s32 $0x2, s7;
	s8 =	sshll.u32 s3, $0x1;
	s10 =	smul.u32 $0x2710, s3  }
0xb: {  	s18 =	smul.u32 $0x27100, s7;
	s6 =	sshrl.u32 s5, $0x1;
	s8 =	sor.u32 s7, s8  }
0xc: {  	s15 =	ssub.s32 s5, s6;
	s4 =	sadd.s32 s10, s1;
	s11 =	sadd.s32 $0x7D0, s10  }
0xd: {  	s12 =	sadd.s32 $0xFA0, s10;
	s13 =	smul.u32 $0x2710, s8;
	s16 =	sadd.s32 $0x1770, s10  }
0xe: {  	s17 =	sadd.s32 $0x1F40, s10;
	s10 =	sadd.s32 s10, s18;
	s5 =	sadd.s32 s11, s1  }
0xf: {  	s6 =	sadd.s32 s12, s1;
	s7 =	sadd.s32 s16, s1;
	s8 =	sadd.s32 s17, s1  }
0x10: {  	s11 =	sadd.s32 s18, s11;
	s10 =	sshrl.u32 s10, $0x3;
	s12 =	sadd.s32 s18, s12  }
0x11: {  	s30 =	sadd.s32 s18, s16;
	s31 =	sadd.s32 s18, s17;
	s15 =	smax.u32 s15, $0x1  }
0x12: {  	s17 =	simm.s32 $0x5;
	s18 =	simm.s32 $0x50;
	s13 =	sshrl.u32 s13, $0x3  }
0x13: {  	s11 =	sshrl.u32 s11, $0x3;
	s10 =	sadd.s32 s14, s10;
	s12 =	sshrl.u32 s12, $0x3  }
0x14: {  	s16 =	sshrl.u32 s31, $0x3;
	s9 =	sadd.s32 s9, s13;
	s11 =	sadd.s32 s14, s11  }
0x15: {  	s12 =	sadd.s32 s14, s12;
	s13 =	sshrl.u32 s30, $0x3;
	s9 =	sadd.s32 $0x9C40, s9  }
0x16: {  	v0 =	vimm.f32 $0.0e+00;
	v1 =	vimm.f32 $1.000000000e+00;
	s13 =	sadd.s32 s14, s13;
	s14 =	sadd.s32 s14, s16;
	s16 =	simm.s32 $0x2C10  }
.LBB2_1:
0x17: {  	s29 =	simm.s32 $0x40;
	s30 =	simm.s32 $0x0  }
.LBB2_2:
0x18: {  	p0 =	sne.s32 s29, $0x1F00;
	[tilespmem:s30+$0x2C10] =	vst v0;
	s30 =	smov.u32 s29;
	s29 =	sadd.s32 $0x40, s29  }
.Ltmp0:
0x19: {  	(pc) =	sbr.rel @p0 .LBB2_2-.Ltmp0, $2  }
0x1a: {  	_ =	sdelay $0x2  }
0x1b: {  	s30 =	sshra.s32 s30, $0x2  }
0x1c: {  	[tilespmem:s30+$0x2C10] =	vst v0  }
0x1d: {  	[spmem:s4] =	stream.linear.scatter [tilespmem:s16], [sflag:$0x5], $0x7D0, $0x38;
	[tilespmem:$0x5AF0] =	vst v63  }
0x1e: {  	_ =	swait.ge [sflag:s17], $0x7D0  }
0x1f: {  	[sflag:s17] =	ssyncset.done $0x0  }
0x20: {  	[sflag:s17] =	ssyncadd.s32 $0xFFFFF830  }
0x21: {  	[spmem:s5] =	stream.linear.scatter [tilespmem:s16], [sflag:$0x5], $0x7D0, $0x38;
	[tilespmem:$0x5AF0] =	vst v63  }
0x22: {  	_ =	swait.ge [sflag:s17], $0x7D0  }
0x23: {  	[sflag:s17] =	ssyncset.done $0x0  }
0x24: {  	[sflag:s17] =	ssyncadd.s32 $0xFFFFF830  }
0x25: {  	[spmem:s6] =	stream.linear.scatter [tilespmem:s16], [sflag:$0x5], $0x7D0, $0x38;
	[tilespmem:$0x5AF0] =	vst v63  }
0x26: {  	_ =	swait.ge [sflag:s17], $0x7D0  }
0x27: {  	[sflag:s17] =	ssyncset.done $0x0  }
0x28: {  	[sflag:s17] =	ssyncadd.s32 $0xFFFFF830  }
0x29: {  	[spmem:s7] =	stream.linear.scatter [tilespmem:s16], [sflag:$0x5], $0x7D0, $0x38;
	[tilespmem:$0x5AF0] =	vst v63  }
0x2a: {  	_ =	swait.ge [sflag:s17], $0x7D0  }
0x2b: {  	[sflag:s17] =	ssyncset.done $0x0  }
0x2c: {  	[sflag:s17] =	ssyncadd.s32 $0xFFFFF830  }
0x2d: {  	[spmem:s8] =	stream.linear.scatter [tilespmem:s16], [sflag:$0x5], $0x7D0, $0x38;
	[tilespmem:$0x5AF0] =	vst v63  }
0x2e: {  	_ =	swait.ge [sflag:s17], $0x7D0  }
0x2f: {  	[sflag:s17] =	ssyncset.done $0x0  }
0x30: {  	s29 =	simm.s32 $0x40;
	s30 =	simm.s32 $0x0;
	[sflag:s17] =	ssyncadd.s32 $0xFFFFF830  }
.LBB2_4:
0x31: {  	p0 =	sne.s32 s29, $0x13C0;
	[tilespmem:s30+$0x2710] =	vst v1;
	s30 =	smov.u32 s29;
	s29 =	sadd.s32 $0x40, s29  }
.Ltmp1:
0x32: {  	(pc) =	sbr.rel @p0 .LBB2_4-.Ltmp1, $2  }
0x33: {  	_ =	sdelay $0x2  }
0x34: {  	s30 =	sshra.s32 s30, $0x2  }
0x35: {  	[tilespmem:s30+$0x2710] =	vst v1  }
0x36: {  	[tilespmem:s2], [sflag:$0x5] =	stream.linear.gather [hbm4b:s9+s2], $0x2710, $0x38;
	[tilespmem:$0x5AF0] =	vst v63  }
0x37: {  	_ =	swait.ge [sflag:s17], $0x2710  }
0x38: {  	[sflag:s17] =	ssyncset.done $0x0  }
0x39: {  	[sflag:s17] =	ssyncadd.s32 $0xFFFFD8F0  }
0x3a: {  	[bflag:$0x0] =	sbarrier.arrive $0xFFFF  }
0x3b: {  	[spmem:s1] =	stream.indirect.scatter.add.f32 [tilespmem:s19], [sflag:$0x1], $0x10, s2, s18, $0xb8;
	[tilespmem:$0x5AF0] =	vst v63  }
0x3c: {  	_ = 	snop  }
0x3d: {  	[spmem:s1] =	stream.indirect.scatter.add.f32 [tilespmem:s19], [sflag:$0x2], $0x10, s18, s18, $0xb8;
	[tilespmem:$0x5AF0] =	vst v63  }
0x3e: {  	_ = 	snop  }
0x3f: {  	[spmem:s1] =	stream.indirect.scatter.add.f32 [tilespmem:s19], [sflag:$0x3], $0x10, s20, s18, $0xb8;
	[tilespmem:$0x5AF0] =	vst v63  }
0x40: {  	_ = 	snop  }
0x41: {  	[spmem:s1] =	stream.indirect.scatter.add.f32 [tilespmem:s19], [sflag:$0x4], $0x10, s21, s18, $0xb8;
	[tilespmem:$0x5AF0] =	vst v63  }
0x42: {  	_ =	swait.ge [sflag:s22], $0x500  }
0x43: {  	[sflag:s22] =	ssyncset.done $0x0  }
0x44: {  	s29 =	simm.s32 $0x140;
	[sflag:s22] =	ssyncadd.s32 $0xFFFFFB00  }
0x45: {  	[spmem:s1] =	stream.indirect.scatter.add.f32 [tilespmem:s19], [sflag:$0x1], $0x10, s29, s18, $0xb8;
	[tilespmem:$0x5AF0] =	vst v63  }
0x46: {  	_ =	swait.ge [sflag:s23], $0x500  }
0x47: {  	[sflag:s23] =	ssyncset.done $0x0  }
0x48: {  	s29 =	simm.s32 $0x190;
	[sflag:s23] =	ssyncadd.s32 $0xFFFFFB00  }
0x49: {  	[spmem:s1] =	stream.indirect.scatter.add.f32 [tilespmem:s19], [sflag:$0x2], $0x10, s29, s18, $0xb8;
	[tilespmem:$0x5AF0] =	vst v63  }
0x4a: {  	_ =	swait.ge [sflag:s24], $0x500  }
0x4b: {  	[sflag:s24] =	ssyncset.done $0x0  }
0x4c: {  	s29 =	simm.s32 $0x1E0;
	[sflag:s24] =	ssyncadd.s32 $0xFFFFFB00  }
0x4d: {  	[spmem:s1] =	stream.indirect.scatter.add.f32 [tilespmem:s19], [sflag:$0x3], $0x10, s29, s18, $0xb8;
	[tilespmem:$0x5AF0] =	vst v63  }
0x4e: {  	_ =	swait.ge [sflag:s25], $0x500  }
0x4f: {  	[sflag:s25] =	ssyncset.done $0x0  }
0x50: {  	s30 =	simm.s32 $0x230;
	s29 =	simm.s32 $0xFFFF6F00;
	[sflag:s25] =	ssyncadd.s32 $0xFFFFFB00  }
.LBB2_6:
0x51: {  	[spmem:s1] =	stream.indirect.scatter.add.f32 [tilespmem:s19], [sflag:$0x4], $0x10, s30, s18, $0xb8;
	[tilespmem:$0x5AF0] =	vst v63  }
0x52: {  	s30 =	smov.u32 s29  }
0x53: {  	p0 =	sne.s32 s29, $0xFFFFFB00;
	s29 =	sadd.s32 $0x500, s29;
	_ =	swait.ge [sflag:s22], $0x500  }
0x54: {  	s30 =	sshra.s32 s30, $0x2;
	[sflag:s22] =	ssyncset.done $0x0  }
0x55: {  	s31 =	sadd.s32 $0x26C0, s30;
	[sflag:s22] =	ssyncadd.s32 $0xFFFFFB00  }
0x56: {  	[spmem:s1] =	stream.indirect.scatter.add.f32 [tilespmem:s19], [sflag:$0x1], $0x10, s31, s18, $0xb8;
	[tilespmem:$0x5AF0] =	vst v63  }
0x57: {  	_ =	swait.ge [sflag:s23], $0x500  }
0x58: {  	[sflag:s23] =	ssyncset.done $0x0  }
0x59: {  	s31 =	sadd.s32 $0x2710, s30;
	[sflag:s23] =	ssyncadd.s32 $0xFFFFFB00  }
0x5a: {  	[spmem:s1] =	stream.indirect.scatter.add.f32 [tilespmem:s19], [sflag:$0x2], $0x10, s31, s18, $0xb8;
	[tilespmem:$0x5AF0] =	vst v63  }
0x5b: {  	_ =	swait.ge [sflag:s24], $0x500  }
0x5c: {  	[sflag:s24] =	ssyncset.done $0x0  }
.Ltmp2:
0x5d: {  	s31 =	sadd.s32 $0x2760, s30;
	[sflag:s24] =	ssyncadd.s32 $0xFFFFFB00;
	(pc) =	sbr.rel @p0 .LBB2_6-.Ltmp2, $4  }
0x5e: {  	[spmem:s1] =	stream.indirect.scatter.add.f32 [tilespmem:s19], [sflag:$0x3], $0x10, s31, s18, $0xb8;
	[tilespmem:$0x5AF0] =	vst v63  }
0x5f: {  	_ =	swait.ge [sflag:s25], $0x500  }
0x60: {  	[sflag:s25] =	ssyncset.done $0x0  }
0x61: {  	s30 =	sadd.s32 $0x27B0, s30;
	[sflag:s25] =	ssyncadd.s32 $0xFFFFFB00  }
0x62: {  	[spmem:s1] =	stream.indirect.scatter.add.f32 [tilespmem:s19], [sflag:$0x4], $0x10, s30, s18, $0xb8;
	[tilespmem:$0x5AF0] =	vst v63  }
0x63: {  	_ =	swait.ge [sflag:s22], $0x500  }
0x64: {  	[sflag:s22] =	ssyncset.done $0x0  }
0x65: {  	[sflag:s22] =	ssyncadd.s32 $0xFFFFFB00  }
0x66: {  	_ =	swait.ge [sflag:s23], $0x500  }
0x67: {  	[sflag:s23] =	ssyncset.done $0x0  }
0x68: {  	[sflag:s23] =	ssyncadd.s32 $0xFFFFFB00  }
0x69: {  	_ =	swait.ge [sflag:s24], $0x500  }
0x6a: {  	[sflag:s24] =	ssyncset.done $0x0  }
0x6b: {  	[sflag:s24] =	ssyncadd.s32 $0xFFFFFB00  }
0x6c: {  	_ =	swait.ge [sflag:s25], $0x500  }
0x6d: {  	[sflag:s25] =	ssyncset.done $0x0  }
0x6e: {  	[sflag:s25] =	ssyncadd.s32 $0xFFFFFB00  }
0x6f: {  	[spmem:s1] =	stream.indirect.scatter.add.f32 [tilespmem:s19], [sflag:$0x5], $0x10, s26, s18, $0xb8;
	[tilespmem:$0x5AF0] =	vst v63  }
0x70: {  	_ =	swait.ge [sflag:s17], $0x500  }
0x71: {  	[sflag:s17] =	ssyncset.done $0x0  }
0x72: {  	[sflag:s17] =	ssyncadd.s32 $0xFFFFFB00  }
0x73: {  	[bflag:$0x0] =	sbarrier.arrive $0xFFFF  }
0x74: {  	[tilespmem:s16], [sflag:$0x5] =	stream.linear.gather [spmem:s4], $0x7D0, $0x38;
	[tilespmem:$0x5AF0] =	vst v63  }
0x75: {  	_ =	swait.ge [sflag:s17], $0x7D0  }
0x76: {  	[sflag:s17] =	ssyncset.done $0x0  }
0x77: {  	[sflag:s17] =	ssyncadd.s32 $0xFFFFF830  }
0x78: {  	[hbm4b:s10+s2] =	stream.linear.scatter [tilespmem:s16], [sflag:$0x5], $0x7D0, $0x38;
	[tilespmem:$0x5AF0] =	vst v63  }
0x79: {  	_ =	swait.ge [sflag:s17], $0x7D0  }
0x7a: {  	[sflag:s17] =	ssyncset.done $0x0  }
0x7b: {  	[sflag:s17] =	ssyncadd.s32 $0xFFFFF830  }
0x7c: {  	[tilespmem:s16], [sflag:$0x5] =	stream.linear.gather [spmem:s5], $0x7D0, $0x38;
	[tilespmem:$0x5AF0] =	vst v63  }
0x7d: {  	_ =	swait.ge [sflag:s17], $0x7D0  }
0x7e: {  	[sflag:s17] =	ssyncset.done $0x0  }
0x7f: {  	[sflag:s17] =	ssyncadd.s32 $0xFFFFF830  }
0x80: {  	[hbm4b:s11+s2] =	stream.linear.scatter [tilespmem:s16], [sflag:$0x5], $0x7D0, $0x38;
	[tilespmem:$0x5AF0] =	vst v63  }
0x81: {  	_ =	swait.ge [sflag:s17], $0x7D0  }
0x82: {  	[sflag:s17] =	ssyncset.done $0x0  }
0x83: {  	[sflag:s17] =	ssyncadd.s32 $0xFFFFF830  }
0x84: {  	[tilespmem:s16], [sflag:$0x5] =	stream.linear.gather [spmem:s6], $0x7D0, $0x38;
	[tilespmem:$0x5AF0] =	vst v63  }
0x85: {  	_ =	swait.ge [sflag:s17], $0x7D0  }
0x86: {  	[sflag:s17] =	ssyncset.done $0x0  }
0x87: {  	[sflag:s17] =	ssyncadd.s32 $0xFFFFF830  }
0x88: {  	[hbm4b:s12+s2] =	stream.linear.scatter [tilespmem:s16], [sflag:$0x5], $0x7D0, $0x38;
	[tilespmem:$0x5AF0] =	vst v63  }
0x89: {  	_ =	swait.ge [sflag:s17], $0x7D0  }
0x8a: {  	[sflag:s17] =	ssyncset.done $0x0  }
0x8b: {  	[sflag:s17] =	ssyncadd.s32 $0xFFFFF830  }
0x8c: {  	[tilespmem:s16], [sflag:$0x5] =	stream.linear.gather [spmem:s7], $0x7D0, $0x38;
	[tilespmem:$0x5AF0] =	vst v63  }
0x8d: {  	_ =	swait.ge [sflag:s17], $0x7D0  }
0x8e: {  	[sflag:s17] =	ssyncset.done $0x0  }
0x8f: {  	[sflag:s17] =	ssyncadd.s32 $0xFFFFF830  }
0x90: {  	[hbm4b:s13+s2] =	stream.linear.scatter [tilespmem:s16], [sflag:$0x5], $0x7D0, $0x38;
	[tilespmem:$0x5AF0] =	vst v63  }
0x91: {  	_ =	swait.ge [sflag:s17], $0x7D0  }
0x92: {  	[sflag:s17] =	ssyncset.done $0x0  }
0x93: {  	[sflag:s17] =	ssyncadd.s32 $0xFFFFF830  }
0x94: {  	[tilespmem:s16], [sflag:$0x5] =	stream.linear.gather [spmem:s8], $0x7D0, $0x38;
	[tilespmem:$0x5AF0] =	vst v63  }
0x95: {  	s28 =	sadd.s32 $0x1, s28;
	_ =	swait.ge [sflag:s17], $0x7D0  }
0x96: {  	p0 =	sne.s32 s28, s15;
	[sflag:s17] =	ssyncset.done $0x0  }
.Ltmp3:
0x97: {  	[sflag:s17] =	ssyncadd.s32 $0xFFFFF830;
	(pc) =	sbr.rel @p0 .LBB2_1-.Ltmp3, $4  }
0x98: {  	[hbm4b:s14+s2] =	stream.linear.scatter [tilespmem:s16], [sflag:$0x5], $0x7D0, $0x38;
	[tilespmem:$0x5AF0] =	vst v63  }
0x99: {  	_ =	swait.ge [sflag:s17], $0x7D0  }
0x9a: {  	[sflag:s17] =	ssyncset.done $0x0  }
0x9b: {  	[sflag:s17] =	ssyncadd.s32 $0xFFFFF830  }
0x9c: {  	_ =	sfence.sel $0x180000  }
0x9d: {  	[bflag:$0x0] =	sbarrier.arrive $0xFFFF  }
0x9e: {  	p0 =	sne.s32 s3, $0x0;
	_ =	strace $0x90000047  }
0x9f: {  	s0 =	sadd.s32 @!p0 $0x100000, s0;
	[bflag:$0x2] =	sbarrier.arrive $0xFFFF  }
0xa0: {  	[sflag:s0] =	ssyncadd.tile.s32 @!p0 $0x1;
	_ =	shalt  }
.Lfunc_end2:
_tile_overlayer_lowered:
.L_overlay_start_2:
0xa1: {  	(tag) =	ssettag $0x2  }
0xa2: {  	s0 =	rddreg [dreg:$0x0];
	s2 =	stileid.u32  }
0xa3: {  	s1 =	rddreg [dreg:$0x1];
	p0 =	sne.s32 s2, $0x0  }
0xa4: {  	s3 =	rddreg [dreg:$0x2];
	[bflag:$0x3] =	sbarrier.arrive $0xFFFF;
	s2 =	simm.s32 @!p0 $0x1C05  }
0xa5: {  	[timem:s3], [sflag:s2] =	dma.local @!p0 [hbm:s0], s1  }
0xa6: {  	s0 =	simm.s32 @!p0 $0x5  }
0xa7: {  	_ =	swait.ge @!p0 [sflag:s0], s1  }
0xa8: {  	s1 =	ssub.s32 @!p0 $0x0, s1;
	[sflag:s0] =	ssyncset.done @!p0 $0x0  }
0xa9: {  	[sflag:s0] =	ssyncadd.s32 @!p0 s1  }
0xaa: {  	[bflag:$0x3] =	sbarrier.arrive $0xFFFF  }
0xab: {  	_ =	shalt  }

// kernel: kernel.9.cloned.1.call-start
scs
__scs_entry_jumppad:
0x0: {  	(pc) =	sbr.rel $0x88, $3  }
0x1: {  	(tag) =	ssettag $0x0;
	lr =	simm.s32 $0x1  }
0x2: {  	[smem:$0x3F9D] =	sst lr;
	_ =	strace $0xD0000000  }
0x3: {  	_ = 	snop  }
0x4: {  	_ = 	snop  }
0x5: {  	_ = 	snop  }
0x6: {  	_ = 	snop  }
0x7: {  	_ = 	snop  }
__scs_overlays_trampoline_lowered:
0x8: {  	[smem:$0x3FAC] =	sst s0  }
0x9: {  	[smem:$0x3FAD] =	sst s1  }
0xa: {  	[smem:$0x3FAE] =	sst s2  }
0xb: {  	[smem:$0x3FAF] =	sst s3  }
0xc: {  	[smem:$0x3FB0] =	sst s4  }
0xd: {  	[smem:$0x3FB1] =	sst s5  }
0xe: {  	[smem:$0x3FB2] =	sst s6  }
0xf: {  	[smem:$0x3FB3] =	sst s7  }
0x10: {  	[smem:$0x3FB4] =	sst s8  }
0x11: {  	[smem:$0x3FB5] =	sst s9;
	s0 =	simm.s32 @!p0 $0x0  }
0x12: {  	s1 =	sld [smem:$0x3F9B];
	s0 =	simm.s32 @p0 $0x1  }
0x13: {  	[smem:$0x3FB6] =	sst s0;
	s0 =	simm.s32 @!p1 $0x0  }
0x14: {  	s2 =	sld [smem:$0x3F9A];
	s0 =	simm.s32 @p1 $0x1  }
0x15: {  	[smem:$0x3FB7] =	sst s0;
	s0 =	simm.s32 @!p2 $0x0  }
0x16: {  	s3 =	sld [smem:$0x3FDB];
	s0 =	simm.s32 @p2 $0x1  }
0x17: {  	s4 =	simm.s32 $0x1BF5;
	[smem:$0x3FB9] =	sst s0  }
0x18: {  	s0 =	sld [smem:$0x3F9C];
	_ =	swait.ge [sflag:s4], $0x0  }
0x19: {  	s7 =	sld [smem:$0x3F9D]  }
0x1a: {  	s8 =	sadd.s32 $0xFFFFE003, lr  }
0x1b: {  	s9 =	sadd.s32 $0xFFFFFEF7, lr;
	s5 =	simm.s32 $0xFFFFFFFF;
	p2 =	slt.u32 s8, $0xFFFFF086  }
0x1c: {  	p1 =	slt.u32 s9, $0xF7A;
	s5 =	simm.s32 @!p2 $0x0  }
0x1d: {  	s5 =	simm.s32 @p1 $0x1;
	p0 =	seq.s32 s7, s2  }
0x1e: {  	s7 =	smul.u32 @!p0 $0xF7A, s2;
	p2 =	seq.s32 @!p0 s5, $0x0  }
0x1f: {  	s9 =	smul.u32 $0xF7A, s1;
	s8 =	simm.s32 @!p0 $0x1BF5;
	p2 =	por !p2, p0  }
0x20: {  	[sflag:s8] =	ssyncset.s32 @!p0 $0xFFFFF086;
	s6 =	sadd.s32 @!p0 s3, s7;
	s7 =	simm.s32 @!p0 $0x108  }
0x21: {  	s3 =	sadd.s32 s3, s9;
	s6 =	sadd.s32 @!p0 $0x88, s6;
	s7 =	simm.s32 @p2 $0x1082  }
0x22: {  	[simem:s7], [sflag:s8] =	dma.local @!p0 [hbm:s6], $0xF7A  }
0x23: {  	s9 =	sor.u32 $0xD0000000, s2;
	s6 =	simm.s32 $0x108;
	_ =	swait.ge @!p0 [sflag:s8], $0x0  }
0x24: {  	s3 =	sadd.s32 $0x88, s3;
	s6 =	simm.s32 @!p1 $0x1082;
	[sflag:s4] =	ssyncset.s32 $0xFFFFF086  }
0x25: {  	[simem:s6], [sflag:s4] =	dma.local [hbm:s3], $0xF7A  }
0x26: {  	[smem:$0x3F9D] =	sst s1;
	(tag) =	ssettag s2;
	_ =	strace s9  }
0x27: {  	s1 =	sld [smem:$0x3FAD]  }
0x28: {  	s2 =	sld [smem:$0x3FAE]  }
0x29: {  	s4 =	sld [smem:$0x3FB0]  }
0x2a: {  	p0 =	seq.s32 s5, $0x0;
	s5 =	sld [smem:$0x3FB1]  }
0x2b: {  	s6 =	sld [smem:$0x3FB2]  }
0x2c: {  	s7 =	sld [smem:$0x3FB3]  }
0x2d: {  	s3 =	simm.s32 $0x108;
	s8 =	sld [smem:$0x3FB4]  }
0x2e: {  	s3 =	simm.s32 @!p0 $0x1082;
	s9 =	sld [smem:$0x3FB5]  }
0x2f: {  	lr =	sadd.s32 s0, s3;
	s0 =	sld [smem:$0x3FAC]  }
0x30: {  	s3 =	sld [smem:$0x3FAF]  }
0x31: {  	[smem:$0x3FB8] =	sst s10  }
0x32: {  	s10 =	sld [smem:$0x3FB6];
	_ =	sdelay $0x3  }
0x33: {  	p0 =	seq.s32 s10, $0x1;
	s10 =	sld [smem:$0x3FB8];
	_ =	sdelay $0x3  }
0x34: {  	[smem:$0x3FB8] =	sst s10  }
0x35: {  	s10 =	sld [smem:$0x3FB7];
	_ =	sdelay $0x3  }
0x36: {  	p1 =	seq.s32 s10, $0x1;
	s10 =	sld [smem:$0x3FB8];
	_ =	sdelay $0x3  }
0x37: {  	[smem:$0x3FB8] =	sst s10  }
0x38: {  	s10 =	sld [smem:$0x3FB9]  }
0x39: {  	_ = 	snop;
	(pc) =	sbr.ind lr, $3  }
0x3a: {  	_ = 	snop  }
0x3b: {  	_ = 	snop  }
0x3c: {  	p2 =	seq.s32 s10, $0x1;
	s10 =	sld [smem:$0x3FB8]  }
0x3d: {  	_ =	shalt  }
0x3e: {  	_ =	shalt  }
0x3f: {  	_ =	shalt  }
0x40: {  	_ =	shalt  }
0x41: {  	_ =	shalt  }
0x42: {  	_ =	shalt  }
0x43: {  	_ =	shalt  }
0x44: {  	_ =	shalt  }
0x45: {  	_ =	shalt  }
0x46: {  	_ =	shalt  }
0x47: {  	_ =	shalt  }
0x48: {  	_ =	shalt  }
0x49: {  	_ =	shalt  }
0x4a: {  	_ =	shalt  }
0x4b: {  	_ =	shalt  }
0x4c: {  	_ =	shalt  }
0x4d: {  	_ =	shalt  }
0x4e: {  	_ =	shalt  }
0x4f: {  	_ =	shalt  }
0x50: {  	_ =	shalt  }
0x51: {  	_ =	shalt  }
0x52: {  	_ =	shalt  }
0x53: {  	_ =	shalt  }
0x54: {  	_ =	shalt  }
0x55: {  	_ =	shalt  }
0x56: {  	_ =	shalt  }
0x57: {  	_ =	shalt  }
0x58: {  	_ =	shalt  }
0x59: {  	_ =	shalt  }
0x5a: {  	_ =	shalt  }
0x5b: {  	_ =	shalt  }
0x5c: {  	_ =	shalt  }
0x5d: {  	_ =	shalt  }
0x5e: {  	_ =	shalt  }
0x5f: {  	_ =	shalt  }
0x60: {  	_ =	shalt  }
0x61: {  	_ =	shalt  }
0x62: {  	_ =	shalt  }
0x63: {  	_ =	shalt  }
0x64: {  	_ =	shalt  }
0x65: {  	_ =	shalt  }
0x66: {  	_ =	shalt  }
0x67: {  	_ =	shalt  }
0x68: {  	_ =	shalt  }
0x69: {  	_ =	shalt  }
0x6a: {  	_ =	shalt  }
0x6b: {  	_ =	shalt  }
0x6c: {  	_ =	shalt  }
0x6d: {  	_ =	shalt  }
0x6e: {  	_ =	shalt  }
0x6f: {  	_ =	shalt  }
0x70: {  	_ =	shalt  }
0x71: {  	_ =	shalt  }
0x72: {  	_ =	shalt  }
0x73: {  	_ =	shalt  }
0x74: {  	_ =	shalt  }
0x75: {  	_ =	shalt  }
0x76: {  	_ =	shalt  }
0x77: {  	_ =	shalt  }
0x78: {  	_ =	shalt  }
0x79: {  	_ =	shalt  }
0x7a: {  	_ =	shalt  }
0x7b: {  	_ =	shalt  }
0x7c: {  	_ =	shalt  }
0x7d: {  	_ =	shalt  }
0x7e: {  	_ =	shalt  }
0x7f: {  	_ =	shalt  }
0x80: {  	_ =	shalt  }
0x81: {  	_ =	shalt  }
0x82: {  	_ =	shalt  }
0x83: {  	_ =	shalt  }
0x84: {  	_ =	shalt  }
0x85: {  	_ =	shalt  }
0x86: {  	_ =	shalt  }
0x87: {  	_ =	shalt  }
.Lfunc_end0:
.L_simem_size_0:
called_computation.1_lowered:
.L_overlay_start_0:
0x88: {  	s2 =	sld [smem:$0x3FD9]  }
0x89: {  	s3 =	sld [smem:$0x3FFE];
	_ =	sdelay $0x1  }
0x8a: {  	s1 =	srdreg.scid  }
0x8b: {  	s0 =	sand.u32 $0x1, s1  }
0x8c: {  	s17 =	sshll.u32 s0, $0xA;
	s2 =	sadd.s32 s3, s2  }
0x8d: {  	s2 =	sadd.s32 s2, s17  }
0x8e: {  	[smem:$0x3FC4] =	sst s2  }
0x8f: {  	_ = 	snop  }
0x90: {  	s2 =	sld [smem:$0x3FD0];
	(tm) =	ssettm $0x1  }
0x91: {  	s18 =	sld [smem:$0x3FFB];
	_ =	sdelay $0x3  }
0x92: {  	_ =	strace s18  }
0x93: {  	s3 =	sld [smem:$0x3FFC];
	_ =	sdelay $0x3  }
0x94: {  	_ =	strace s3  }
0x95: {  	s3 =	sld [smem:$0x3FFD];
	_ =	sdelay $0x3  }
0x96: {  	_ =	strace s3  }
0x97: {  	_ =	strace $0x8FFFFFFF  }
0x98: {  	s19 =	sld [smem:$0x3FDB];
	_ =	sdelay $0x1  }
0x99: {  	s4 =	simm.s32 $_scs_section_size  }
0x9a: {  	s5 =	simm.s32 $_size__tile_overlayer_lowered;
	s6 =	simm.s32 $_tile_overlayer_lowered  }
0x9b: {  	s22 =	simm.s32 $0x1BFF;
	s21 =	sshll.u32 s6, $0x1;
	s3 =	sadd.s32 s4, s19  }
0x9c: {  	s7 =	simm.s32 $0x0;
	s20 =	sshll.u32 s5, $0x1;
	s5 =	sadd.s32 s21, s3  }
0x9d: {  	[timem:s7], [sflag:s22] =	dma.local [hbm:s5], s20  }
0x9e: {  	_ =	swait.ge [sflag:s22], s20  }
0x9f: {  	s4 =	ssub.s32 $0x0, s20;
	[sflag:s22] =	ssyncset.done $0x0  }
0xa0: {  	[sflag:s22] =	ssyncadd.s32 s4;
	_ =	sdelay $0x1  }
0xa1: {  	s23 =	simm.s32 $0x1B8B  }
0xa2: {  	_ =	swait.ge [sflag:s23], $0x1  }
0xa3: {  	[sflag:s23] =	ssyncset.done $0x0  }
0xa4: {  	s25 =	simm.s32 $0x1B8E;
	s24 =	sld [smem:$0x3FFE];
	[sflag:s23] =	ssyncadd.s32 $0xFFFFFFFF  }
0xa5: {  	s26 =	simm.s32 $execute0_lowered;
	[smem:$0x3FD2] =	sst s25  }
0xa6: {  	s5 =	sshll.u32 s26, $0x1;
	_ =	strace $0x80000049;
	[dreg:$0x1] =	wrdreg $0xFFFFFFFF  }
0xa7: {  	s28 =	simm.s32 $_size_execute0_lowered;
	s3 =	sadd.s32 s3, s5;
	[dreg:$0x0] =	wrdreg $0x0  }
0xa8: {  	s5 =	sshll.u32 s28, $0x1;
	[dreg:$0x2] =	wrdreg s3  }
0xa9: {  	[dreg:$0x3] =	wrdreg s5  }
0xaa: {  	[dreg:$0x4] =	wrdreg $0xC0  }
0xab: {  	_ =	task [dreg:s7], $0x5FFFF  }
0xac: {  	[dreg:$0x1] =	wrdreg $0xFFFFFFFF  }
0xad: {  	[dreg:$0x0] =	wrdreg $0x60  }
0xae: {  	[dreg:$0x2] =	wrdreg s2  }
0xaf: {  	[dreg:$0x3] =	wrdreg s24  }
0xb0: {  	[dreg:$0x4] =	wrdreg $0xD1600  }
0xb1: {  	[dreg:$0x5] =	wrdreg $0x9  }
0xb2: {  	_ =	task.clear_ibuf [dreg:s7], $0x6FFFF;
	_ =	strace $0x90000049  }
0xb3: {  	s29 =	simm.s32 $0x9;
	_ =	strace $0x8000004B  }
0xb4: {  	_ =	swait.ge [sflag:s29], $0x1  }
0xb5: {  	[sflag:s29] =	ssyncadd.s32 $0xFFFFFFFF  }
0xb6: {  	_ =	strace $0x9000004B  }
0xb7: {  	_ =	sfence  }
0xb8: {  	s30 =	sld [smem:$0x0];
	_ =	sdelay $0x2  }
0xb9: {  	s31 =	sshll.u32 s1, $0xD;
	s1 =	sshrl.u32 s1, $0x2  }
0xba: {  	s3 =	sand.u32 $0x4000, s31;
	s1 =	sadd.s32 s1, s30  }
0xbb: {  	s0 =	sor.u32 s3, s0;
	s1 =	sshll.u32 s1, $0x11  }
0xbc: {  	s0 =	sor.u32 s1, s0  }
0xbd: {  	s0 =	sadd.s32 $0x8F2B, s0  }
0xbe: {  	[sflag:s0] =	ssyncadd.remote.s32 $0x1  }
0xbf: {  	_ =	sfence.sel $0xFFFF  }
0xc0: {  	[dreg:$0x0] =	wrdreg $0xFFFFFFFF;
	(pc) =	sbr.abs _section_cstart, $3  }
0xc1: {  	[dreg:$0x1] =	wrdreg $0xFFFFFFFF  }
0xc2: {  	_ =	task.clear_ibuf [dreg:s7], $0x2FFFF;
	_ =	strace $0x9FFFFFFF  }
0xc3: {  	(tm) =	ssettm $0x7FFFFFFF  }
tec
execute0_lowered:
.L_overlay_start_1:
0x0: {  	(tag) =	ssettag $0x1  }
0x1: {  	s0 =	rddreg [dreg:$0x0]  }
0x2: {  	s2 =	rddreg [dreg:$0x1]  }
0x3: {  	s1 =	rddreg [dreg:$0x2];
	s3 =	simm.s32 $0x0;
	s4 =	srdreg.scid  }
0x4: {  	s8 =	stileid.u32;
	s28 =	simm.s32 $0x2;
	s31 =	simm.s32 $0x8A20  }
0x5: {  	s29 =	simm.s32 $0x9E20;
	s30 =	simm.s32 $0x4;
	[smem:$0x7FF] =	sst s3  }
0x6: {  	s7 =	sand.u32 $0x1, s4;
	s4 =	sadd.s32 $0x76E00, s2;
	s10 =	smul.u32 $0x9C40, s8  }
0x7: {  	s2 =	sadd.s32 $0x8A800, s2;
	s8 =	sshll.u32 s8, $0x1;
	_ =	strace $0x8000004A  }
0x8: {  	s5 =	ssub.s32 $0x2, s7;
	s8 =	sor.u32 s7, s8;
	s16 =	smul.u32 $0x9C400, s7  }
0x9: {  	s6 =	sshrl.u32 s5, $0x1;
	s12 =	sadd.s32 $0x1F40, s10;
	s13 =	smul.u32 $0x2710, s8  }
0xa: {  	s14 =	sadd.s32 $0x3E80, s10;
	s15 =	sadd.s32 $0x5DC0, s10;
	s17 =	sadd.s32 $0x7D00, s10  }
0xb: {  	s11 =	ssub.s32 s5, s6;
	s5 =	sadd.s32 s10, s1;
	s6 =	sadd.s32 s12, s1  }
0xc: {  	s7 =	sadd.s32 s14, s1;
	s8 =	sadd.s32 s15, s1;
	s9 =	sadd.s32 s17, s1  }
0xd: {  	s10 =	sadd.s32 s10, s16;
	s18 =	sadd.s32 s16, s12;
	s21 =	sadd.s32 s16, s14  }
0xe: {  	s22 =	sadd.s32 s16, s15;
	s23 =	sadd.s32 s16, s17;
	s12 =	simm.s32 $0x8  }
0xf: {  	s14 =	simm.s32 $0xA;
	s13 =	sshrl.u32 s13, $0x3;
	s10 =	sshrl.u32 s10, $0x3  }
0x10: {  	s20 =	sshrl.u32 s18, $0x3;
	s25 =	sshrl.u32 s23, $0x3;
	s26 =	smax.u32 s11, $0x1  }
0x11: {  	s18 =	simm.s32 $0xB220;
	s23 =	simm.s32 $0x6220;
	s11 =	simm.s32 $0x7  }
0x12: {  	s13 =	sadd.s32 s0, s13;
	s0 =	sadd.s32 s2, s10;
	[dreg:$0xb] =	wrdreg s26  }
0x13: {  	s10 =	sshrl.u32 s22, $0x3;
	s22 =	simm.s32 $0x4E20;
	[dreg:$0x4] =	wrdreg s13  }
0x14: {  	s26 =	simm.s32 $0x7620;
	s19 =	sadd.s32 $0x9C40, s13;
	[dreg:$0x6] =	wrdreg s0  }
0x15: {  	s0 =	sadd.s32 s2, s20;
	s24 =	sadd.s32 s2, s10;
	[dreg:$0x5] =	wrdreg s19  }
0x16: {  	s13 =	simm.s32 $0x9;
	s10 =	simm.s32 $0x0;
	[dreg:$0x7] =	wrdreg s0  }
0x17: {  	s0 =	sshrl.u32 s21, $0x3;
	[dreg:$0x9] =	wrdreg s24;
	s19 =	simm.s32 $0xB  }
0x18: {  	s21 =	simm.s32 $0x50;
	s24 =	simm.s32 $0x1;
	s0 =	sadd.s32 s2, s0  }
0x19: {  	[dreg:$0x8] =	wrdreg s0;
	s0 =	sadd.s32 s2, s25;
	s25 =	simm.s32 $0x6  }
0x1a: {  	v0 =	vimm.f32 $0.0e+00;
	s2 =	simm.s32 $0x5;
	[dreg:$0xa] =	wrdreg s0;
	s0 =	simm.s32 $0x3  }
.LBB2_1:
0x1b: {  	s15 =	sand.u32 $0x7F00, s3  }
0x1c: {  	s16 =	sand.u32 $0x30, s3;
	s20 =	sshrl.u32 s15, $0x2  }
0x1d: {  	s15 =	simm.s32 $0x40;
	s16 =	sor.u32 s16, s20;
	s20 =	simm.s32 $0x0  }
.LBB2_2:
0x1e: {  	p0 =	sne.s32 s15, $0x7CC0  }
0x1f: {  	[tilespmem:s16+$0xB220] =	vst v0;
	s20 =	sadd.s32 $0x10, s20;
	s16 =	smov.u32 s15;
	s15 =	sadd.s32 $0x40, s15  }
.Ltmp0:
0x20: {  	(pc) =	sbr.rel @p0 .LBB2_2-.Ltmp0, $4  }
0x21: {  	_ = 	snop  }
0x22: {  	s16 =	sand.u32 $0x7F00, s16  }
0x23: {  	s17 =	sand.u32 $0x30, s20;
	s16 =	sshrl.u32 s16, $0x2  }
0x24: {  	s16 =	sor.u32 s17, s16  }
0x25: {  	[tilespmem:s16+$0xB220] =	vst v0  }
0x26: {  	[spmem:s5] =	stream.linear.scatter [tilespmem:s18], [sflag:$0xB], $0x1F40, $0x38;
	[tilespmem:$0x16DA0] =	vst v63  }
0x27: {  	_ =	swait.ge [sflag:s19], $0x1F40  }
0x28: {  	[sflag:s19] =	ssyncset.done $0x0  }
0x29: {  	[sflag:s19] =	ssyncadd.s32 $0xFFFFE0C0  }
0x2a: {  	[spmem:s6] =	stream.linear.scatter [tilespmem:s18], [sflag:$0xB], $0x1F40, $0x38;
	[tilespmem:$0x16DA0] =	vst v63  }
0x2b: {  	_ =	swait.ge [sflag:s19], $0x1F40  }
0x2c: {  	[sflag:s19] =	ssyncset.done $0x0  }
0x2d: {  	[sflag:s19] =	ssyncadd.s32 $0xFFFFE0C0  }
0x2e: {  	[spmem:s7] =	stream.linear.scatter [tilespmem:s18], [sflag:$0xB], $0x1F40, $0x38;
	[tilespmem:$0x16DA0] =	vst v63  }
0x2f: {  	_ =	swait.ge [sflag:s19], $0x1F40  }
0x30: {  	[sflag:s19] =	ssyncset.done $0x0  }
0x31: {  	[sflag:s19] =	ssyncadd.s32 $0xFFFFE0C0  }
0x32: {  	[spmem:s8] =	stream.linear.scatter [tilespmem:s18], [sflag:$0xB], $0x1F40, $0x38;
	[tilespmem:$0x16DA0] =	vst v63  }
0x33: {  	_ =	swait.ge [sflag:s19], $0x1F40  }
0x34: {  	[sflag:s19] =	ssyncset.done $0x0  }
0x35: {  	[sflag:s19] =	ssyncadd.s32 $0xFFFFE0C0  }
0x36: {  	[spmem:s9] =	stream.linear.scatter [tilespmem:s18], [sflag:$0xB], $0x1F40, $0x38;
	[tilespmem:$0x16DA0] =	vst v63  }
0x37: {  	_ =	swait.ge [sflag:s19], $0x1F40  }
0x38: {  	[sflag:s19] =	ssyncset.done $0x0  }
0x39: {  	s15 =	simm.s32 $0x0;
	s17 =	rddreg [dreg:$0x4];
	[sflag:s19] =	ssyncadd.s32 $0xFFFFE0C0  }
0x3a: {  	[tilespmem:s15], [sflag:$0xB] =	stream.linear.gather [hbm4b:s17+s15], $0x2710, $0x38;
	[tilespmem:$0x16DA0] =	vst v63  }
0x3b: {  	_ =	swait.ge [sflag:s19], $0x2710  }
0x3c: {  	[sflag:s19] =	ssyncset.done $0x0  }
0x3d: {  	s17 =	simm.s32 $0x2710;
	s20 =	rddreg [dreg:$0x5];
	[sflag:s19] =	ssyncadd.s32 $0xFFFFD8F0  }
0x3e: {  	[tilespmem:s17], [sflag:$0xB] =	stream.linear.gather [hbm4b:s20+s15], $0x2710, $0x38;
	[tilespmem:$0x16DA0] =	vst v63  }
0x3f: {  	_ =	swait.ge [sflag:s19], $0x2710  }
0x40: {  	[sflag:s19] =	ssyncset.done $0x0  }
0x41: {  	[sflag:s19] =	ssyncadd.s32 $0xFFFFD8F0  }
0x42: {  	[bflag:$0x0] =	sbarrier.arrive $0xFFFF  }
0x43: {  	[tilespmem:s22], [sflag:$0x1] =	stream.indirect.gather [hbm4b:s4+s21], $0x40, s15, s21, $0xb8;
	[tilespmem:$0x16DA0] =	vst v63  }
0x44: {  	_ = 	snop  }
0x45: {  	[tilespmem:s23], [sflag:$0x2] =	stream.indirect.gather [hbm4b:s4+s21], $0x40, s21, s21, $0xb8;
	[tilespmem:$0x16DA0] =	vst v63  }
0x46: {  	_ =	swait.ge [sflag:s24], $0x1400  }
0x47: {  	[sflag:s24] =	ssyncset.done $0x0  }
0x48: {  	[sflag:s24] =	ssyncadd.s32 $0xFFFFEC00  }
0x49: {  	[spmem:s1] =	stream.indirect.scatter.add.f32 [tilespmem:s22], [sflag:$0x6], $0x40, s17, s21, $0xb8;
	[tilespmem:$0x16DA0] =	vst v63  }
0x4a: {  	s16 =	simm.s32 $0xA0  }
0x4b: {  	[tilespmem:s26], [sflag:$0x3] =	stream.indirect.gather [hbm4b:s4+s21], $0x40, s16, s21, $0xb8;
	[tilespmem:$0x16DA0] =	vst v63  }
0x4c: {  	_ =	swait.ge [sflag:s28], $0x1400  }
0x4d: {  	[sflag:s28] =	ssyncset.done $0x0  }
0x4e: {  	s17 =	simm.s32 $0x2760;
	[sflag:s28] =	ssyncadd.s32 $0xFFFFEC00  }
0x4f: {  	[spmem:s1] =	stream.indirect.scatter.add.f32 [tilespmem:s23], [sflag:$0x7], $0x40, s17, s21, $0xb8;
	[tilespmem:$0x16DA0] =	vst v63  }
0x50: {  	s20 =	simm.s32 $0xF0  }
0x51: {  	[tilespmem:s31], [sflag:$0x4] =	stream.indirect.gather [hbm4b:s4+s21], $0x40, s20, s21, $0xb8;
	[tilespmem:$0x16DA0] =	vst v63  }
0x52: {  	_ =	swait.ge [sflag:s0], $0x1400  }
0x53: {  	[sflag:s0] =	ssyncset.done $0x0  }
0x54: {  	s16 =	simm.s32 $0x27B0;
	[sflag:s0] =	ssyncadd.s32 $0xFFFFEC00  }
0x55: {  	[spmem:s1] =	stream.indirect.scatter.add.f32 [tilespmem:s26], [sflag:$0x8], $0x40, s16, s21, $0xb8;
	[tilespmem:$0x16DA0] =	vst v63  }
0x56: {  	s17 =	simm.s32 $0x140  }
0x57: {  	[tilespmem:s29], [sflag:$0x5] =	stream.indirect.gather [hbm4b:s4+s21], $0x40, s17, s21, $0xb8;
	[tilespmem:$0x16DA0] =	vst v63  }
0x58: {  	_ =	swait.ge [sflag:s30], $0x1400  }
0x59: {  	[sflag:s30] =	ssyncset.done $0x0  }
0x5a: {  	s20 =	simm.s32 $0x2800;
	[sflag:s30] =	ssyncadd.s32 $0xFFFFEC00  }
0x5b: {  	[spmem:s1] =	stream.indirect.scatter.add.f32 [tilespmem:s31], [sflag:$0x9], $0x40, s20, s21, $0xb8;
	[tilespmem:$0x16DA0] =	vst v63  }
0x5c: {  	_ =	swait.ge [sflag:s25], $0x1400  }
0x5d: {  	[sflag:s25] =	ssyncset.done $0x0  }
0x5e: {  	s16 =	simm.s32 $0x190;
	[sflag:s25] =	ssyncadd.s32 $0xFFFFEC00  }
0x5f: {  	[tilespmem:s22], [sflag:$0x1] =	stream.indirect.gather [hbm4b:s4+s21], $0x40, s16, s21, $0xb8;
	[tilespmem:$0x16DA0] =	vst v63  }
0x60: {  	_ =	swait.ge [sflag:s2], $0x1400  }
0x61: {  	[sflag:s2] =	ssyncset.done $0x0  }
0x62: {  	s17 =	simm.s32 $0x2850;
	[sflag:s2] =	ssyncadd.s32 $0xFFFFEC00  }
0x63: {  	[spmem:s1] =	stream.indirect.scatter.add.f32 [tilespmem:s29], [sflag:$0xA], $0x40, s17, s21, $0xb8;
	[tilespmem:$0x16DA0] =	vst v63  }
0x64: {  	_ =	swait.ge [sflag:s11], $0x1400  }
0x65: {  	[sflag:s11] =	ssyncset.done $0x0  }
0x66: {  	s20 =	simm.s32 $0x1E0;
	[sflag:s11] =	ssyncadd.s32 $0xFFFFEC00  }
0x67: {  	[tilespmem:s23], [sflag:$0x2] =	stream.indirect.gather [hbm4b:s4+s21], $0x40, s20, s21, $0xb8;
	[tilespmem:$0x16DA0] =	vst v63  }
0x68: {  	_ =	swait.ge [sflag:s24], $0x1400  }
0x69: {  	[sflag:s24] =	ssyncset.done $0x0  }
0x6a: {  	s16 =	simm.s32 $0x28A0;
	[sflag:s24] =	ssyncadd.s32 $0xFFFFEC00  }
0x6b: {  	[spmem:s1] =	stream.indirect.scatter.add.f32 [tilespmem:s22], [sflag:$0x6], $0x40, s16, s21, $0xb8;
	[tilespmem:$0x16DA0] =	vst v63  }
0x6c: {  	_ =	swait.ge [sflag:s12], $0x1400  }
0x6d: {  	[sflag:s12] =	ssyncset.done $0x0  }
0x6e: {  	s17 =	simm.s32 $0x230;
	[sflag:s12] =	ssyncadd.s32 $0xFFFFEC00  }
0x6f: {  	[tilespmem:s26], [sflag:$0x3] =	stream.indirect.gather [hbm4b:s4+s21], $0x40, s17, s21, $0xb8;
	[tilespmem:$0x16DA0] =	vst v63  }
0x70: {  	_ =	swait.ge [sflag:s28], $0x1400  }
0x71: {  	[sflag:s28] =	ssyncset.done $0x0  }
0x72: {  	s20 =	simm.s32 $0x28F0;
	[sflag:s28] =	ssyncadd.s32 $0xFFFFEC00  }
0x73: {  	[spmem:s1] =	stream.indirect.scatter.add.f32 [tilespmem:s23], [sflag:$0x7], $0x40, s20, s21, $0xb8;
	[tilespmem:$0x16DA0] =	vst v63  }
0x74: {  	_ =	swait.ge [sflag:s13], $0x1400  }
0x75: {  	[sflag:s13] =	ssyncset.done $0x0  }
0x76: {  	s16 =	simm.s32 $0x280;
	[sflag:s13] =	ssyncadd.s32 $0xFFFFEC00  }
0x77: {  	[tilespmem:s31], [sflag:$0x4] =	stream.indirect.gather [hbm4b:s4+s21], $0x40, s16, s21, $0xb8;
	[tilespmem:$0x16DA0] =	vst v63  }
0x78: {  	_ =	swait.ge [sflag:s0], $0x1400  }
0x79: {  	[sflag:s0] =	ssyncset.done $0x0  }
0x7a: {  	s17 =	simm.s32 $0x2940;
	[sflag:s0] =	ssyncadd.s32 $0xFFFFEC00  }
0x7b: {  	[spmem:s1] =	stream.indirect.scatter.add.f32 [tilespmem:s26], [sflag:$0x8], $0x40, s17, s21, $0xb8;
	[tilespmem:$0x16DA0] =	vst v63  }
0x7c: {  	_ =	swait.ge [sflag:s14], $0x1400  }
0x7d: {  	[sflag:s14] =	ssyncset.done $0x0  }
0x7e: {  	s20 =	simm.s32 $0x2D0;
	[sflag:s14] =	ssyncadd.s32 $0xFFFFEC00  }
0x7f: {  	[tilespmem:s29], [sflag:$0x5] =	stream.indirect.gather [hbm4b:s4+s21], $0x40, s20, s21, $0xb8;
	[tilespmem:$0x16DA0] =	vst v63  }
0x80: {  	_ =	swait.ge [sflag:s30], $0x1400  }
0x81: {  	[sflag:s30] =	ssyncset.done $0x0  }
0x82: {  	s16 =	simm.s32 $0x2990;
	[sflag:s30] =	ssyncadd.s32 $0xFFFFEC00  }
0x83: {  	[spmem:s1] =	stream.indirect.scatter.add.f32 [tilespmem:s31], [sflag:$0x9], $0x40, s16, s21, $0xb8;
	[tilespmem:$0x16DA0] =	vst v63  }
0x84: {  	_ =	swait.ge [sflag:s25], $0x1400  }
0x85: {  	[sflag:s25] =	ssyncset.done $0x0  }
0x86: {  	s17 =	simm.s32 $0x320;
	[sflag:s25] =	ssyncadd.s32 $0xFFFFEC00  }
0x87: {  	[tilespmem:s22], [sflag:$0x1] =	stream.indirect.gather [hbm4b:s4+s21], $0x40, s17, s21, $0xb8;
	[tilespmem:$0x16DA0] =	vst v63  }
0x88: {  	_ =	swait.ge [sflag:s2], $0x1400  }
0x89: {  	[sflag:s2] =	ssyncset.done $0x0  }
0x8a: {  	s20 =	simm.s32 $0x29E0;
	[sflag:s2] =	ssyncadd.s32 $0xFFFFEC00  }
0x8b: {  	[spmem:s1] =	stream.indirect.scatter.add.f32 [tilespmem:s29], [sflag:$0xA], $0x40, s20, s21, $0xb8;
	[tilespmem:$0x16DA0] =	vst v63  }
0x8c: {  	_ =	swait.ge [sflag:s11], $0x1400  }
0x8d: {  	[sflag:s11] =	ssyncset.done $0x0  }
0x8e: {  	s15 =	simm.s32 $0x370;
	s20 =	simm.s32 $0x640;
	[sflag:s11] =	ssyncadd.s32 $0xFFFFEC00  }
.LBB2_4:
0x8f: {  	[tilespmem:s23], [sflag:$0x2] =	stream.indirect.gather [hbm4b:s4+s21], $0x40, s15, s21, $0xb8;
	[tilespmem:$0x16DA0] =	vst v63  }
0x90: {  	s15 =	smov.u32 s20  }
0x91: {  	p0 =	sne.s32 s20, $0x8980;
	s20 =	sadd.s32 $0x640, s20;
	_ =	swait.ge [sflag:s24], $0x1400  }
0x92: {  	s15 =	sshra.s32 s15, $0x2;
	[sflag:s24] =	ssyncset.done $0x0  }
0x93: {  	s16 =	sadd.s32 $0x28A0, s15;
	[sflag:s24] =	ssyncadd.s32 $0xFFFFEC00  }
0x94: {  	[spmem:s1] =	stream.indirect.scatter.add.f32 [tilespmem:s22], [sflag:$0x6], $0x40, s16, s21, $0xb8;
	[tilespmem:$0x16DA0] =	vst v63  }
0x95: {  	_ =	swait.ge [sflag:s12], $0x1400  }
0x96: {  	[sflag:s12] =	ssyncset.done $0x0  }
0x97: {  	s16 =	sadd.s32 $0x230, s15;
	[sflag:s12] =	ssyncadd.s32 $0xFFFFEC00  }
0x98: {  	[tilespmem:s26], [sflag:$0x3] =	stream.indirect.gather [hbm4b:s4+s21], $0x40, s16, s21, $0xb8;
	[tilespmem:$0x16DA0] =	vst v63  }
0x99: {  	_ =	swait.ge [sflag:s28], $0x1400  }
0x9a: {  	[sflag:s28] =	ssyncset.done $0x0  }
0x9b: {  	s16 =	sadd.s32 $0x28F0, s15;
	[sflag:s28] =	ssyncadd.s32 $0xFFFFEC00  }
0x9c: {  	[spmem:s1] =	stream.indirect.scatter.add.f32 [tilespmem:s23], [sflag:$0x7], $0x40, s16, s21, $0xb8;
	[tilespmem:$0x16DA0] =	vst v63  }
0x9d: {  	_ =	swait.ge [sflag:s13], $0x1400  }
0x9e: {  	[sflag:s13] =	ssyncset.done $0x0  }
0x9f: {  	s16 =	sadd.s32 $0x280, s15;
	[sflag:s13] =	ssyncadd.s32 $0xFFFFEC00  }
0xa0: {  	[tilespmem:s31], [sflag:$0x4] =	stream.indirect.gather [hbm4b:s4+s21], $0x40, s16, s21, $0xb8;
	[tilespmem:$0x16DA0] =	vst v63  }
0xa1: {  	_ =	swait.ge [sflag:s0], $0x1400  }
0xa2: {  	[sflag:s0] =	ssyncset.done $0x0  }
0xa3: {  	s16 =	sadd.s32 $0x2940, s15;
	[sflag:s0] =	ssyncadd.s32 $0xFFFFEC00  }
0xa4: {  	[spmem:s1] =	stream.indirect.scatter.add.f32 [tilespmem:s26], [sflag:$0x8], $0x40, s16, s21, $0xb8;
	[tilespmem:$0x16DA0] =	vst v63  }
0xa5: {  	_ =	swait.ge [sflag:s14], $0x1400  }
0xa6: {  	[sflag:s14] =	ssyncset.done $0x0  }
0xa7: {  	s16 =	sadd.s32 $0x2D0, s15;
	[sflag:s14] =	ssyncadd.s32 $0xFFFFEC00  }
0xa8: {  	[tilespmem:s29], [sflag:$0x5] =	stream.indirect.gather [hbm4b:s4+s21], $0x40, s16, s21, $0xb8;
	[tilespmem:$0x16DA0] =	vst v63  }
0xa9: {  	_ =	swait.ge [sflag:s30], $0x1400  }
0xaa: {  	[sflag:s30] =	ssyncset.done $0x0  }
0xab: {  	s16 =	sadd.s32 $0x2990, s15;
	[sflag:s30] =	ssyncadd.s32 $0xFFFFEC00  }
0xac: {  	[spmem:s1] =	stream.indirect.scatter.add.f32 [tilespmem:s31], [sflag:$0x9], $0x40, s16, s21, $0xb8;
	[tilespmem:$0x16DA0] =	vst v63  }
0xad: {  	_ =	swait.ge [sflag:s25], $0x1400  }
0xae: {  	[sflag:s25] =	ssyncset.done $0x0  }
0xaf: {  	s16 =	sadd.s32 $0x320, s15;
	[sflag:s25] =	ssyncadd.s32 $0xFFFFEC00  }
0xb0: {  	[tilespmem:s22], [sflag:$0x1] =	stream.indirect.gather [hbm4b:s4+s21], $0x40, s16, s21, $0xb8;
	[tilespmem:$0x16DA0] =	vst v63  }
0xb1: {  	_ =	swait.ge [sflag:s2], $0x1400  }
0xb2: {  	[sflag:s2] =	ssyncset.done $0x0  }
.Ltmp1:
0xb3: {  	s16 =	sadd.s32 $0x29E0, s15;
	[sflag:s2] =	ssyncadd.s32 $0xFFFFEC00;
	(pc) =	sbr.rel @p0 .LBB2_4-.Ltmp1, $4  }
0xb4: {  	[spmem:s1] =	stream.indirect.scatter.add.f32 [tilespmem:s29], [sflag:$0xA], $0x40, s16, s21, $0xb8;
	[tilespmem:$0x16DA0] =	vst v63  }
0xb5: {  	_ =	swait.ge [sflag:s11], $0x1400  }
0xb6: {  	[sflag:s11] =	ssyncset.done $0x0  }
0xb7: {  	s15 =	sadd.s32 $0x370, s15;
	[sflag:s11] =	ssyncadd.s32 $0xFFFFEC00  }
0xb8: {  	[tilespmem:s23], [sflag:$0x2] =	stream.indirect.gather [hbm4b:s4+s21], $0x40, s15, s21, $0xb8;
	[tilespmem:$0x16DA0] =	vst v63  }
0xb9: {  	_ =	swait.ge [sflag:s24], $0x1400  }
0xba: {  	[sflag:s24] =	ssyncset.done $0x0  }
0xbb: {  	s17 =	simm.s32 $0x4C90;
	[sflag:s24] =	ssyncadd.s32 $0xFFFFEC00  }
0xbc: {  	[spmem:s1] =	stream.indirect.scatter.add.f32 [tilespmem:s22], [sflag:$0x6], $0x40, s17, s21, $0xb8;
	[tilespmem:$0x16DA0] =	vst v63  }
0xbd: {  	_ =	swait.ge [sflag:s12], $0x1400  }
0xbe: {  	[sflag:s12] =	ssyncset.done $0x0  }
0xbf: {  	s20 =	simm.s32 $0x2620;
	[sflag:s12] =	ssyncadd.s32 $0xFFFFEC00  }
0xc0: {  	[tilespmem:s26], [sflag:$0x3] =	stream.indirect.gather [hbm4b:s4+s21], $0x40, s20, s21, $0xb8;
	[tilespmem:$0x16DA0] =	vst v63  }
0xc1: {  	_ =	swait.ge [sflag:s28], $0x1400  }
0xc2: {  	[sflag:s28] =	ssyncset.done $0x0  }
0xc3: {  	s16 =	simm.s32 $0x4CE0;
	[sflag:s28] =	ssyncadd.s32 $0xFFFFEC00  }
0xc4: {  	[spmem:s1] =	stream.indirect.scatter.add.f32 [tilespmem:s23], [sflag:$0x7], $0x40, s16, s21, $0xb8;
	[tilespmem:$0x16DA0] =	vst v63  }
0xc5: {  	_ =	swait.ge [sflag:s13], $0x1400  }
0xc6: {  	[sflag:s13] =	ssyncset.done $0x0  }
0xc7: {  	s17 =	simm.s32 $0x2670;
	[sflag:s13] =	ssyncadd.s32 $0xFFFFEC00  }
0xc8: {  	[tilespmem:s31], [sflag:$0x4] =	stream.indirect.gather [hbm4b:s4+s21], $0x40, s17, s21, $0xb8;
	[tilespmem:$0x16DA0] =	vst v63  }
0xc9: {  	_ =	swait.ge [sflag:s0], $0x1400  }
0xca: {  	[sflag:s0] =	ssyncset.done $0x0  }
0xcb: {  	s20 =	simm.s32 $0x4D30;
	[sflag:s0] =	ssyncadd.s32 $0xFFFFEC00  }
0xcc: {  	[spmem:s1] =	stream.indirect.scatter.add.f32 [tilespmem:s26], [sflag:$0x8], $0x40, s20, s21, $0xb8;
	[tilespmem:$0x16DA0] =	vst v63  }
0xcd: {  	_ =	swait.ge [sflag:s14], $0x1400  }
0xce: {  	[sflag:s14] =	ssyncset.done $0x0  }
0xcf: {  	s16 =	simm.s32 $0x26C0;
	[sflag:s14] =	ssyncadd.s32 $0xFFFFEC00  }
0xd0: {  	[tilespmem:s29], [sflag:$0x5] =	stream.indirect.gather [hbm4b:s4+s21], $0x40, s16, s21, $0xb8;
	[tilespmem:$0x16DA0] =	vst v63  }
0xd1: {  	_ =	swait.ge [sflag:s30], $0x1400  }
0xd2: {  	[sflag:s30] =	ssyncset.done $0x0  }
0xd3: {  	s17 =	simm.s32 $0x4D80;
	[sflag:s30] =	ssyncadd.s32 $0xFFFFEC00  }
0xd4: {  	[spmem:s1] =	stream.indirect.scatter.add.f32 [tilespmem:s31], [sflag:$0x9], $0x40, s17, s21, $0xb8;
	[tilespmem:$0x16DA0] =	vst v63  }
0xd5: {  	_ =	swait.ge [sflag:s25], $0x1400  }
0xd6: {  	[sflag:s25] =	ssyncset.done $0x0  }
0xd7: {  	[sflag:s25] =	ssyncadd.s32 $0xFFFFEC00  }
0xd8: {  	_ =	swait.ge [sflag:s2], $0x1400  }
0xd9: {  	[sflag:s2] =	ssyncset.done $0x0  }
0xda: {  	s20 =	simm.s32 $0x4DD0;
	[sflag:s2] =	ssyncadd.s32 $0xFFFFEC00  }
0xdb: {  	[spmem:s1] =	stream.indirect.scatter.add.f32 [tilespmem:s29], [sflag:$0xA], $0x40, s20, s21, $0xb8;
	[tilespmem:$0x16DA0] =	vst v63  }
0xdc: {  	_ =	swait.ge [sflag:s11], $0x1400  }
0xdd: {  	[sflag:s11] =	ssyncset.done $0x0  }
0xde: {  	[sflag:s11] =	ssyncadd.s32 $0xFFFFEC00  }
0xdf: {  	_ =	swait.ge [sflag:s12], $0x1400  }
0xe0: {  	[sflag:s12] =	ssyncset.done $0x0  }
0xe1: {  	[sflag:s12] =	ssyncadd.s32 $0xFFFFEC00  }
0xe2: {  	_ =	swait.ge [sflag:s13], $0x1400  }
0xe3: {  	[sflag:s13] =	ssyncset.done $0x0  }
0xe4: {  	[sflag:s13] =	ssyncadd.s32 $0xFFFFEC00  }
0xe5: {  	_ =	swait.ge [sflag:s14], $0x1400  }
0xe6: {  	[sflag:s14] =	ssyncset.done $0x0  }
0xe7: {  	[sflag:s14] =	ssyncadd.s32 $0xFFFFEC00  }
0xe8: {  	[bflag:$0x0] =	sbarrier.arrive $0xFFFF  }
0xe9: {  	[tilespmem:s18], [sflag:$0xB] =	stream.linear.gather [spmem:s5], $0x1F40, $0x38;
	[tilespmem:$0x16DA0] =	vst v63  }
0xea: {  	_ =	swait.ge [sflag:s19], $0x1F40  }
0xeb: {  	[sflag:s19] =	ssyncset.done $0x0  }
0xec: {  	s16 =	rddreg [dreg:$0x6];
	[sflag:s19] =	ssyncadd.s32 $0xFFFFE0C0  }
0xed: {  	[hbm4b:s16+s3] =	stream.linear.scatter [tilespmem:s18], [sflag:$0xB], $0x1F40, $0x38;
	[tilespmem:$0x16DA0] =	vst v63  }
0xee: {  	_ =	swait.ge [sflag:s19], $0x1F40  }
0xef: {  	[sflag:s19] =	ssyncset.done $0x0  }
0xf0: {  	[sflag:s19] =	ssyncadd.s32 $0xFFFFE0C0  }
0xf1: {  	[tilespmem:s18], [sflag:$0xB] =	stream.linear.gather [spmem:s6], $0x1F40, $0x38;
	[tilespmem:$0x16DA0] =	vst v63  }
0xf2: {  	_ =	swait.ge [sflag:s19], $0x1F40  }
0xf3: {  	[sflag:s19] =	ssyncset.done $0x0  }
0xf4: {  	s17 =	rddreg [dreg:$0x7];
	[sflag:s19] =	ssyncadd.s32 $0xFFFFE0C0  }
0xf5: {  	[hbm4b:s17+s3] =	stream.linear.scatter [tilespmem:s18], [sflag:$0xB], $0x1F40, $0x38;
	[tilespmem:$0x16DA0] =	vst v63  }
0xf6: {  	_ =	swait.ge [sflag:s19], $0x1F40  }
0xf7: {  	[sflag:s19] =	ssyncset.done $0x0  }
0xf8: {  	[sflag:s19] =	ssyncadd.s32 $0xFFFFE0C0  }
0xf9: {  	[tilespmem:s18], [sflag:$0xB] =	stream.linear.gather [spmem:s7], $0x1F40, $0x38;
	[tilespmem:$0x16DA0] =	vst v63  }
0xfa: {  	_ =	swait.ge [sflag:s19], $0x1F40  }
0xfb: {  	[sflag:s19] =	ssyncset.done $0x0  }
0xfc: {  	s20 =	rddreg [dreg:$0x8];
	[sflag:s19] =	ssyncadd.s32 $0xFFFFE0C0  }
0xfd: {  	[hbm4b:s20+s3] =	stream.linear.scatter [tilespmem:s18], [sflag:$0xB], $0x1F40, $0x38;
	[tilespmem:$0x16DA0] =	vst v63  }
0xfe: {  	_ =	swait.ge [sflag:s19], $0x1F40  }
0xff: {  	[sflag:s19] =	ssyncset.done $0x0  }
0x100: {  	[sflag:s19] =	ssyncadd.s32 $0xFFFFE0C0  }
0x101: {  	[tilespmem:s18], [sflag:$0xB] =	stream.linear.gather [spmem:s8], $0x1F40, $0x38;
	[tilespmem:$0x16DA0] =	vst v63  }
0x102: {  	_ =	swait.ge [sflag:s19], $0x1F40  }
0x103: {  	[sflag:s19] =	ssyncset.done $0x0  }
0x104: {  	s16 =	rddreg [dreg:$0x9];
	[sflag:s19] =	ssyncadd.s32 $0xFFFFE0C0  }
0x105: {  	[hbm4b:s16+s3] =	stream.linear.scatter [tilespmem:s18], [sflag:$0xB], $0x1F40, $0x38;
	[tilespmem:$0x16DA0] =	vst v63  }
0x106: {  	_ =	swait.ge [sflag:s19], $0x1F40  }
0x107: {  	[sflag:s19] =	ssyncset.done $0x0  }
0x108: {  	[sflag:s19] =	ssyncadd.s32 $0xFFFFE0C0  }
0x109: {  	[tilespmem:s18], [sflag:$0xB] =	stream.linear.gather [spmem:s9], $0x1F40, $0x38;
	[tilespmem:$0x16DA0] =	vst v63  }
0x10a: {  	_ =	swait.ge [sflag:s19], $0x1F40  }
0x10b: {  	[sflag:s19] =	ssyncset.done $0x0  }
0x10c: {  	s17 =	rddreg [dreg:$0xa];
	[sflag:s19] =	ssyncadd.s32 $0xFFFFE0C0  }
0x10d: {  	[hbm4b:s17+s3] =	stream.linear.scatter [tilespmem:s18], [sflag:$0xB], $0x1F40, $0x38;
	[tilespmem:$0x16DA0] =	vst v63  }
0x10e: {  	_ =	swait.ge [sflag:s19], $0x1F40  }
0x10f: {  	s10 =	sadd.s32 $0x1, s10;
	s20 =	rddreg [dreg:$0xb]  }
0x110: {  	p0 =	sne.s32 s10, s20  }
.Ltmp2:
0x111: {  	_ = 	snop;
	(pc) =	sbr.rel @p0 .LBB2_1-.Ltmp2, $3  }
0x112: {  	_ =	sdelay $0x1  }
0x113: {  	[sflag:s19] =	ssyncset.done $0x0  }
0x114: {  	[sflag:s19] =	ssyncadd.s32 $0xFFFFE0C0  }
0x115: {  	_ =	sfence.sel $0x180000  }
0x116: {  	[bflag:$0x0] =	sbarrier.arrive $0xFFFF  }
0x117: {  	_ =	strace $0x9000004A  }
0x118: {  	s0 =	stileid.u32;
	[bflag:$0x2] =	sbarrier.arrive $0xFFFF  }
0x119: {  	p0 =	sne.s32 s0, $0x0;
	s0 =	rddreg [dreg:$0x3]  }
0x11a: {  	s0 =	sadd.s32 @!p0 $0x100000, s0  }
0x11b: {  	[sflag:s0] =	ssyncadd.tile.s32 @!p0 $0x1;
	_ =	shalt  }
.Lfunc_end2:
_tile_overlayer_lowered:
.L_overlay_start_2:
0x11c: {  	(tag) =	ssettag $0x2  }
0x11d: {  	s0 =	rddreg [dreg:$0x0];
	s2 =	stileid.u32  }
0x11e: {  	s1 =	rddreg [dreg:$0x1];
	p0 =	sne.s32 s2, $0x0  }
0x11f: {  	s3 =	rddreg [dreg:$0x2];
	[bflag:$0x3] =	sbarrier.arrive $0xFFFF;
	s2 =	simm.s32 @!p0 $0x1C0B  }
0x120: {  	[timem:s3], [sflag:s2] =	dma.local @!p0 [hbm:s0], s1  }
0x121: {  	s0 =	simm.s32 @!p0 $0xB  }
0x122: {  	_ =	swait.ge @!p0 [sflag:s0], s1  }
0x123: {  	s1 =	ssub.s32 @!p0 $0x0, s1;
	[sflag:s0] =	ssyncset.done @!p0 $0x0  }
0x124: {  	[sflag:s0] =	ssyncadd.s32 @!p0 s1  }
0x125: {  	[bflag:$0x3] =	sbarrier.arrive $0xFFFF  }
0x126: {  	_ =	shalt  }

</sc_bundles>
